<compile_context>
chip_gen: v7x
topology: tpu7x:2x2x1
jax: 0.10.2.dev20260603
libtpu: 0.0.44.dev20260713+nightly
codegen_flags: <defaults>
</compile_context>

<pallas_src>
import functools

import jax
import jax.numpy as jnp
from jax import lax
from jax.experimental import pallas as pl
from jax.experimental.pallas import tpu as pltpu
from jax.experimental.pallas import tpu_sc as plsc

_B = 16384
_K = 50
_D = 16
_NC, _NS = 2, 16
_NW = _NC * _NS
_RPW = _B // _NW
_CH = 32
_NCHUNK = _RPW // _CH
_CKI = _CH * _K
_REGS = 1e-05


def _sc_body(user_h, pos_h, negs_h, uemb_h, iemb_h, diff_h, reg_h,
             uidx_v, pidx_v, urows_v, prows_v,
             nidx0_v, nidx1_v, nrows0_v, nrows1_v,
             diff_v, reg_v, semu, semp, sem0, sem1):
    wid = lax.axis_index("s") * _NC + lax.axis_index("c")
    base = wid * _RPW
    nbase = base * _K

    pltpu.sync_copy(user_h.at[pl.ds(base, _RPW)], uidx_v)
    pltpu.sync_copy(pos_h.at[pl.ds(base, _RPW)], pidx_v)
    pltpu.async_copy(uemb_h.at[uidx_v], urows_v, semu)
    pltpu.async_copy(iemb_h.at[pidx_v], prows_v, semp)

    pltpu.sync_copy(negs_h.at[pl.ds(nbase, _CKI)], nidx0_v)
    pltpu.async_copy(iemb_h.at[nidx0_v], nrows0_v, sem0)
    pltpu.sync_copy(negs_h.at[pl.ds(nbase + _CKI, _CKI)], nidx1_v)
    pltpu.async_copy(iemb_h.at[nidx1_v], nrows1_v, sem1)

    pltpu.make_async_copy(uemb_h.at[uidx_v], urows_v, semu).wait()
    pltpu.make_async_copy(iemb_h.at[pidx_v], prows_v, semp).wait()

    lanes = lax.iota(jnp.int32, 16)
    dcol = [jnp.full((16,), d, jnp.int32) for d in range(_D)]

    def compute_chunk(c, nrows_v):
        for g in range(_CH // 16):
            row0 = c * _CH + g * 16
            rows_vec = row0 + lanes
            u_t = [plsc.load_gather(urows_v, [rows_vec, dcol[d]])
                   for d in range(_D)]
            nvec = (g * 16 + lanes) * _K

            def kbody(k, carry):
                best, bestn = carry
                i0 = nvec + k
                acc = jnp.zeros((16,), jnp.float32)
                nrm = jnp.zeros((16,), jnp.float32)
                for d in range(_D):
                    v = plsc.load_gather(nrows_v, [i0, dcol[d]])
                    acc = acc + v * u_t[d]
                    nrm = nrm + v * v
                upd = acc > best
                best = jnp.where(upd, acc, best)
                bestn = jnp.where(upd, nrm, bestn)
                return best, bestn

            best, bestn = lax.fori_loop(
                0, _K, kbody,
                (jnp.full((16,), -jnp.inf, jnp.float32),
                 jnp.zeros((16,), jnp.float32)))

            pdot = jnp.zeros((16,), jnp.float32)
            pnrm = jnp.zeros((16,), jnp.float32)
            unrm = jnp.zeros((16,), jnp.float32)
            for d in range(_D):
                pv = plsc.load_gather(prows_v, [rows_vec, dcol[d]])
                pdot = pdot + pv * u_t[d]
                pnrm = pnrm + pv * pv
                unrm = unrm + u_t[d] * u_t[d]
            diff_v[pl.ds(row0, 16)] = pdot - best
            reg_v[pl.ds(row0, 16)] = unrm + pnrm + bestn

    def outer(i, carry):
        for b, (nidx, nrows, sem) in enumerate(
                ((nidx0_v, nrows0_v, sem0), (nidx1_v, nrows1_v, sem1))):
            c = i * 2 + b
            pltpu.make_async_copy(iemb_h.at[nidx], nrows, sem).wait()
            compute_chunk(c, nrows)
            nxt = c + 2

            @pl.when(nxt < _NCHUNK)
            def _():
                pltpu.sync_copy(negs_h.at[pl.ds(nbase + nxt * _CKI, _CKI)],
                                nidx)
                pltpu.async_copy(iemb_h.at[nidx], nrows, sem)
        return carry

    lax.fori_loop(0, _NCHUNK // 2, outer, 0)

    pltpu.sync_copy(diff_v, diff_h.at[pl.ds(base, _RPW)])
    pltpu.sync_copy(reg_v, reg_h.at[pl.ds(base, _RPW)])


_sc_fn = pl.kernel(
    _sc_body,
    out_type=[jax.ShapeDtypeStruct((_B,), jnp.float32),
              jax.ShapeDtypeStruct((_B,), jnp.float32)],
    mesh=plsc.VectorSubcoreMesh(core_axis_name="c", subcore_axis_name="s"),
    scratch_types=[
        pltpu.VMEM((_RPW,), jnp.int32),
        pltpu.VMEM((_RPW,), jnp.int32),
        pltpu.VMEM((_RPW, _D), jnp.float32),
        pltpu.VMEM((_RPW, _D), jnp.float32),
        pltpu.VMEM((_CKI,), jnp.int32),
        pltpu.VMEM((_CKI,), jnp.int32),
        pltpu.VMEM((_CKI, _D), jnp.float32),
        pltpu.VMEM((_CKI, _D), jnp.float32),
        pltpu.VMEM((_RPW,), jnp.float32),
        pltpu.VMEM((_RPW,), jnp.float32),
        pltpu.SemaphoreType.DMA,
        pltpu.SemaphoreType.DMA,
        pltpu.SemaphoreType.DMA,
        pltpu.SemaphoreType.DMA,
    ],
    compiler_params=pltpu.CompilerParams(use_tc_tiling_on_sc=False,
                                         needs_layout_passes=False),
)


def _tc_body(diff_ref, reg_ref, loss_ref, regl_ref):
    x = diff_ref[...]
    sp = jnp.maximum(-x, 0.0) + jnp.log(1.0 + jnp.exp(-jnp.abs(x)))
    loss_ref[...] = jnp.reshape(jnp.sum(sp) * (1.0 / _B), (1, 1))
    regl_ref[...] = jnp.reshape(
        jnp.sum(reg_ref[...]) * jnp.float32(_REGS * 0.5 / _B), (1, 1))


_tc_fn = pl.pallas_call(
    _tc_body,
    out_shape=(jax.ShapeDtypeStruct((1, 1), jnp.float32),
               jax.ShapeDtypeStruct((1, 1), jnp.float32)),
)


def kernel(user, pos, negs, user_embedding, item_embedding):
    user = user.astype(jnp.int32)
    pos = pos.astype(jnp.int32)
    negs_flat = negs.astype(jnp.int32).reshape(-1)
    diff, reg = _sc_fn(user, pos, negs_flat, user_embedding, item_embedding)
    loss, regl = _tc_fn(diff.reshape(128, 128), reg.reshape(128, 128))
    return (loss[0, 0], regl[0, 0])

# --- scband reference (transcript-rebuilt; emitter-appended) ---
"""Pipeline reference for scband-dns-31671088841216 (READ-ONLY COPY).

The authoritative reference and input builder live on the scoring server;
editing this copy changes nothing except your own understanding.
"""

import jax, jax.numpy as jnp
import numpy as np

N_USERS = 1000000
N_ITEMS = 1000000
EMBED = 16
REGS = 1e-05
BATCH = 16384
N_NEGS = 50


def setup_inputs(seed: int = 0):
    key = jax.random.key(seed)
    k1, k2, k3, k4, k5 = jax.random.split(key, 5)
    user = jax.random.randint(k1, (BATCH,), 0, N_USERS, dtype=jnp.int64) if jax.config.jax_enable_x64 else jax.random.randint(k1, (BATCH,), 0, N_USERS)
    pos = jax.random.randint(k2, (BATCH,), 0, N_ITEMS)
    negs = jax.random.randint(k3, (BATCH, N_NEGS), 0, N_ITEMS)
    bound_u = float(np.sqrt(6.0 / (N_USERS + EMBED)))
    user_embedding = jax.random.uniform(k4, (N_USERS, EMBED), minval=-bound_u, maxval=bound_u, dtype=jnp.float32)
    bound_i = float(np.sqrt(6.0 / (N_ITEMS + EMBED)))
    item_embedding = jax.random.uniform(k5, (N_ITEMS, EMBED), minval=-bound_i, maxval=bound_i, dtype=jnp.float32)
    return {"user": user, "pos": pos, "negs": negs, "user_embedding": user_embedding, "item_embedding": item_embedding}


def reference(user, pos, negs, user_embedding, item_embedding):
    u_e = jnp.take(user_embedding, user, axis=0)
    pos_e = jnp.take(item_embedding, pos, axis=0)
    negs_e = jnp.take(item_embedding, negs, axis=0)
    # rank: (B,1,D) * (B,K,D) -> sum over D -> (B,K); computed under no_grad in torch
    ranking = jax.lax.stop_gradient(jnp.sum(u_e[:, None, :] * negs_e, axis=2))
    indices = jnp.argmax(ranking, axis=1)
    batch_size = negs.shape[0]
    row_id = jnp.arange(batch_size)
    good_neg = negs[row_id, indices]
    neg_e = jnp.take(item_embedding, good_neg, axis=0)
    pos_scores = jnp.sum(u_e * pos_e, axis=1)
    neg_scores = jnp.sum(u_e * neg_e, axis=1)
    loss = -jnp.mean(jax.nn.log_sigmoid(pos_scores - neg_scores))
    regularizer = 0.5 * (jnp.sum(u_e ** 2) + jnp.sum(pos_e ** 2) + jnp.sum(neg_e ** 2)) / batch_size
    reg_loss = REGS * regularizer
    return (loss, reg_loss)

if __name__ == "__main__":
    import jax
    _d = setup_inputs()
    print(jax.jit(kernel)(*tuple(_d.values())))

</pallas_src>

<mosaic_0001>
#map = affine_map<(d0, d1) -> (0)>
#map1 = affine_map<(d0, d1) -> (0, 0)>
module attributes {stable_mosaic.version = 14 : i64} {
  func.func @_sc_body(%arg0: i32, %arg1: i32, %arg2: memref<16384xi32, #tpu.memory_space<hbm>>, %arg3: memref<16384xi32, #tpu.memory_space<hbm>>, %arg4: memref<819200xi32, #tpu.memory_space<hbm>>, %arg5: memref<1000000x16xf32, #tpu.memory_space<hbm>>, %arg6: memref<1000000x16xf32, #tpu.memory_space<hbm>>, %arg7: memref<16384xf32, #tpu.memory_space<hbm>>, %arg8: memref<16384xf32, #tpu.memory_space<hbm>>, %arg9: memref<512xi32, #tpu.memory_space<vmem>>, %arg10: memref<512xi32, #tpu.memory_space<vmem>>, %arg11: memref<512x16xf32, #tpu.memory_space<vmem>>, %arg12: memref<512x16xf32, #tpu.memory_space<vmem>>, %arg13: memref<1600xi32, #tpu.memory_space<vmem>>, %arg14: memref<1600xi32, #tpu.memory_space<vmem>>, %arg15: memref<1600x16xf32, #tpu.memory_space<vmem>>, %arg16: memref<1600x16xf32, #tpu.memory_space<vmem>>, %arg17: memref<512xf32, #tpu.memory_space<vmem>>, %arg18: memref<512xf32, #tpu.memory_space<vmem>>, %arg19: memref<!tpu.dma_semaphore, #tpu.memory_space<semaphore_mem>>, %arg20: memref<!tpu.dma_semaphore, #tpu.memory_space<semaphore_mem>>, %arg21: memref<!tpu.dma_semaphore, #tpu.memory_space<semaphore_mem>>, %arg22: memref<!tpu.dma_semaphore, #tpu.memory_space<semaphore_mem>>) attributes {dimension_semantics = [#tpu.dimension_semantics<core_parallel>, #tpu.dimension_semantics<subcore_parallel>], iteration_bounds = array<i64: 2, 16>, scalar_prefetch = 0 : i64, scratch_operands = 14 : i64, tpu.core_type = #tpu.core_type<sc_vector_subcore>, window_params = [{transform_indices = #map}, {transform_indices = #map}, {transform_indices = #map}, {transform_indices = #map1}, {transform_indices = #map1}, {transform_indices = #map}, {transform_indices = #map}]} {
    %mul3A = arith.constant 2 : i32
    %mul3A_0 = arith.muli %arg1, %mul3A : i32
    %add3A = arith.addi %mul3A_0, %arg0 : i32
    %mul3A_1 = arith.constant 512 : i32
    %mul3A_2 = arith.muli %add3A, %mul3A_1 : i32
    %mul3A_3 = arith.constant 50 : i32
    %mul3A_4 = arith.muli %mul3A_2, %mul3A_3 : i32
    "tpu.region"() ({
      %run_scoped3A = tpu.sem_alloc : memref<!tpu.dma_semaphore, #tpu.memory_space<semaphore_mem>>
      %dma_start3A_59 = tpu.memref_slice %arg2[%mul3A_2] : memref<16384xi32, #tpu.memory_space<hbm>> -> memref<512xi32, #tpu.memory_space<hbm>>
      %dma_start3A_60 = tpu.memref_slice %arg2[%mul3A_2] : memref<16384xi32, #tpu.memory_space<hbm>> -> memref<512xi32, #tpu.memory_space<hbm>>
      tpu.enqueue_dma source(%dma_start3A_60 : memref<512xi32, #tpu.memory_space<hbm>>) target(%arg9 : memref<512xi32, #tpu.memory_space<vmem>>) target_semaphore(%run_scoped3A : memref<!tpu.dma_semaphore, #tpu.memory_space<semaphore_mem>>)
      %dma_wait3A_61 = tpu.memref_slice %arg2[%mul3A_2] : memref<16384xi32, #tpu.memory_space<hbm>> -> memref<512xi32, #tpu.memory_space<hbm>>
      %dma_wait3A_62 = tpu.memref_slice %arg2[%mul3A_2] : memref<16384xi32, #tpu.memory_space<hbm>> -> memref<512xi32, #tpu.memory_space<hbm>>
      tpu.wait_dma2 semaphore(%run_scoped3A : memref<!tpu.dma_semaphore, #tpu.memory_space<semaphore_mem>>) src(%dma_wait3A_62 : memref<512xi32, #tpu.memory_space<hbm>>) dst(%arg9 : memref<512xi32, #tpu.memory_space<vmem>>)
      tpu.yield
    }) : () -> ()
    "tpu.region"() ({
      %run_scoped3A = tpu.sem_alloc : memref<!tpu.dma_semaphore, #tpu.memory_space<semaphore_mem>>
      %dma_start3A_59 = tpu.memref_slice %arg3[%mul3A_2] : memref<16384xi32, #tpu.memory_space<hbm>> -> memref<512xi32, #tpu.memory_space<hbm>>
      %dma_start3A_60 = tpu.memref_slice %arg3[%mul3A_2] : memref<16384xi32, #tpu.memory_space<hbm>> -> memref<512xi32, #tpu.memory_space<hbm>>
      tpu.enqueue_dma source(%dma_start3A_60 : memref<512xi32, #tpu.memory_space<hbm>>) target(%arg10 : memref<512xi32, #tpu.memory_space<vmem>>) target_semaphore(%run_scoped3A : memref<!tpu.dma_semaphore, #tpu.memory_space<semaphore_mem>>)
      %dma_wait3A_61 = tpu.memref_slice %arg3[%mul3A_2] : memref<16384xi32, #tpu.memory_space<hbm>> -> memref<512xi32, #tpu.memory_space<hbm>>
      %dma_wait3A_62 = tpu.memref_slice %arg3[%mul3A_2] : memref<16384xi32, #tpu.memory_space<hbm>> -> memref<512xi32, #tpu.memory_space<hbm>>
      tpu.wait_dma2 semaphore(%run_scoped3A : memref<!tpu.dma_semaphore, #tpu.memory_space<semaphore_mem>>) src(%dma_wait3A_62 : memref<512xi32, #tpu.memory_space<hbm>>) dst(%arg10 : memref<512xi32, #tpu.memory_space<vmem>>)
      tpu.yield
    }) : () -> ()
    %dma_start3A = arith.constant 0 : i32
    %dma_start3A_5 = arith.constant 0 : i32
    %dma_start3A_6 = tpu.memref_slice %arg5[%dma_start3A, %dma_start3A_5] : memref<1000000x16xf32, #tpu.memory_space<hbm>> -> memref<1000000x16xf32, #tpu.memory_space<hbm>>
    tpu.enqueue_indirect_dma source(%dma_start3A_6 : memref<1000000x16xf32, #tpu.memory_space<hbm>>) target(%arg11 : memref<512x16xf32, #tpu.memory_space<vmem>>) offsets(%arg9 : memref<512xi32, #tpu.memory_space<vmem>>) semaphore(%arg19 : memref<!tpu.dma_semaphore, #tpu.memory_space<semaphore_mem>>)
    %dma_start3A_7 = arith.constant 0 : i32
    %dma_start3A_8 = arith.constant 0 : i32
    %dma_start3A_9 = tpu.memref_slice %arg6[%dma_start3A_7, %dma_start3A_8] : memref<1000000x16xf32, #tpu.memory_space<hbm>> -> memref<1000000x16xf32, #tpu.memory_space<hbm>>
    tpu.enqueue_indirect_dma source(%dma_start3A_9 : memref<1000000x16xf32, #tpu.memory_space<hbm>>) target(%arg12 : memref<512x16xf32, #tpu.memory_space<vmem>>) offsets(%arg10 : memref<512xi32, #tpu.memory_space<vmem>>) semaphore(%arg20 : memref<!tpu.dma_semaphore, #tpu.memory_space<semaphore_mem>>)
    "tpu.region"() ({
      %run_scoped3A = tpu.sem_alloc : memref<!tpu.dma_semaphore, #tpu.memory_space<semaphore_mem>>
      %dma_start3A_59 = tpu.memref_slice %arg4[%mul3A_4] : memref<819200xi32, #tpu.memory_space<hbm>> -> memref<1600xi32, #tpu.memory_space<hbm>>
      %dma_start3A_60 = tpu.memref_slice %arg4[%mul3A_4] : memref<819200xi32, #tpu.memory_space<hbm>> -> memref<1600xi32, #tpu.memory_space<hbm>>
      tpu.enqueue_dma source(%dma_start3A_60 : memref<1600xi32, #tpu.memory_space<hbm>>) target(%arg13 : memref<1600xi32, #tpu.memory_space<vmem>>) target_semaphore(%run_scoped3A : memref<!tpu.dma_semaphore, #tpu.memory_space<semaphore_mem>>)
      %dma_wait3A_61 = tpu.memref_slice %arg4[%mul3A_4] : memref<819200xi32, #tpu.memory_space<hbm>> -> memref<1600xi32, #tpu.memory_space<hbm>>
      %dma_wait3A_62 = tpu.memref_slice %arg4[%mul3A_4] : memref<819200xi32, #tpu.memory_space<hbm>> -> memref<1600xi32, #tpu.memory_space<hbm>>
      tpu.wait_dma2 semaphore(%run_scoped3A : memref<!tpu.dma_semaphore, #tpu.memory_space<semaphore_mem>>) src(%dma_wait3A_62 : memref<1600xi32, #tpu.memory_space<hbm>>) dst(%arg13 : memref<1600xi32, #tpu.memory_space<vmem>>)
      tpu.yield
    }) : () -> ()
    %dma_start3A_10 = arith.constant 0 : i32
    %dma_start3A_11 = arith.constant 0 : i32
    %dma_start3A_12 = tpu.memref_slice %arg6[%dma_start3A_10, %dma_start3A_11] : memref<1000000x16xf32, #tpu.memory_space<hbm>> -> memref<1000000x16xf32, #tpu.memory_space<hbm>>
    tpu.enqueue_indirect_dma source(%dma_start3A_12 : memref<1000000x16xf32, #tpu.memory_space<hbm>>) target(%arg15 : memref<1600x16xf32, #tpu.memory_space<vmem>>) offsets(%arg13 : memref<1600xi32, #tpu.memory_space<vmem>>) semaphore(%arg21 : memref<!tpu.dma_semaphore, #tpu.memory_space<semaphore_mem>>)
    %add3A_13 = arith.constant 1600 : i32
    %add3A_14 = arith.addi %mul3A_4, %add3A_13 : i32
    "tpu.region"() ({
      %run_scoped3A = tpu.sem_alloc : memref<!tpu.dma_semaphore, #tpu.memory_space<semaphore_mem>>
      %dma_start3A_59 = tpu.memref_slice %arg4[%add3A_14] : memref<819200xi32, #tpu.memory_space<hbm>> -> memref<1600xi32, #tpu.memory_space<hbm>>
      %dma_start3A_60 = tpu.memref_slice %arg4[%add3A_14] : memref<819200xi32, #tpu.memory_space<hbm>> -> memref<1600xi32, #tpu.memory_space<hbm>>
      tpu.enqueue_dma source(%dma_start3A_60 : memref<1600xi32, #tpu.memory_space<hbm>>) target(%arg14 : memref<1600xi32, #tpu.memory_space<vmem>>) target_semaphore(%run_scoped3A : memref<!tpu.dma_semaphore, #tpu.memory_space<semaphore_mem>>)
      %dma_wait3A_61 = tpu.memref_slice %arg4[%add3A_14] : memref<819200xi32, #tpu.memory_space<hbm>> -> memref<1600xi32, #tpu.memory_space<hbm>>
      %dma_wait3A_62 = tpu.memref_slice %arg4[%add3A_14] : memref<819200xi32, #tpu.memory_space<hbm>> -> memref<1600xi32, #tpu.memory_space<hbm>>
      tpu.wait_dma2 semaphore(%run_scoped3A : memref<!tpu.dma_semaphore, #tpu.memory_space<semaphore_mem>>) src(%dma_wait3A_62 : memref<1600xi32, #tpu.memory_space<hbm>>) dst(%arg14 : memref<1600xi32, #tpu.memory_space<vmem>>)
      tpu.yield
    }) : () -> ()
    %dma_start3A_15 = arith.constant 0 : i32
    %dma_start3A_16 = arith.constant 0 : i32
    %dma_start3A_17 = tpu.memref_slice %arg6[%dma_start3A_15, %dma_start3A_16] : memref<1000000x16xf32, #tpu.memory_space<hbm>> -> memref<1000000x16xf32, #tpu.memory_space<hbm>>
    tpu.enqueue_indirect_dma source(%dma_start3A_17 : memref<1000000x16xf32, #tpu.memory_space<hbm>>) target(%arg16 : memref<1600x16xf32, #tpu.memory_space<vmem>>) offsets(%arg14 : memref<1600xi32, #tpu.memory_space<vmem>>) semaphore(%arg22 : memref<!tpu.dma_semaphore, #tpu.memory_space<semaphore_mem>>)
    %dma_wait3A = arith.constant 0 : i32
    %dma_wait3A_18 = arith.constant 0 : i32
    %dma_wait3A_19 = tpu.memref_slice %arg5[%dma_wait3A, %dma_wait3A_18] : memref<1000000x16xf32, #tpu.memory_space<hbm>> -> memref<1000000x16xf32, #tpu.memory_space<hbm>>
    tpu.wait_indirect_dma semaphore(%arg19 : memref<!tpu.dma_semaphore, #tpu.memory_space<semaphore_mem>>) src(%dma_wait3A_19 : memref<1000000x16xf32, #tpu.memory_space<hbm>>) dst(%arg11 : memref<512x16xf32, #tpu.memory_space<vmem>>)
    %dma_wait3A_20 = arith.constant 0 : i32
    %dma_wait3A_21 = arith.constant 0 : i32
    %dma_wait3A_22 = tpu.memref_slice %arg6[%dma_wait3A_20, %dma_wait3A_21] : memref<1000000x16xf32, #tpu.memory_space<hbm>> -> memref<1000000x16xf32, #tpu.memory_space<hbm>>
    tpu.wait_indirect_dma semaphore(%arg20 : memref<!tpu.dma_semaphore, #tpu.memory_space<semaphore_mem>>) src(%dma_wait3A_22 : memref<1000000x16xf32, #tpu.memory_space<hbm>>) dst(%arg12 : memref<512x16xf32, #tpu.memory_space<vmem>>)
    %iota3A = tpu.iota {dimensions = array<i32: 0>} : vector<16xi32>
    %broadcast_in_dim3A = arith.constant 0 : i32
    %broadcast_in_dim3A_23 = vector.broadcast %broadcast_in_dim3A : i32 to vector<16xi32>
    %broadcast_in_dim3A_24 = arith.constant 1 : i32
    %broadcast_in_dim3A_25 = vector.broadcast %broadcast_in_dim3A_24 : i32 to vector<16xi32>
    %broadcast_in_dim3A_26 = arith.constant 2 : i32
    %broadcast_in_dim3A_27 = vector.broadcast %broadcast_in_dim3A_26 : i32 to vector<16xi32>
    %broadcast_in_dim3A_28 = arith.constant 3 : i32
    %broadcast_in_dim3A_29 = vector.broadcast %broadcast_in_dim3A_28 : i32 to vector<16xi32>
    %broadcast_in_dim3A_30 = arith.constant 4 : i32
    %broadcast_in_dim3A_31 = vector.broadcast %broadcast_in_dim3A_30 : i32 to vector<16xi32>
    %broadcast_in_dim3A_32 = arith.constant 5 : i32
    %broadcast_in_dim3A_33 = vector.broadcast %broadcast_in_dim3A_32 : i32 to vector<16xi32>
    %broadcast_in_dim3A_34 = arith.constant 6 : i32
    %broadcast_in_dim3A_35 = vector.broadcast %broadcast_in_dim3A_34 : i32 to vector<16xi32>
    %broadcast_in_dim3A_36 = arith.constant 7 : i32
    %broadcast_in_dim3A_37 = vector.broadcast %broadcast_in_dim3A_36 : i32 to vector<16xi32>
    %broadcast_in_dim3A_38 = arith.constant 8 : i32
    %broadcast_in_dim3A_39 = vector.broadcast %broadcast_in_dim3A_38 : i32 to vector<16xi32>
    %broadcast_in_dim3A_40 = arith.constant 9 : i32
    %broadcast_in_dim3A_41 = vector.broadcast %broadcast_in_dim3A_40 : i32 to vector<16xi32>
    %broadcast_in_dim3A_42 = arith.constant 10 : i32
    %broadcast_in_dim3A_43 = vector.broadcast %broadcast_in_dim3A_42 : i32 to vector<16xi32>
    %broadcast_in_dim3A_44 = arith.constant 11 : i32
    %broadcast_in_dim3A_45 = vector.broadcast %broadcast_in_dim3A_44 : i32 to vector<16xi32>
    %broadcast_in_dim3A_46 = arith.constant 12 : i32
    %broadcast_in_dim3A_47 = vector.broadcast %broadcast_in_dim3A_46 : i32 to vector<16xi32>
    %broadcast_in_dim3A_48 = arith.constant 13 : i32
    %broadcast_in_dim3A_49 = vector.broadcast %broadcast_in_dim3A_48 : i32 to vector<16xi32>
    %broadcast_in_dim3A_50 = arith.constant 14 : i32
    %broadcast_in_dim3A_51 = vector.broadcast %broadcast_in_dim3A_50 : i32 to vector<16xi32>
    %broadcast_in_dim3A_52 = arith.constant 15 : i32
    %broadcast_in_dim3A_53 = vector.broadcast %broadcast_in_dim3A_52 : i32 to vector<16xi32>
    %scan3A = arith.constant 0 : i32
    %scan3A_54 = arith.constant 0 : i32
    %scan3A_55 = arith.constant 8 : i32
    %scan3A_56 = arith.addi %scan3A_54, %scan3A_55 : i32
    %scan3A_57 = arith.constant 1 : i32
    scf.for %scan3A_59 = %scan3A_54 to %scan3A_56 step %scan3A_57  : i32 {
      %mul3A_60 = arith.constant 2 : i32
      %mul3A_61 = arith.muli %scan3A_59, %mul3A_60 : i32
      %add3A_62 = arith.constant 0 : i32
      %add3A_63 = arith.addi %mul3A_61, %add3A_62 : i32
      %dma_wait3A_64 = arith.constant 0 : i32
      %dma_wait3A_65 = arith.constant 0 : i32
      %dma_wait3A_66 = tpu.memref_slice %arg6[%dma_wait3A_64, %dma_wait3A_65] : memref<1000000x16xf32, #tpu.memory_space<hbm>> -> memref<1000000x16xf32, #tpu.memory_space<hbm>>
      tpu.wait_indirect_dma semaphore(%arg21 : memref<!tpu.dma_semaphore, #tpu.memory_space<semaphore_mem>>) src(%dma_wait3A_66 : memref<1000000x16xf32, #tpu.memory_space<hbm>>) dst(%arg15 : memref<1600x16xf32, #tpu.memory_space<vmem>>)
      %mul3A_67 = arith.constant 32 : i32
      %mul3A_68 = arith.muli %add3A_63, %mul3A_67 : i32
      %add3A_69 = arith.constant 0 : i32
      %add3A_70 = arith.addi %mul3A_68, %add3A_69 : i32
      %add3A_71 = vector.broadcast %add3A_70 : i32 to vector<16xi32>
      %add3A_72 = arith.addi %add3A_71, %iota3A : vector<16xi32>
      %gather3A = tpu.vector_load_idx %arg11[%add3A_72, %broadcast_in_dim3A_23] : memref<512x16xf32, #tpu.memory_space<vmem>>[vector<16xi32>, vector<16xi32>], vector<16xf32>,
      %gather3A_73 = tpu.vector_load_idx %arg11[%add3A_72, %broadcast_in_dim3A_25] : memref<512x16xf32, #tpu.memory_space<vmem>>[vector<16xi32>, vector<16xi32>], vector<16xf32>,
      %gather3A_74 = tpu.vector_load_idx %arg11[%add3A_72, %broadcast_in_dim3A_27] : memref<512x16xf32, #tpu.memory_space<vmem>>[vector<16xi32>, vector<16xi32>], vector<16xf32>,
      %gather3A_75 = tpu.vector_load_idx %arg11[%add3A_72, %broadcast_in_dim3A_29] : memref<512x16xf32, #tpu.memory_space<vmem>>[vector<16xi32>, vector<16xi32>], vector<16xf32>,
      %gather3A_76 = tpu.vector_load_idx %arg11[%add3A_72, %broadcast_in_dim3A_31] : memref<512x16xf32, #tpu.memory_space<vmem>>[vector<16xi32>, vector<16xi32>], vector<16xf32>,
      %gather3A_77 = tpu.vector_load_idx %arg11[%add3A_72, %broadcast_in_dim3A_33] : memref<512x16xf32, #tpu.memory_space<vmem>>[vector<16xi32>, vector<16xi32>], vector<16xf32>,
      %gather3A_78 = tpu.vector_load_idx %arg11[%add3A_72, %broadcast_in_dim3A_35] : memref<512x16xf32, #tpu.memory_space<vmem>>[vector<16xi32>, vector<16xi32>], vector<16xf32>,
      %gather3A_79 = tpu.vector_load_idx %arg11[%add3A_72, %broadcast_in_dim3A_37] : memref<512x16xf32, #tpu.memory_space<vmem>>[vector<16xi32>, vector<16xi32>], vector<16xf32>,
      %gather3A_80 = tpu.vector_load_idx %arg11[%add3A_72, %broadcast_in_dim3A_39] : memref<512x16xf32, #tpu.memory_space<vmem>>[vector<16xi32>, vector<16xi32>], vector<16xf32>,
      %gather3A_81 = tpu.vector_load_idx %arg11[%add3A_72, %broadcast_in_dim3A_41] : memref<512x16xf32, #tpu.memory_space<vmem>>[vector<16xi32>, vector<16xi32>], vector<16xf32>,
      %gather3A_82 = tpu.vector_load_idx %arg11[%add3A_72, %broadcast_in_dim3A_43] : memref<512x16xf32, #tpu.memory_space<vmem>>[vector<16xi32>, vector<16xi32>], vector<16xf32>,
      %gather3A_83 = tpu.vector_load_idx %arg11[%add3A_72, %broadcast_in_dim3A_45] : memref<512x16xf32, #tpu.memory_space<vmem>>[vector<16xi32>, vector<16xi32>], vector<16xf32>,
      %gather3A_84 = tpu.vector_load_idx %arg11[%add3A_72, %broadcast_in_dim3A_47] : memref<512x16xf32, #tpu.memory_space<vmem>>[vector<16xi32>, vector<16xi32>], vector<16xf32>,
      %gather3A_85 = tpu.vector_load_idx %arg11[%add3A_72, %broadcast_in_dim3A_49] : memref<512x16xf32, #tpu.memory_space<vmem>>[vector<16xi32>, vector<16xi32>], vector<16xf32>,
      %gather3A_86 = tpu.vector_load_idx %arg11[%add3A_72, %broadcast_in_dim3A_51] : memref<512x16xf32, #tpu.memory_space<vmem>>[vector<16xi32>, vector<16xi32>], vector<16xf32>,
      %gather3A_87 = tpu.vector_load_idx %arg11[%add3A_72, %broadcast_in_dim3A_53] : memref<512x16xf32, #tpu.memory_space<vmem>>[vector<16xi32>, vector<16xi32>], vector<16xf32>,
      %add3A_88 = arith.constant 0 : i32
      %add3A_89 = vector.broadcast %add3A_88 : i32 to vector<16xi32>
      %add3A_90 = arith.addi %add3A_89, %iota3A : vector<16xi32>
      %mul3A_91 = arith.constant 50 : i32
      %mul3A_92 = vector.broadcast %mul3A_91 : i32 to vector<16xi32>
      %mul3A_93 = arith.muli %add3A_90, %mul3A_92 : vector<16xi32>
      %broadcast_in_dim3A_94 = arith.constant 0xFF800000 : f32
      %broadcast_in_dim3A_95 = vector.broadcast %broadcast_in_dim3A_94 : f32 to vector<16xf32>
      %broadcast_in_dim3A_96 = arith.constant 0.000000e+00 : f32
      %broadcast_in_dim3A_97 = vector.broadcast %broadcast_in_dim3A_96 : f32 to vector<16xf32>
      %scan3A_98 = arith.constant 0 : i32
      %scan3A_99 = arith.constant 50 : i32
      %scan3A_100 = arith.addi %scan3A_98, %scan3A_99 : i32
      %scan3A_101 = arith.constant 1 : i32
      %scan3A_102:2 = scf.for %scan3A_734 = %scan3A_98 to %scan3A_100 step %scan3A_101 iter_args(%scan3A_735 = %broadcast_in_dim3A_95, %scan3A_736 = %broadcast_in_dim3A_97) -> (vector<16xf32>, vector<16xf32>)  : i32 {
        %add3A_737 = vector.broadcast %scan3A_734 : i32 to vector<16xi32>
        %add3A_738 = arith.addi %mul3A_93, %add3A_737 : vector<16xi32>
        %broadcast_in_dim3A_739 = arith.constant 0.000000e+00 : f32
        %broadcast_in_dim3A_740 = vector.broadcast %broadcast_in_dim3A_739 : f32 to vector<16xf32>
        %broadcast_in_dim3A_741 = arith.constant 0.000000e+00 : f32
        %broadcast_in_dim3A_742 = vector.broadcast %broadcast_in_dim3A_741 : f32 to vector<16xf32>
        %gather3A_743 = tpu.vector_load_idx %arg15[%add3A_738, %broadcast_in_dim3A_23] : memref<1600x16xf32, #tpu.memory_space<vmem>>[vector<16xi32>, vector<16xi32>], vector<16xf32>,
        %mul3A_744 = arith.mulf %gather3A_743, %gather3A : vector<16xf32>
        %add3A_745 = arith.addf %broadcast_in_dim3A_740, %mul3A_744 : vector<16xf32>
        %mul3A_746 = arith.mulf %gather3A_743, %gather3A_743 : vector<16xf32>
        %add3A_747 = arith.addf %broadcast_in_dim3A_742, %mul3A_746 : vector<16xf32>
        %gather3A_748 = tpu.vector_load_idx %arg15[%add3A_738, %broadcast_in_dim3A_25] : memref<1600x16xf32, #tpu.memory_space<vmem>>[vector<16xi32>, vector<16xi32>], vector<16xf32>,
        %mul3A_749 = arith.mulf %gather3A_748, %gather3A_73 : vector<16xf32>
        %add3A_750 = arith.addf %add3A_745, %mul3A_749 : vector<16xf32>
        %mul3A_751 = arith.mulf %gather3A_748, %gather3A_748 : vector<16xf32>
        %add3A_752 = arith.addf %add3A_747, %mul3A_751 : vector<16xf32>
        %gather3A_753 = tpu.vector_load_idx %arg15[%add3A_738, %broadcast_in_dim3A_27] : memref<1600x16xf32, #tpu.memory_space<vmem>>[vector<16xi32>, vector<16xi32>], vector<16xf32>,
        %mul3A_754 = arith.mulf %gather3A_753, %gather3A_74 : vector<16xf32>
        %add3A_755 = arith.addf %add3A_750, %mul3A_754 : vector<16xf32>
        %mul3A_756 = arith.mulf %gather3A_753, %gather3A_753 : vector<16xf32>
        %add3A_757 = arith.addf %add3A_752, %mul3A_756 : vector<16xf32>
        %gather3A_758 = tpu.vector_load_idx %arg15[%add3A_738, %broadcast_in_dim3A_29] : memref<1600x16xf32, #tpu.memory_space<vmem>>[vector<16xi32>, vector<16xi32>], vector<16xf32>,
        %mul3A_759 = arith.mulf %gather3A_758, %gather3A_75 : vector<16xf32>
        %add3A_760 = arith.addf %add3A_755, %mul3A_759 : vector<16xf32>
        %mul3A_761 = arith.mulf %gather3A_758, %gather3A_758 : vector<16xf32>
        %add3A_762 = arith.addf %add3A_757, %mul3A_761 : vector<16xf32>
        %gather3A_763 = tpu.vector_load_idx %arg15[%add3A_738, %broadcast_in_dim3A_31] : memref<1600x16xf32, #tpu.memory_space<vmem>>[vector<16xi32>, vector<16xi32>], vector<16xf32>,
        %mul3A_764 = arith.mulf %gather3A_763, %gather3A_76 : vector<16xf32>
        %add3A_765 = arith.addf %add3A_760, %mul3A_764 : vector<16xf32>
        %mul3A_766 = arith.mulf %gather3A_763, %gather3A_763 : vector<16xf32>
        %add3A_767 = arith.addf %add3A_762, %mul3A_766 : vector<16xf32>
        %gather3A_768 = tpu.vector_load_idx %arg15[%add3A_738, %broadcast_in_dim3A_33] : memref<1600x16xf32, #tpu.memory_space<vmem>>[vector<16xi32>, vector<16xi32>], vector<16xf32>,
        %mul3A_769 = arith.mulf %gather3A_768, %gather3A_77 : vector<16xf32>
        %add3A_770 = arith.addf %add3A_765, %mul3A_769 : vector<16xf32>
        %mul3A_771 = arith.mulf %gather3A_768, %gather3A_768 : vector<16xf32>
        %add3A_772 = arith.addf %add3A_767, %mul3A_771 : vector<16xf32>
        %gather3A_773 = tpu.vector_load_idx %arg15[%add3A_738, %broadcast_in_dim3A_35] : memref<1600x16xf32, #tpu.memory_space<vmem>>[vector<16xi32>, vector<16xi32>], vector<16xf32>,
        %mul3A_774 = arith.mulf %gather3A_773, %gather3A_78 : vector<16xf32>
        %add3A_775 = arith.addf %add3A_770, %mul3A_774 : vector<16xf32>
        %mul3A_776 = arith.mulf %gather3A_773, %gather3A_773 : vector<16xf32>
        %add3A_777 = arith.addf %add3A_772, %mul3A_776 : vector<16xf32>
        %gather3A_778 = tpu.vector_load_idx %arg15[%add3A_738, %broadcast_in_dim3A_37] : memref<1600x16xf32, #tpu.memory_space<vmem>>[vector<16xi32>, vector<16xi32>], vector<16xf32>,
        %mul3A_779 = arith.mulf %gather3A_778, %gather3A_79 : vector<16xf32>
        %add3A_780 = arith.addf %add3A_775, %mul3A_779 : vector<16xf32>
        %mul3A_781 = arith.mulf %gather3A_778, %gather3A_778 : vector<16xf32>
        %add3A_782 = arith.addf %add3A_777, %mul3A_781 : vector<16xf32>
        %gather3A_783 = tpu.vector_load_idx %arg15[%add3A_738, %broadcast_in_dim3A_39] : memref<1600x16xf32, #tpu.memory_space<vmem>>[vector<16xi32>, vector<16xi32>], vector<16xf32>,
        %mul3A_784 = arith.mulf %gather3A_783, %gather3A_80 : vector<16xf32>
        %add3A_785 = arith.addf %add3A_780, %mul3A_784 : vector<16xf32>
        %mul3A_786 = arith.mulf %gather3A_783, %gather3A_783 : vector<16xf32>
        %add3A_787 = arith.addf %add3A_782, %mul3A_786 : vector<16xf32>
        %gather3A_788 = tpu.vector_load_idx %arg15[%add3A_738, %broadcast_in_dim3A_41] : memref<1600x16xf32, #tpu.memory_space<vmem>>[vector<16xi32>, vector<16xi32>], vector<16xf32>,
        %mul3A_789 = arith.mulf %gather3A_788, %gather3A_81 : vector<16xf32>
        %add3A_790 = arith.addf %add3A_785, %mul3A_789 : vector<16xf32>
        %mul3A_791 = arith.mulf %gather3A_788, %gather3A_788 : vector<16xf32>
        %add3A_792 = arith.addf %add3A_787, %mul3A_791 : vector<16xf32>
        %gather3A_793 = tpu.vector_load_idx %arg15[%add3A_738, %broadcast_in_dim3A_43] : memref<1600x16xf32, #tpu.memory_space<vmem>>[vector<16xi32>, vector<16xi32>], vector<16xf32>,
        %mul3A_794 = arith.mulf %gather3A_793, %gather3A_82 : vector<16xf32>
        %add3A_795 = arith.addf %add3A_790, %mul3A_794 : vector<16xf32>
        %mul3A_796 = arith.mulf %gather3A_793, %gather3A_793 : vector<16xf32>
        %add3A_797 = arith.addf %add3A_792, %mul3A_796 : vector<16xf32>
        %gather3A_798 = tpu.vector_load_idx %arg15[%add3A_738, %broadcast_in_dim3A_45] : memref<1600x16xf32, #tpu.memory_space<vmem>>[vector<16xi32>, vector<16xi32>], vector<16xf32>,
        %mul3A_799 = arith.mulf %gather3A_798, %gather3A_83 : vector<16xf32>
        %add3A_800 = arith.addf %add3A_795, %mul3A_799 : vector<16xf32>
        %mul3A_801 = arith.mulf %gather3A_798, %gather3A_798 : vector<16xf32>
        %add3A_802 = arith.addf %add3A_797, %mul3A_801 : vector<16xf32>
        %gather3A_803 = tpu.vector_load_idx %arg15[%add3A_738, %broadcast_in_dim3A_47] : memref<1600x16xf32, #tpu.memory_space<vmem>>[vector<16xi32>, vector<16xi32>], vector<16xf32>,
        %mul3A_804 = arith.mulf %gather3A_803, %gather3A_84 : vector<16xf32>
        %add3A_805 = arith.addf %add3A_800, %mul3A_804 : vector<16xf32>
        %mul3A_806 = arith.mulf %gather3A_803, %gather3A_803 : vector<16xf32>
        %add3A_807 = arith.addf %add3A_802, %mul3A_806 : vector<16xf32>
        %gather3A_808 = tpu.vector_load_idx %arg15[%add3A_738, %broadcast_in_dim3A_49] : memref<1600x16xf32, #tpu.memory_space<vmem>>[vector<16xi32>, vector<16xi32>], vector<16xf32>,
        %mul3A_809 = arith.mulf %gather3A_808, %gather3A_85 : vector<16xf32>
        %add3A_810 = arith.addf %add3A_805, %mul3A_809 : vector<16xf32>
        %mul3A_811 = arith.mulf %gather3A_808, %gather3A_808 : vector<16xf32>
        %add3A_812 = arith.addf %add3A_807, %mul3A_811 : vector<16xf32>
        %gather3A_813 = tpu.vector_load_idx %arg15[%add3A_738, %broadcast_in_dim3A_51] : memref<1600x16xf32, #tpu.memory_space<vmem>>[vector<16xi32>, vector<16xi32>], vector<16xf32>,
        %mul3A_814 = arith.mulf %gather3A_813, %gather3A_86 : vector<16xf32>
        %add3A_815 = arith.addf %add3A_810, %mul3A_814 : vector<16xf32>
        %mul3A_816 = arith.mulf %gather3A_813, %gather3A_813 : vector<16xf32>
        %add3A_817 = arith.addf %add3A_812, %mul3A_816 : vector<16xf32>
        %gather3A_818 = tpu.vector_load_idx %arg15[%add3A_738, %broadcast_in_dim3A_53] : memref<1600x16xf32, #tpu.memory_space<vmem>>[vector<16xi32>, vector<16xi32>], vector<16xf32>,
        %mul3A_819 = arith.mulf %gather3A_818, %gather3A_87 : vector<16xf32>
        %add3A_820 = arith.addf %add3A_815, %mul3A_819 : vector<16xf32>
        %mul3A_821 = arith.mulf %gather3A_818, %gather3A_818 : vector<16xf32>
        %add3A_822 = arith.addf %add3A_817, %mul3A_821 : vector<16xf32>
        %gt3A = arith.cmpf ogt, %add3A_820, %scan3A_735 : vector<16xf32>
        %select_n3A = arith.select %gt3A, %add3A_820, %scan3A_735 : vector<16xi1>, vector<16xf32>
        %select_n3A_823 = arith.select %gt3A, %add3A_822, %scan3A_736 : vector<16xi1>, vector<16xf32>
        scf.yield %select_n3A, %select_n3A_823 : vector<16xf32>, vector<16xf32>
      }
      %scan3A_103 = arith.constant 50 : i32
      %broadcast_in_dim3A_104 = arith.constant 0.000000e+00 : f32
      %broadcast_in_dim3A_105 = vector.broadcast %broadcast_in_dim3A_104 : f32 to vector<16xf32>
      %broadcast_in_dim3A_106 = arith.constant 0.000000e+00 : f32
      %broadcast_in_dim3A_107 = vector.broadcast %broadcast_in_dim3A_106 : f32 to vector<16xf32>
      %broadcast_in_dim3A_108 = arith.constant 0.000000e+00 : f32
      %broadcast_in_dim3A_109 = vector.broadcast %broadcast_in_dim3A_108 : f32 to vector<16xf32>
      %gather3A_110 = tpu.vector_load_idx %arg12[%add3A_72, %broadcast_in_dim3A_23] : memref<512x16xf32, #tpu.memory_space<vmem>>[vector<16xi32>, vector<16xi32>], vector<16xf32>,
      %mul3A_111 = arith.mulf %gather3A_110, %gather3A : vector<16xf32>
      %add3A_112 = arith.addf %broadcast_in_dim3A_105, %mul3A_111 : vector<16xf32>
      %mul3A_113 = arith.mulf %gather3A_110, %gather3A_110 : vector<16xf32>
      %add3A_114 = arith.addf %broadcast_in_dim3A_107, %mul3A_113 : vector<16xf32>
      %mul3A_115 = arith.mulf %gather3A, %gather3A : vector<16xf32>
      %add3A_116 = arith.addf %broadcast_in_dim3A_109, %mul3A_115 : vector<16xf32>
      %gather3A_117 = tpu.vector_load_idx %arg12[%add3A_72, %broadcast_in_dim3A_25] : memref<512x16xf32, #tpu.memory_space<vmem>>[vector<16xi32>, vector<16xi32>], vector<16xf32>,
      %mul3A_118 = arith.mulf %gather3A_117, %gather3A_73 : vector<16xf32>
      %add3A_119 = arith.addf %add3A_112, %mul3A_118 : vector<16xf32>
      %mul3A_120 = arith.mulf %gather3A_117, %gather3A_117 : vector<16xf32>
      %add3A_121 = arith.addf %add3A_114, %mul3A_120 : vector<16xf32>
      %mul3A_122 = arith.mulf %gather3A_73, %gather3A_73 : vector<16xf32>
      %add3A_123 = arith.addf %add3A_116, %mul3A_122 : vector<16xf32>
      %gather3A_124 = tpu.vector_load_idx %arg12[%add3A_72, %broadcast_in_dim3A_27] : memref<512x16xf32, #tpu.memory_space<vmem>>[vector<16xi32>, vector<16xi32>], vector<16xf32>,
      %mul3A_125 = arith.mulf %gather3A_124, %gather3A_74 : vector<16xf32>
      %add3A_126 = arith.addf %add3A_119, %mul3A_125 : vector<16xf32>
      %mul3A_127 = arith.mulf %gather3A_124, %gather3A_124 : vector<16xf32>
      %add3A_128 = arith.addf %add3A_121, %mul3A_127 : vector<16xf32>
      %mul3A_129 = arith.mulf %gather3A_74, %gather3A_74 : vector<16xf32>
      %add3A_130 = arith.addf %add3A_123, %mul3A_129 : vector<16xf32>
      %gather3A_131 = tpu.vector_load_idx %arg12[%add3A_72, %broadcast_in_dim3A_29] : memref<512x16xf32, #tpu.memory_space<vmem>>[vector<16xi32>, vector<16xi32>], vector<16xf32>,
      %mul3A_132 = arith.mulf %gather3A_131, %gather3A_75 : vector<16xf32>
      %add3A_133 = arith.addf %add3A_126, %mul3A_132 : vector<16xf32>
      %mul3A_134 = arith.mulf %gather3A_131, %gather3A_131 : vector<16xf32>
      %add3A_135 = arith.addf %add3A_128, %mul3A_134 : vector<16xf32>
      %mul3A_136 = arith.mulf %gather3A_75, %gather3A_75 : vector<16xf32>
      %add3A_137 = arith.addf %add3A_130, %mul3A_136 : vector<16xf32>
      %gather3A_138 = tpu.vector_load_idx %arg12[%add3A_72, %broadcast_in_dim3A_31] : memref<512x16xf32, #tpu.memory_space<vmem>>[vector<16xi32>, vector<16xi32>], vector<16xf32>,
      %mul3A_139 = arith.mulf %gather3A_138, %gather3A_76 : vector<16xf32>
      %add3A_140 = arith.addf %add3A_133, %mul3A_139 : vector<16xf32>
      %mul3A_141 = arith.mulf %gather3A_138, %gather3A_138 : vector<16xf32>
      %add3A_142 = arith.addf %add3A_135, %mul3A_141 : vector<16xf32>
      %mul3A_143 = arith.mulf %gather3A_76, %gather3A_76 : vector<16xf32>
      %add3A_144 = arith.addf %add3A_137, %mul3A_143 : vector<16xf32>
      %gather3A_145 = tpu.vector_load_idx %arg12[%add3A_72, %broadcast_in_dim3A_33] : memref<512x16xf32, #tpu.memory_space<vmem>>[vector<16xi32>, vector<16xi32>], vector<16xf32>,
      %mul3A_146 = arith.mulf %gather3A_145, %gather3A_77 : vector<16xf32>
      %add3A_147 = arith.addf %add3A_140, %mul3A_146 : vector<16xf32>
      %mul3A_148 = arith.mulf %gather3A_145, %gather3A_145 : vector<16xf32>
      %add3A_149 = arith.addf %add3A_142, %mul3A_148 : vector<16xf32>
      %mul3A_150 = arith.mulf %gather3A_77, %gather3A_77 : vector<16xf32>
      %add3A_151 = arith.addf %add3A_144, %mul3A_150 : vector<16xf32>
      %gather3A_152 = tpu.vector_load_idx %arg12[%add3A_72, %broadcast_in_dim3A_35] : memref<512x16xf32, #tpu.memory_space<vmem>>[vector<16xi32>, vector<16xi32>], vector<16xf32>,
      %mul3A_153 = arith.mulf %gather3A_152, %gather3A_78 : vector<16xf32>
      %add3A_154 = arith.addf %add3A_147, %mul3A_153 : vector<16xf32>
      %mul3A_155 = arith.mulf %gather3A_152, %gather3A_152 : vector<16xf32>
      %add3A_156 = arith.addf %add3A_149, %mul3A_155 : vector<16xf32>
      %mul3A_157 = arith.mulf %gather3A_78, %gather3A_78 : vector<16xf32>
      %add3A_158 = arith.addf %add3A_151, %mul3A_157 : vector<16xf32>
      %gather3A_159 = tpu.vector_load_idx %arg12[%add3A_72, %broadcast_in_dim3A_37] : memref<512x16xf32, #tpu.memory_space<vmem>>[vector<16xi32>, vector<16xi32>], vector<16xf32>,
      %mul3A_160 = arith.mulf %gather3A_159, %gather3A_79 : vector<16xf32>
      %add3A_161 = arith.addf %add3A_154, %mul3A_160 : vector<16xf32>
      %mul3A_162 = arith.mulf %gather3A_159, %gather3A_159 : vector<16xf32>
      %add3A_163 = arith.addf %add3A_156, %mul3A_162 : vector<16xf32>
      %mul3A_164 = arith.mulf %gather3A_79, %gather3A_79 : vector<16xf32>
      %add3A_165 = arith.addf %add3A_158, %mul3A_164 : vector<16xf32>
      %gather3A_166 = tpu.vector_load_idx %arg12[%add3A_72, %broadcast_in_dim3A_39] : memref<512x16xf32, #tpu.memory_space<vmem>>[vector<16xi32>, vector<16xi32>], vector<16xf32>,
      %mul3A_167 = arith.mulf %gather3A_166, %gather3A_80 : vector<16xf32>
      %add3A_168 = arith.addf %add3A_161, %mul3A_167 : vector<16xf32>
      %mul3A_169 = arith.mulf %gather3A_166, %gather3A_166 : vector<16xf32>
      %add3A_170 = arith.addf %add3A_163, %mul3A_169 : vector<16xf32>
      %mul3A_171 = arith.mulf %gather3A_80, %gather3A_80 : vector<16xf32>
      %add3A_172 = arith.addf %add3A_165, %mul3A_171 : vector<16xf32>
      %gather3A_173 = tpu.vector_load_idx %arg12[%add3A_72, %broadcast_in_dim3A_41] : memref<512x16xf32, #tpu.memory_space<vmem>>[vector<16xi32>, vector<16xi32>], vector<16xf32>,
      %mul3A_174 = arith.mulf %gather3A_173, %gather3A_81 : vector<16xf32>
      %add3A_175 = arith.addf %add3A_168, %mul3A_174 : vector<16xf32>
      %mul3A_176 = arith.mulf %gather3A_173, %gather3A_173 : vector<16xf32>
      %add3A_177 = arith.addf %add3A_170, %mul3A_176 : vector<16xf32>
      %mul3A_178 = arith.mulf %gather3A_81, %gather3A_81 : vector<16xf32>
      %add3A_179 = arith.addf %add3A_172, %mul3A_178 : vector<16xf32>
      %gather3A_180 = tpu.vector_load_idx %arg12[%add3A_72, %broadcast_in_dim3A_43] : memref<512x16xf32, #tpu.memory_space<vmem>>[vector<16xi32>, vector<16xi32>], vector<16xf32>,
      %mul3A_181 = arith.mulf %gather3A_180, %gather3A_82 : vector<16xf32>
      %add3A_182 = arith.addf %add3A_175, %mul3A_181 : vector<16xf32>
      %mul3A_183 = arith.mulf %gather3A_180, %gather3A_180 : vector<16xf32>
      %add3A_184 = arith.addf %add3A_177, %mul3A_183 : vector<16xf32>
      %mul3A_185 = arith.mulf %gather3A_82, %gather3A_82 : vector<16xf32>
      %add3A_186 = arith.addf %add3A_179, %mul3A_185 : vector<16xf32>
      %gather3A_187 = tpu.vector_load_idx %arg12[%add3A_72, %broadcast_in_dim3A_45] : memref<512x16xf32, #tpu.memory_space<vmem>>[vector<16xi32>, vector<16xi32>], vector<16xf32>,
      %mul3A_188 = arith.mulf %gather3A_187, %gather3A_83 : vector<16xf32>
      %add3A_189 = arith.addf %add3A_182, %mul3A_188 : vector<16xf32>
      %mul3A_190 = arith.mulf %gather3A_187, %gather3A_187 : vector<16xf32>
      %add3A_191 = arith.addf %add3A_184, %mul3A_190 : vector<16xf32>
      %mul3A_192 = arith.mulf %gather3A_83, %gather3A_83 : vector<16xf32>
      %add3A_193 = arith.addf %add3A_186, %mul3A_192 : vector<16xf32>
      %gather3A_194 = tpu.vector_load_idx %arg12[%add3A_72, %broadcast_in_dim3A_47] : memref<512x16xf32, #tpu.memory_space<vmem>>[vector<16xi32>, vector<16xi32>], vector<16xf32>,
      %mul3A_195 = arith.mulf %gather3A_194, %gather3A_84 : vector<16xf32>
      %add3A_196 = arith.addf %add3A_189, %mul3A_195 : vector<16xf32>
      %mul3A_197 = arith.mulf %gather3A_194, %gather3A_194 : vector<16xf32>
      %add3A_198 = arith.addf %add3A_191, %mul3A_197 : vector<16xf32>
      %mul3A_199 = arith.mulf %gather3A_84, %gather3A_84 : vector<16xf32>
      %add3A_200 = arith.addf %add3A_193, %mul3A_199 : vector<16xf32>
      %gather3A_201 = tpu.vector_load_idx %arg12[%add3A_72, %broadcast_in_dim3A_49] : memref<512x16xf32, #tpu.memory_space<vmem>>[vector<16xi32>, vector<16xi32>], vector<16xf32>,
      %mul3A_202 = arith.mulf %gather3A_201, %gather3A_85 : vector<16xf32>
      %add3A_203 = arith.addf %add3A_196, %mul3A_202 : vector<16xf32>
      %mul3A_204 = arith.mulf %gather3A_201, %gather3A_201 : vector<16xf32>
      %add3A_205 = arith.addf %add3A_198, %mul3A_204 : vector<16xf32>
      %mul3A_206 = arith.mulf %gather3A_85, %gather3A_85 : vector<16xf32>
      %add3A_207 = arith.addf %add3A_200, %mul3A_206 : vector<16xf32>
      %gather3A_208 = tpu.vector_load_idx %arg12[%add3A_72, %broadcast_in_dim3A_51] : memref<512x16xf32, #tpu.memory_space<vmem>>[vector<16xi32>, vector<16xi32>], vector<16xf32>,
      %mul3A_209 = arith.mulf %gather3A_208, %gather3A_86 : vector<16xf32>
      %add3A_210 = arith.addf %add3A_203, %mul3A_209 : vector<16xf32>
      %mul3A_211 = arith.mulf %gather3A_208, %gather3A_208 : vector<16xf32>
      %add3A_212 = arith.addf %add3A_205, %mul3A_211 : vector<16xf32>
      %mul3A_213 = arith.mulf %gather3A_86, %gather3A_86 : vector<16xf32>
      %add3A_214 = arith.addf %add3A_207, %mul3A_213 : vector<16xf32>
      %gather3A_215 = tpu.vector_load_idx %arg12[%add3A_72, %broadcast_in_dim3A_53] : memref<512x16xf32, #tpu.memory_space<vmem>>[vector<16xi32>, vector<16xi32>], vector<16xf32>,
      %mul3A_216 = arith.mulf %gather3A_215, %gather3A_87 : vector<16xf32>
      %add3A_217 = arith.addf %add3A_210, %mul3A_216 : vector<16xf32>
      %mul3A_218 = arith.mulf %gather3A_215, %gather3A_215 : vector<16xf32>
      %add3A_219 = arith.addf %add3A_212, %mul3A_218 : vector<16xf32>
      %mul3A_220 = arith.mulf %gather3A_87, %gather3A_87 : vector<16xf32>
      %add3A_221 = arith.addf %add3A_214, %mul3A_220 : vector<16xf32>
      %sub3A = arith.subf %add3A_217, %scan3A_102#0 : vector<16xf32>
      %swap3A = arith.index_cast %add3A_70 : i32 to index
      %swap3A_222 = tpu.vector_load %arg17[%swap3A] {strides = array<i32>} : memref<512xf32, #tpu.memory_space<vmem>>, vector<16xf32>,
      tpu.vector_store %arg17[%swap3A], %sub3A {strides = array<i32>} : memref<512xf32, #tpu.memory_space<vmem>>, vector<16xf32>,
      %add3A_223 = arith.addf %add3A_221, %add3A_219 : vector<16xf32>
      %add3A_224 = arith.addf %add3A_223, %scan3A_102#1 : vector<16xf32>
      %swap3A_225 = arith.index_cast %add3A_70 : i32 to index
      %swap3A_226 = tpu.vector_load %arg18[%swap3A_225] {strides = array<i32>} : memref<512xf32, #tpu.memory_space<vmem>>, vector<16xf32>,
      tpu.vector_store %arg18[%swap3A_225], %add3A_224 {strides = array<i32>} : memref<512xf32, #tpu.memory_space<vmem>>, vector<16xf32>,
      %mul3A_227 = arith.constant 32 : i32
      %mul3A_228 = arith.muli %add3A_63, %mul3A_227 : i32
      %add3A_229 = arith.constant 16 : i32
      %add3A_230 = arith.addi %mul3A_228, %add3A_229 : i32
      %add3A_231 = vector.broadcast %add3A_230 : i32 to vector<16xi32>
      %add3A_232 = arith.addi %add3A_231, %iota3A : vector<16xi32>
      %gather3A_233 = tpu.vector_load_idx %arg11[%add3A_232, %broadcast_in_dim3A_23] : memref<512x16xf32, #tpu.memory_space<vmem>>[vector<16xi32>, vector<16xi32>], vector<16xf32>,
      %gather3A_234 = tpu.vector_load_idx %arg11[%add3A_232, %broadcast_in_dim3A_25] : memref<512x16xf32, #tpu.memory_space<vmem>>[vector<16xi32>, vector<16xi32>], vector<16xf32>,
      %gather3A_235 = tpu.vector_load_idx %arg11[%add3A_232, %broadcast_in_dim3A_27] : memref<512x16xf32, #tpu.memory_space<vmem>>[vector<16xi32>, vector<16xi32>], vector<16xf32>,
      %gather3A_236 = tpu.vector_load_idx %arg11[%add3A_232, %broadcast_in_dim3A_29] : memref<512x16xf32, #tpu.memory_space<vmem>>[vector<16xi32>, vector<16xi32>], vector<16xf32>,
      %gather3A_237 = tpu.vector_load_idx %arg11[%add3A_232, %broadcast_in_dim3A_31] : memref<512x16xf32, #tpu.memory_space<vmem>>[vector<16xi32>, vector<16xi32>], vector<16xf32>,
      %gather3A_238 = tpu.vector_load_idx %arg11[%add3A_232, %broadcast_in_dim3A_33] : memref<512x16xf32, #tpu.memory_space<vmem>>[vector<16xi32>, vector<16xi32>], vector<16xf32>,
      %gather3A_239 = tpu.vector_load_idx %arg11[%add3A_232, %broadcast_in_dim3A_35] : memref<512x16xf32, #tpu.memory_space<vmem>>[vector<16xi32>, vector<16xi32>], vector<16xf32>,
      %gather3A_240 = tpu.vector_load_idx %arg11[%add3A_232, %broadcast_in_dim3A_37] : memref<512x16xf32, #tpu.memory_space<vmem>>[vector<16xi32>, vector<16xi32>], vector<16xf32>,
      %gather3A_241 = tpu.vector_load_idx %arg11[%add3A_232, %broadcast_in_dim3A_39] : memref<512x16xf32, #tpu.memory_space<vmem>>[vector<16xi32>, vector<16xi32>], vector<16xf32>,
      %gather3A_242 = tpu.vector_load_idx %arg11[%add3A_232, %broadcast_in_dim3A_41] : memref<512x16xf32, #tpu.memory_space<vmem>>[vector<16xi32>, vector<16xi32>], vector<16xf32>,
      %gather3A_243 = tpu.vector_load_idx %arg11[%add3A_232, %broadcast_in_dim3A_43] : memref<512x16xf32, #tpu.memory_space<vmem>>[vector<16xi32>, vector<16xi32>], vector<16xf32>,
      %gather3A_244 = tpu.vector_load_idx %arg11[%add3A_232, %broadcast_in_dim3A_45] : memref<512x16xf32, #tpu.memory_space<vmem>>[vector<16xi32>, vector<16xi32>], vector<16xf32>,
      %gather3A_245 = tpu.vector_load_idx %arg11[%add3A_232, %broadcast_in_dim3A_47] : memref<512x16xf32, #tpu.memory_space<vmem>>[vector<16xi32>, vector<16xi32>], vector<16xf32>,
      %gather3A_246 = tpu.vector_load_idx %arg11[%add3A_232, %broadcast_in_dim3A_49] : memref<512x16xf32, #tpu.memory_space<vmem>>[vector<16xi32>, vector<16xi32>], vector<16xf32>,
      %gather3A_247 = tpu.vector_load_idx %arg11[%add3A_232, %broadcast_in_dim3A_51] : memref<512x16xf32, #tpu.memory_space<vmem>>[vector<16xi32>, vector<16xi32>], vector<16xf32>,
      %gather3A_248 = tpu.vector_load_idx %arg11[%add3A_232, %broadcast_in_dim3A_53] : memref<512x16xf32, #tpu.memory_space<vmem>>[vector<16xi32>, vector<16xi32>], vector<16xf32>,
      %add3A_249 = arith.constant 16 : i32
      %add3A_250 = vector.broadcast %add3A_249 : i32 to vector<16xi32>
      %add3A_251 = arith.addi %add3A_250, %iota3A : vector<16xi32>
      %mul3A_252 = arith.constant 50 : i32
      %mul3A_253 = vector.broadcast %mul3A_252 : i32 to vector<16xi32>
      %mul3A_254 = arith.muli %add3A_251, %mul3A_253 : vector<16xi32>
      %broadcast_in_dim3A_255 = arith.constant 0xFF800000 : f32
      %broadcast_in_dim3A_256 = vector.broadcast %broadcast_in_dim3A_255 : f32 to vector<16xf32>
      %broadcast_in_dim3A_257 = arith.constant 0.000000e+00 : f32
      %broadcast_in_dim3A_258 = vector.broadcast %broadcast_in_dim3A_257 : f32 to vector<16xf32>
      %scan3A_259 = arith.constant 0 : i32
      %scan3A_260 = arith.constant 50 : i32
      %scan3A_261 = arith.addi %scan3A_259, %scan3A_260 : i32
      %scan3A_262 = arith.constant 1 : i32
      %scan3A_263:2 = scf.for %scan3A_734 = %scan3A_259 to %scan3A_261 step %scan3A_262 iter_args(%scan3A_735 = %broadcast_in_dim3A_256, %scan3A_736 = %broadcast_in_dim3A_258) -> (vector<16xf32>, vector<16xf32>)  : i32 {
        %add3A_737 = vector.broadcast %scan3A_734 : i32 to vector<16xi32>
        %add3A_738 = arith.addi %mul3A_254, %add3A_737 : vector<16xi32>
        %broadcast_in_dim3A_739 = arith.constant 0.000000e+00 : f32
        %broadcast_in_dim3A_740 = vector.broadcast %broadcast_in_dim3A_739 : f32 to vector<16xf32>
        %broadcast_in_dim3A_741 = arith.constant 0.000000e+00 : f32
        %broadcast_in_dim3A_742 = vector.broadcast %broadcast_in_dim3A_741 : f32 to vector<16xf32>
        %gather3A_743 = tpu.vector_load_idx %arg15[%add3A_738, %broadcast_in_dim3A_23] : memref<1600x16xf32, #tpu.memory_space<vmem>>[vector<16xi32>, vector<16xi32>], vector<16xf32>,
        %mul3A_744 = arith.mulf %gather3A_743, %gather3A_233 : vector<16xf32>
        %add3A_745 = arith.addf %broadcast_in_dim3A_740, %mul3A_744 : vector<16xf32>
        %mul3A_746 = arith.mulf %gather3A_743, %gather3A_743 : vector<16xf32>
        %add3A_747 = arith.addf %broadcast_in_dim3A_742, %mul3A_746 : vector<16xf32>
        %gather3A_748 = tpu.vector_load_idx %arg15[%add3A_738, %broadcast_in_dim3A_25] : memref<1600x16xf32, #tpu.memory_space<vmem>>[vector<16xi32>, vector<16xi32>], vector<16xf32>,
        %mul3A_749 = arith.mulf %gather3A_748, %gather3A_234 : vector<16xf32>
        %add3A_750 = arith.addf %add3A_745, %mul3A_749 : vector<16xf32>
        %mul3A_751 = arith.mulf %gather3A_748, %gather3A_748 : vector<16xf32>
        %add3A_752 = arith.addf %add3A_747, %mul3A_751 : vector<16xf32>
        %gather3A_753 = tpu.vector_load_idx %arg15[%add3A_738, %broadcast_in_dim3A_27] : memref<1600x16xf32, #tpu.memory_space<vmem>>[vector<16xi32>, vector<16xi32>], vector<16xf32>,
        %mul3A_754 = arith.mulf %gather3A_753, %gather3A_235 : vector<16xf32>
        %add3A_755 = arith.addf %add3A_750, %mul3A_754 : vector<16xf32>
        %mul3A_756 = arith.mulf %gather3A_753, %gather3A_753 : vector<16xf32>
        %add3A_757 = arith.addf %add3A_752, %mul3A_756 : vector<16xf32>
        %gather3A_758 = tpu.vector_load_idx %arg15[%add3A_738, %broadcast_in_dim3A_29] : memref<1600x16xf32, #tpu.memory_space<vmem>>[vector<16xi32>, vector<16xi32>], vector<16xf32>,
        %mul3A_759 = arith.mulf %gather3A_758, %gather3A_236 : vector<16xf32>
        %add3A_760 = arith.addf %add3A_755, %mul3A_759 : vector<16xf32>
        %mul3A_761 = arith.mulf %gather3A_758, %gather3A_758 : vector<16xf32>
        %add3A_762 = arith.addf %add3A_757, %mul3A_761 : vector<16xf32>
        %gather3A_763 = tpu.vector_load_idx %arg15[%add3A_738, %broadcast_in_dim3A_31] : memref<1600x16xf32, #tpu.memory_space<vmem>>[vector<16xi32>, vector<16xi32>], vector<16xf32>,
        %mul3A_764 = arith.mulf %gather3A_763, %gather3A_237 : vector<16xf32>
        %add3A_765 = arith.addf %add3A_760, %mul3A_764 : vector<16xf32>
        %mul3A_766 = arith.mulf %gather3A_763, %gather3A_763 : vector<16xf32>
        %add3A_767 = arith.addf %add3A_762, %mul3A_766 : vector<16xf32>
        %gather3A_768 = tpu.vector_load_idx %arg15[%add3A_738, %broadcast_in_dim3A_33] : memref<1600x16xf32, #tpu.memory_space<vmem>>[vector<16xi32>, vector<16xi32>], vector<16xf32>,
        %mul3A_769 = arith.mulf %gather3A_768, %gather3A_238 : vector<16xf32>
        %add3A_770 = arith.addf %add3A_765, %mul3A_769 : vector<16xf32>
        %mul3A_771 = arith.mulf %gather3A_768, %gather3A_768 : vector<16xf32>
        %add3A_772 = arith.addf %add3A_767, %mul3A_771 : vector<16xf32>
        %gather3A_773 = tpu.vector_load_idx %arg15[%add3A_738, %broadcast_in_dim3A_35] : memref<1600x16xf32, #tpu.memory_space<vmem>>[vector<16xi32>, vector<16xi32>], vector<16xf32>,
        %mul3A_774 = arith.mulf %gather3A_773, %gather3A_239 : vector<16xf32>
        %add3A_775 = arith.addf %add3A_770, %mul3A_774 : vector<16xf32>
        %mul3A_776 = arith.mulf %gather3A_773, %gather3A_773 : vector<16xf32>
        %add3A_777 = arith.addf %add3A_772, %mul3A_776 : vector<16xf32>
        %gather3A_778 = tpu.vector_load_idx %arg15[%add3A_738, %broadcast_in_dim3A_37] : memref<1600x16xf32, #tpu.memory_space<vmem>>[vector<16xi32>, vector<16xi32>], vector<16xf32>,
        %mul3A_779 = arith.mulf %gather3A_778, %gather3A_240 : vector<16xf32>
        %add3A_780 = arith.addf %add3A_775, %mul3A_779 : vector<16xf32>
        %mul3A_781 = arith.mulf %gather3A_778, %gather3A_778 : vector<16xf32>
        %add3A_782 = arith.addf %add3A_777, %mul3A_781 : vector<16xf32>
        %gather3A_783 = tpu.vector_load_idx %arg15[%add3A_738, %broadcast_in_dim3A_39] : memref<1600x16xf32, #tpu.memory_space<vmem>>[vector<16xi32>, vector<16xi32>], vector<16xf32>,
        %mul3A_784 = arith.mulf %gather3A_783, %gather3A_241 : vector<16xf32>
        %add3A_785 = arith.addf %add3A_780, %mul3A_784 : vector<16xf32>
        %mul3A_786 = arith.mulf %gather3A_783, %gather3A_783 : vector<16xf32>
        %add3A_787 = arith.addf %add3A_782, %mul3A_786 : vector<16xf32>
        %gather3A_788 = tpu.vector_load_idx %arg15[%add3A_738, %broadcast_in_dim3A_41] : memref<1600x16xf32, #tpu.memory_space<vmem>>[vector<16xi32>, vector<16xi32>], vector<16xf32>,
        %mul3A_789 = arith.mulf %gather3A_788, %gather3A_242 : vector<16xf32>
        %add3A_790 = arith.addf %add3A_785, %mul3A_789 : vector<16xf32>
        %mul3A_791 = arith.mulf %gather3A_788, %gather3A_788 : vector<16xf32>
        %add3A_792 = arith.addf %add3A_787, %mul3A_791 : vector<16xf32>
        %gather3A_793 = tpu.vector_load_idx %arg15[%add3A_738, %broadcast_in_dim3A_43] : memref<1600x16xf32, #tpu.memory_space<vmem>>[vector<16xi32>, vector<16xi32>], vector<16xf32>,
        %mul3A_794 = arith.mulf %gather3A_793, %gather3A_243 : vector<16xf32>
        %add3A_795 = arith.addf %add3A_790, %mul3A_794 : vector<16xf32>
        %mul3A_796 = arith.mulf %gather3A_793, %gather3A_793 : vector<16xf32>
        %add3A_797 = arith.addf %add3A_792, %mul3A_796 : vector<16xf32>
        %gather3A_798 = tpu.vector_load_idx %arg15[%add3A_738, %broadcast_in_dim3A_45] : memref<1600x16xf32, #tpu.memory_space<vmem>>[vector<16xi32>, vector<16xi32>], vector<16xf32>,
        %mul3A_799 = arith.mulf %gather3A_798, %gather3A_244 : vector<16xf32>
        %add3A_800 = arith.addf %add3A_795, %mul3A_799 : vector<16xf32>
        %mul3A_801 = arith.mulf %gather3A_798, %gather3A_798 : vector<16xf32>
        %add3A_802 = arith.addf %add3A_797, %mul3A_801 : vector<16xf32>
        %gather3A_803 = tpu.vector_load_idx %arg15[%add3A_738, %broadcast_in_dim3A_47] : memref<1600x16xf32, #tpu.memory_space<vmem>>[vector<16xi32>, vector<16xi32>], vector<16xf32>,
        %mul3A_804 = arith.mulf %gather3A_803, %gather3A_245 : vector<16xf32>
        %add3A_805 = arith.addf %add3A_800, %mul3A_804 : vector<16xf32>
        %mul3A_806 = arith.mulf %gather3A_803, %gather3A_803 : vector<16xf32>
        %add3A_807 = arith.addf %add3A_802, %mul3A_806 : vector<16xf32>
        %gather3A_808 = tpu.vector_load_idx %arg15[%add3A_738, %broadcast_in_dim3A_49] : memref<1600x16xf32, #tpu.memory_space<vmem>>[vector<16xi32>, vector<16xi32>], vector<16xf32>,
        %mul3A_809 = arith.mulf %gather3A_808, %gather3A_246 : vector<16xf32>
        %add3A_810 = arith.addf %add3A_805, %mul3A_809 : vector<16xf32>
        %mul3A_811 = arith.mulf %gather3A_808, %gather3A_808 : vector<16xf32>
        %add3A_812 = arith.addf %add3A_807, %mul3A_811 : vector<16xf32>
        %gather3A_813 = tpu.vector_load_idx %arg15[%add3A_738, %broadcast_in_dim3A_51] : memref<1600x16xf32, #tpu.memory_space<vmem>>[vector<16xi32>, vector<16xi32>], vector<16xf32>,
        %mul3A_814 = arith.mulf %gather3A_813, %gather3A_247 : vector<16xf32>
        %add3A_815 = arith.addf %add3A_810, %mul3A_814 : vector<16xf32>
        %mul3A_816 = arith.mulf %gather3A_813, %gather3A_813 : vector<16xf32>
        %add3A_817 = arith.addf %add3A_812, %mul3A_816 : vector<16xf32>
        %gather3A_818 = tpu.vector_load_idx %arg15[%add3A_738, %broadcast_in_dim3A_53] : memref<1600x16xf32, #tpu.memory_space<vmem>>[vector<16xi32>, vector<16xi32>], vector<16xf32>,
        %mul3A_819 = arith.mulf %gather3A_818, %gather3A_248 : vector<16xf32>
        %add3A_820 = arith.addf %add3A_815, %mul3A_819 : vector<16xf32>
        %mul3A_821 = arith.mulf %gather3A_818, %gather3A_818 : vector<16xf32>
        %add3A_822 = arith.addf %add3A_817, %mul3A_821 : vector<16xf32>
        %gt3A = arith.cmpf ogt, %add3A_820, %scan3A_735 : vector<16xf32>
        %select_n3A = arith.select %gt3A, %add3A_820, %scan3A_735 : vector<16xi1>, vector<16xf32>
        %select_n3A_823 = arith.select %gt3A, %add3A_822, %scan3A_736 : vector<16xi1>, vector<16xf32>
        scf.yield %select_n3A, %select_n3A_823 : vector<16xf32>, vector<16xf32>
      }
      %scan3A_264 = arith.constant 50 : i32
      %broadcast_in_dim3A_265 = arith.constant 0.000000e+00 : f32
      %broadcast_in_dim3A_266 = vector.broadcast %broadcast_in_dim3A_265 : f32 to vector<16xf32>
      %broadcast_in_dim3A_267 = arith.constant 0.000000e+00 : f32
      %broadcast_in_dim3A_268 = vector.broadcast %broadcast_in_dim3A_267 : f32 to vector<16xf32>
      %broadcast_in_dim3A_269 = arith.constant 0.000000e+00 : f32
      %broadcast_in_dim3A_270 = vector.broadcast %broadcast_in_dim3A_269 : f32 to vector<16xf32>
      %gather3A_271 = tpu.vector_load_idx %arg12[%add3A_232, %broadcast_in_dim3A_23] : memref<512x16xf32, #tpu.memory_space<vmem>>[vector<16xi32>, vector<16xi32>], vector<16xf32>,
      %mul3A_272 = arith.mulf %gather3A_271, %gather3A_233 : vector<16xf32>
      %add3A_273 = arith.addf %broadcast_in_dim3A_266, %mul3A_272 : vector<16xf32>
      %mul3A_274 = arith.mulf %gather3A_271, %gather3A_271 : vector<16xf32>
      %add3A_275 = arith.addf %broadcast_in_dim3A_268, %mul3A_274 : vector<16xf32>
      %mul3A_276 = arith.mulf %gather3A_233, %gather3A_233 : vector<16xf32>
      %add3A_277 = arith.addf %broadcast_in_dim3A_270, %mul3A_276 : vector<16xf32>
      %gather3A_278 = tpu.vector_load_idx %arg12[%add3A_232, %broadcast_in_dim3A_25] : memref<512x16xf32, #tpu.memory_space<vmem>>[vector<16xi32>, vector<16xi32>], vector<16xf32>,
      %mul3A_279 = arith.mulf %gather3A_278, %gather3A_234 : vector<16xf32>
      %add3A_280 = arith.addf %add3A_273, %mul3A_279 : vector<16xf32>
      %mul3A_281 = arith.mulf %gather3A_278, %gather3A_278 : vector<16xf32>
      %add3A_282 = arith.addf %add3A_275, %mul3A_281 : vector<16xf32>
      %mul3A_283 = arith.mulf %gather3A_234, %gather3A_234 : vector<16xf32>
      %add3A_284 = arith.addf %add3A_277, %mul3A_283 : vector<16xf32>
      %gather3A_285 = tpu.vector_load_idx %arg12[%add3A_232, %broadcast_in_dim3A_27] : memref<512x16xf32, #tpu.memory_space<vmem>>[vector<16xi32>, vector<16xi32>], vector<16xf32>,
      %mul3A_286 = arith.mulf %gather3A_285, %gather3A_235 : vector<16xf32>
      %add3A_287 = arith.addf %add3A_280, %mul3A_286 : vector<16xf32>
      %mul3A_288 = arith.mulf %gather3A_285, %gather3A_285 : vector<16xf32>
      %add3A_289 = arith.addf %add3A_282, %mul3A_288 : vector<16xf32>
      %mul3A_290 = arith.mulf %gather3A_235, %gather3A_235 : vector<16xf32>
      %add3A_291 = arith.addf %add3A_284, %mul3A_290 : vector<16xf32>
      %gather3A_292 = tpu.vector_load_idx %arg12[%add3A_232, %broadcast_in_dim3A_29] : memref<512x16xf32, #tpu.memory_space<vmem>>[vector<16xi32>, vector<16xi32>], vector<16xf32>,
      %mul3A_293 = arith.mulf %gather3A_292, %gather3A_236 : vector<16xf32>
      %add3A_294 = arith.addf %add3A_287, %mul3A_293 : vector<16xf32>
      %mul3A_295 = arith.mulf %gather3A_292, %gather3A_292 : vector<16xf32>
      %add3A_296 = arith.addf %add3A_289, %mul3A_295 : vector<16xf32>
      %mul3A_297 = arith.mulf %gather3A_236, %gather3A_236 : vector<16xf32>
      %add3A_298 = arith.addf %add3A_291, %mul3A_297 : vector<16xf32>
      %gather3A_299 = tpu.vector_load_idx %arg12[%add3A_232, %broadcast_in_dim3A_31] : memref<512x16xf32, #tpu.memory_space<vmem>>[vector<16xi32>, vector<16xi32>], vector<16xf32>,
      %mul3A_300 = arith.mulf %gather3A_299, %gather3A_237 : vector<16xf32>
      %add3A_301 = arith.addf %add3A_294, %mul3A_300 : vector<16xf32>
      %mul3A_302 = arith.mulf %gather3A_299, %gather3A_299 : vector<16xf32>
      %add3A_303 = arith.addf %add3A_296, %mul3A_302 : vector<16xf32>
      %mul3A_304 = arith.mulf %gather3A_237, %gather3A_237 : vector<16xf32>
      %add3A_305 = arith.addf %add3A_298, %mul3A_304 : vector<16xf32>
      %gather3A_306 = tpu.vector_load_idx %arg12[%add3A_232, %broadcast_in_dim3A_33] : memref<512x16xf32, #tpu.memory_space<vmem>>[vector<16xi32>, vector<16xi32>], vector<16xf32>,
      %mul3A_307 = arith.mulf %gather3A_306, %gather3A_238 : vector<16xf32>
      %add3A_308 = arith.addf %add3A_301, %mul3A_307 : vector<16xf32>
      %mul3A_309 = arith.mulf %gather3A_306, %gather3A_306 : vector<16xf32>
      %add3A_310 = arith.addf %add3A_303, %mul3A_309 : vector<16xf32>
      %mul3A_311 = arith.mulf %gather3A_238, %gather3A_238 : vector<16xf32>
      %add3A_312 = arith.addf %add3A_305, %mul3A_311 : vector<16xf32>
      %gather3A_313 = tpu.vector_load_idx %arg12[%add3A_232, %broadcast_in_dim3A_35] : memref<512x16xf32, #tpu.memory_space<vmem>>[vector<16xi32>, vector<16xi32>], vector<16xf32>,
      %mul3A_314 = arith.mulf %gather3A_313, %gather3A_239 : vector<16xf32>
      %add3A_315 = arith.addf %add3A_308, %mul3A_314 : vector<16xf32>
      %mul3A_316 = arith.mulf %gather3A_313, %gather3A_313 : vector<16xf32>
      %add3A_317 = arith.addf %add3A_310, %mul3A_316 : vector<16xf32>
      %mul3A_318 = arith.mulf %gather3A_239, %gather3A_239 : vector<16xf32>
      %add3A_319 = arith.addf %add3A_312, %mul3A_318 : vector<16xf32>
      %gather3A_320 = tpu.vector_load_idx %arg12[%add3A_232, %broadcast_in_dim3A_37] : memref<512x16xf32, #tpu.memory_space<vmem>>[vector<16xi32>, vector<16xi32>], vector<16xf32>,
      %mul3A_321 = arith.mulf %gather3A_320, %gather3A_240 : vector<16xf32>
      %add3A_322 = arith.addf %add3A_315, %mul3A_321 : vector<16xf32>
      %mul3A_323 = arith.mulf %gather3A_320, %gather3A_320 : vector<16xf32>
      %add3A_324 = arith.addf %add3A_317, %mul3A_323 : vector<16xf32>
      %mul3A_325 = arith.mulf %gather3A_240, %gather3A_240 : vector<16xf32>
      %add3A_326 = arith.addf %add3A_319, %mul3A_325 : vector<16xf32>
      %gather3A_327 = tpu.vector_load_idx %arg12[%add3A_232, %broadcast_in_dim3A_39] : memref<512x16xf32, #tpu.memory_space<vmem>>[vector<16xi32>, vector<16xi32>], vector<16xf32>,
      %mul3A_328 = arith.mulf %gather3A_327, %gather3A_241 : vector<16xf32>
      %add3A_329 = arith.addf %add3A_322, %mul3A_328 : vector<16xf32>
      %mul3A_330 = arith.mulf %gather3A_327, %gather3A_327 : vector<16xf32>
      %add3A_331 = arith.addf %add3A_324, %mul3A_330 : vector<16xf32>
      %mul3A_332 = arith.mulf %gather3A_241, %gather3A_241 : vector<16xf32>
      %add3A_333 = arith.addf %add3A_326, %mul3A_332 : vector<16xf32>
      %gather3A_334 = tpu.vector_load_idx %arg12[%add3A_232, %broadcast_in_dim3A_41] : memref<512x16xf32, #tpu.memory_space<vmem>>[vector<16xi32>, vector<16xi32>], vector<16xf32>,
      %mul3A_335 = arith.mulf %gather3A_334, %gather3A_242 : vector<16xf32>
      %add3A_336 = arith.addf %add3A_329, %mul3A_335 : vector<16xf32>
      %mul3A_337 = arith.mulf %gather3A_334, %gather3A_334 : vector<16xf32>
      %add3A_338 = arith.addf %add3A_331, %mul3A_337 : vector<16xf32>
      %mul3A_339 = arith.mulf %gather3A_242, %gather3A_242 : vector<16xf32>
      %add3A_340 = arith.addf %add3A_333, %mul3A_339 : vector<16xf32>
      %gather3A_341 = tpu.vector_load_idx %arg12[%add3A_232, %broadcast_in_dim3A_43] : memref<512x16xf32, #tpu.memory_space<vmem>>[vector<16xi32>, vector<16xi32>], vector<16xf32>,
      %mul3A_342 = arith.mulf %gather3A_341, %gather3A_243 : vector<16xf32>
      %add3A_343 = arith.addf %add3A_336, %mul3A_342 : vector<16xf32>
      %mul3A_344 = arith.mulf %gather3A_341, %gather3A_341 : vector<16xf32>
      %add3A_345 = arith.addf %add3A_338, %mul3A_344 : vector<16xf32>
      %mul3A_346 = arith.mulf %gather3A_243, %gather3A_243 : vector<16xf32>
      %add3A_347 = arith.addf %add3A_340, %mul3A_346 : vector<16xf32>
      %gather3A_348 = tpu.vector_load_idx %arg12[%add3A_232, %broadcast_in_dim3A_45] : memref<512x16xf32, #tpu.memory_space<vmem>>[vector<16xi32>, vector<16xi32>], vector<16xf32>,
      %mul3A_349 = arith.mulf %gather3A_348, %gather3A_244 : vector<16xf32>
      %add3A_350 = arith.addf %add3A_343, %mul3A_349 : vector<16xf32>
      %mul3A_351 = arith.mulf %gather3A_348, %gather3A_348 : vector<16xf32>
      %add3A_352 = arith.addf %add3A_345, %mul3A_351 : vector<16xf32>
      %mul3A_353 = arith.mulf %gather3A_244, %gather3A_244 : vector<16xf32>
      %add3A_354 = arith.addf %add3A_347, %mul3A_353 : vector<16xf32>
      %gather3A_355 = tpu.vector_load_idx %arg12[%add3A_232, %broadcast_in_dim3A_47] : memref<512x16xf32, #tpu.memory_space<vmem>>[vector<16xi32>, vector<16xi32>], vector<16xf32>,
      %mul3A_356 = arith.mulf %gather3A_355, %gather3A_245 : vector<16xf32>
      %add3A_357 = arith.addf %add3A_350, %mul3A_356 : vector<16xf32>
      %mul3A_358 = arith.mulf %gather3A_355, %gather3A_355 : vector<16xf32>
      %add3A_359 = arith.addf %add3A_352, %mul3A_358 : vector<16xf32>
      %mul3A_360 = arith.mulf %gather3A_245, %gather3A_245 : vector<16xf32>
      %add3A_361 = arith.addf %add3A_354, %mul3A_360 : vector<16xf32>
      %gather3A_362 = tpu.vector_load_idx %arg12[%add3A_232, %broadcast_in_dim3A_49] : memref<512x16xf32, #tpu.memory_space<vmem>>[vector<16xi32>, vector<16xi32>], vector<16xf32>,
      %mul3A_363 = arith.mulf %gather3A_362, %gather3A_246 : vector<16xf32>
      %add3A_364 = arith.addf %add3A_357, %mul3A_363 : vector<16xf32>
      %mul3A_365 = arith.mulf %gather3A_362, %gather3A_362 : vector<16xf32>
      %add3A_366 = arith.addf %add3A_359, %mul3A_365 : vector<16xf32>
      %mul3A_367 = arith.mulf %gather3A_246, %gather3A_246 : vector<16xf32>
      %add3A_368 = arith.addf %add3A_361, %mul3A_367 : vector<16xf32>
      %gather3A_369 = tpu.vector_load_idx %arg12[%add3A_232, %broadcast_in_dim3A_51] : memref<512x16xf32, #tpu.memory_space<vmem>>[vector<16xi32>, vector<16xi32>], vector<16xf32>,
      %mul3A_370 = arith.mulf %gather3A_369, %gather3A_247 : vector<16xf32>
      %add3A_371 = arith.addf %add3A_364, %mul3A_370 : vector<16xf32>
      %mul3A_372 = arith.mulf %gather3A_369, %gather3A_369 : vector<16xf32>
      %add3A_373 = arith.addf %add3A_366, %mul3A_372 : vector<16xf32>
      %mul3A_374 = arith.mulf %gather3A_247, %gather3A_247 : vector<16xf32>
      %add3A_375 = arith.addf %add3A_368, %mul3A_374 : vector<16xf32>
      %gather3A_376 = tpu.vector_load_idx %arg12[%add3A_232, %broadcast_in_dim3A_53] : memref<512x16xf32, #tpu.memory_space<vmem>>[vector<16xi32>, vector<16xi32>], vector<16xf32>,
      %mul3A_377 = arith.mulf %gather3A_376, %gather3A_248 : vector<16xf32>
      %add3A_378 = arith.addf %add3A_371, %mul3A_377 : vector<16xf32>
      %mul3A_379 = arith.mulf %gather3A_376, %gather3A_376 : vector<16xf32>
      %add3A_380 = arith.addf %add3A_373, %mul3A_379 : vector<16xf32>
      %mul3A_381 = arith.mulf %gather3A_248, %gather3A_248 : vector<16xf32>
      %add3A_382 = arith.addf %add3A_375, %mul3A_381 : vector<16xf32>
      %sub3A_383 = arith.subf %add3A_378, %scan3A_263#0 : vector<16xf32>
      %swap3A_384 = arith.index_cast %add3A_230 : i32 to index
      %swap3A_385 = tpu.vector_load %arg17[%swap3A_384] {strides = array<i32>} : memref<512xf32, #tpu.memory_space<vmem>>, vector<16xf32>,
      tpu.vector_store %arg17[%swap3A_384], %sub3A_383 {strides = array<i32>} : memref<512xf32, #tpu.memory_space<vmem>>, vector<16xf32>,
      %add3A_386 = arith.addf %add3A_382, %add3A_380 : vector<16xf32>
      %add3A_387 = arith.addf %add3A_386, %scan3A_263#1 : vector<16xf32>
      %swap3A_388 = arith.index_cast %add3A_230 : i32 to index
      %swap3A_389 = tpu.vector_load %arg18[%swap3A_388] {strides = array<i32>} : memref<512xf32, #tpu.memory_space<vmem>>, vector<16xf32>,
      tpu.vector_store %arg18[%swap3A_388], %add3A_387 {strides = array<i32>} : memref<512xf32, #tpu.memory_space<vmem>>, vector<16xf32>,
      %add3A_390 = arith.constant 2 : i32
      %add3A_391 = arith.addi %add3A_63, %add3A_390 : i32
      %lt3A = arith.constant 16 : i32
      %lt3A_392 = arith.cmpi slt, %add3A_391, %lt3A : i32
      %convert_element_type3A = arith.extui %lt3A_392 : i1 to i32
      %cond3A = arith.constant 0 : i32
      %cond3A_393 = arith.cmpi ne, %convert_element_type3A, %cond3A : i32
      scf.if %cond3A_393 {
        %mul3A_734 = arith.constant 1600 : i32
        %mul3A_735 = arith.muli %add3A_391, %mul3A_734 : i32
        %add3A_736 = arith.addi %mul3A_4, %mul3A_735 : i32
        "tpu.region"() ({
          %run_scoped3A = tpu.sem_alloc : memref<!tpu.dma_semaphore, #tpu.memory_space<semaphore_mem>>
          %dma_start3A_740 = tpu.memref_slice %arg4[%add3A_736] : memref<819200xi32, #tpu.memory_space<hbm>> -> memref<1600xi32, #tpu.memory_space<hbm>>
          %dma_start3A_741 = tpu.memref_slice %arg4[%add3A_736] : memref<819200xi32, #tpu.memory_space<hbm>> -> memref<1600xi32, #tpu.memory_space<hbm>>
          tpu.enqueue_dma source(%dma_start3A_741 : memref<1600xi32, #tpu.memory_space<hbm>>) target(%arg13 : memref<1600xi32, #tpu.memory_space<vmem>>) target_semaphore(%run_scoped3A : memref<!tpu.dma_semaphore, #tpu.memory_space<semaphore_mem>>)
          %dma_wait3A_742 = tpu.memref_slice %arg4[%add3A_736] : memref<819200xi32, #tpu.memory_space<hbm>> -> memref<1600xi32, #tpu.memory_space<hbm>>
          %dma_wait3A_743 = tpu.memref_slice %arg4[%add3A_736] : memref<819200xi32, #tpu.memory_space<hbm>> -> memref<1600xi32, #tpu.memory_space<hbm>>
          tpu.wait_dma2 semaphore(%run_scoped3A : memref<!tpu.dma_semaphore, #tpu.memory_space<semaphore_mem>>) src(%dma_wait3A_743 : memref<1600xi32, #tpu.memory_space<hbm>>) dst(%arg13 : memref<1600xi32, #tpu.memory_space<vmem>>)
          tpu.yield
        }) : () -> ()
        %dma_start3A_737 = arith.constant 0 : i32
        %dma_start3A_738 = arith.constant 0 : i32
        %dma_start3A_739 = tpu.memref_slice %arg6[%dma_start3A_737, %dma_start3A_738] : memref<1000000x16xf32, #tpu.memory_space<hbm>> -> memref<1000000x16xf32, #tpu.memory_space<hbm>>
        tpu.enqueue_indirect_dma source(%dma_start3A_739 : memref<1000000x16xf32, #tpu.memory_space<hbm>>) target(%arg15 : memref<1600x16xf32, #tpu.memory_space<vmem>>) offsets(%arg13 : memref<1600xi32, #tpu.memory_space<vmem>>) semaphore(%arg21 : memref<!tpu.dma_semaphore, #tpu.memory_space<semaphore_mem>>)
      } else {
      }
      %mul3A_394 = arith.constant 2 : i32
      %mul3A_395 = arith.muli %scan3A_59, %mul3A_394 : i32
      %add3A_396 = arith.constant 1 : i32
      %add3A_397 = arith.addi %mul3A_395, %add3A_396 : i32
      %dma_wait3A_398 = arith.constant 0 : i32
      %dma_wait3A_399 = arith.constant 0 : i32
      %dma_wait3A_400 = tpu.memref_slice %arg6[%dma_wait3A_398, %dma_wait3A_399] : memref<1000000x16xf32, #tpu.memory_space<hbm>> -> memref<1000000x16xf32, #tpu.memory_space<hbm>>
      tpu.wait_indirect_dma semaphore(%arg22 : memref<!tpu.dma_semaphore, #tpu.memory_space<semaphore_mem>>) src(%dma_wait3A_400 : memref<1000000x16xf32, #tpu.memory_space<hbm>>) dst(%arg16 : memref<1600x16xf32, #tpu.memory_space<vmem>>)
      %mul3A_401 = arith.constant 32 : i32
      %mul3A_402 = arith.muli %add3A_397, %mul3A_401 : i32
      %add3A_403 = arith.constant 0 : i32
      %add3A_404 = arith.addi %mul3A_402, %add3A_403 : i32
      %add3A_405 = vector.broadcast %add3A_404 : i32 to vector<16xi32>
      %add3A_406 = arith.addi %add3A_405, %iota3A : vector<16xi32>
      %gather3A_407 = tpu.vector_load_idx %arg11[%add3A_406, %broadcast_in_dim3A_23] : memref<512x16xf32, #tpu.memory_space<vmem>>[vector<16xi32>, vector<16xi32>], vector<16xf32>,
      %gather3A_408 = tpu.vector_load_idx %arg11[%add3A_406, %broadcast_in_dim3A_25] : memref<512x16xf32, #tpu.memory_space<vmem>>[vector<16xi32>, vector<16xi32>], vector<16xf32>,
      %gather3A_409 = tpu.vector_load_idx %arg11[%add3A_406, %broadcast_in_dim3A_27] : memref<512x16xf32, #tpu.memory_space<vmem>>[vector<16xi32>, vector<16xi32>], vector<16xf32>,
      %gather3A_410 = tpu.vector_load_idx %arg11[%add3A_406, %broadcast_in_dim3A_29] : memref<512x16xf32, #tpu.memory_space<vmem>>[vector<16xi32>, vector<16xi32>], vector<16xf32>,
      %gather3A_411 = tpu.vector_load_idx %arg11[%add3A_406, %broadcast_in_dim3A_31] : memref<512x16xf32, #tpu.memory_space<vmem>>[vector<16xi32>, vector<16xi32>], vector<16xf32>,
      %gather3A_412 = tpu.vector_load_idx %arg11[%add3A_406, %broadcast_in_dim3A_33] : memref<512x16xf32, #tpu.memory_space<vmem>>[vector<16xi32>, vector<16xi32>], vector<16xf32>,
      %gather3A_413 = tpu.vector_load_idx %arg11[%add3A_406, %broadcast_in_dim3A_35] : memref<512x16xf32, #tpu.memory_space<vmem>>[vector<16xi32>, vector<16xi32>], vector<16xf32>,
      %gather3A_414 = tpu.vector_load_idx %arg11[%add3A_406, %broadcast_in_dim3A_37] : memref<512x16xf32, #tpu.memory_space<vmem>>[vector<16xi32>, vector<16xi32>], vector<16xf32>,
      %gather3A_415 = tpu.vector_load_idx %arg11[%add3A_406, %broadcast_in_dim3A_39] : memref<512x16xf32, #tpu.memory_space<vmem>>[vector<16xi32>, vector<16xi32>], vector<16xf32>,
      %gather3A_416 = tpu.vector_load_idx %arg11[%add3A_406, %broadcast_in_dim3A_41] : memref<512x16xf32, #tpu.memory_space<vmem>>[vector<16xi32>, vector<16xi32>], vector<16xf32>,
      %gather3A_417 = tpu.vector_load_idx %arg11[%add3A_406, %broadcast_in_dim3A_43] : memref<512x16xf32, #tpu.memory_space<vmem>>[vector<16xi32>, vector<16xi32>], vector<16xf32>,
      %gather3A_418 = tpu.vector_load_idx %arg11[%add3A_406, %broadcast_in_dim3A_45] : memref<512x16xf32, #tpu.memory_space<vmem>>[vector<16xi32>, vector<16xi32>], vector<16xf32>,
      %gather3A_419 = tpu.vector_load_idx %arg11[%add3A_406, %broadcast_in_dim3A_47] : memref<512x16xf32, #tpu.memory_space<vmem>>[vector<16xi32>, vector<16xi32>], vector<16xf32>,
      %gather3A_420 = tpu.vector_load_idx %arg11[%add3A_406, %broadcast_in_dim3A_49] : memref<512x16xf32, #tpu.memory_space<vmem>>[vector<16xi32>, vector<16xi32>], vector<16xf32>,
      %gather3A_421 = tpu.vector_load_idx %arg11[%add3A_406, %broadcast_in_dim3A_51] : memref<512x16xf32, #tpu.memory_space<vmem>>[vector<16xi32>, vector<16xi32>], vector<16xf32>,
      %gather3A_422 = tpu.vector_load_idx %arg11[%add3A_406, %broadcast_in_dim3A_53] : memref<512x16xf32, #tpu.memory_space<vmem>>[vector<16xi32>, vector<16xi32>], vector<16xf32>,
      %add3A_423 = arith.constant 0 : i32
      %add3A_424 = vector.broadcast %add3A_423 : i32 to vector<16xi32>
      %add3A_425 = arith.addi %add3A_424, %iota3A : vector<16xi32>
      %mul3A_426 = arith.constant 50 : i32
      %mul3A_427 = vector.broadcast %mul3A_426 : i32 to vector<16xi32>
      %mul3A_428 = arith.muli %add3A_425, %mul3A_427 : vector<16xi32>
      %broadcast_in_dim3A_429 = arith.constant 0xFF800000 : f32
      %broadcast_in_dim3A_430 = vector.broadcast %broadcast_in_dim3A_429 : f32 to vector<16xf32>
      %broadcast_in_dim3A_431 = arith.constant 0.000000e+00 : f32
      %broadcast_in_dim3A_432 = vector.broadcast %broadcast_in_dim3A_431 : f32 to vector<16xf32>
      %scan3A_433 = arith.constant 0 : i32
      %scan3A_434 = arith.constant 50 : i32
      %scan3A_435 = arith.addi %scan3A_433, %scan3A_434 : i32
      %scan3A_436 = arith.constant 1 : i32
      %scan3A_437:2 = scf.for %scan3A_734 = %scan3A_433 to %scan3A_435 step %scan3A_436 iter_args(%scan3A_735 = %broadcast_in_dim3A_430, %scan3A_736 = %broadcast_in_dim3A_432) -> (vector<16xf32>, vector<16xf32>)  : i32 {
        %add3A_737 = vector.broadcast %scan3A_734 : i32 to vector<16xi32>
        %add3A_738 = arith.addi %mul3A_428, %add3A_737 : vector<16xi32>
        %broadcast_in_dim3A_739 = arith.constant 0.000000e+00 : f32
        %broadcast_in_dim3A_740 = vector.broadcast %broadcast_in_dim3A_739 : f32 to vector<16xf32>
        %broadcast_in_dim3A_741 = arith.constant 0.000000e+00 : f32
        %broadcast_in_dim3A_742 = vector.broadcast %broadcast_in_dim3A_741 : f32 to vector<16xf32>
        %gather3A_743 = tpu.vector_load_idx %arg16[%add3A_738, %broadcast_in_dim3A_23] : memref<1600x16xf32, #tpu.memory_space<vmem>>[vector<16xi32>, vector<16xi32>], vector<16xf32>,
        %mul3A_744 = arith.mulf %gather3A_743, %gather3A_407 : vector<16xf32>
        %add3A_745 = arith.addf %broadcast_in_dim3A_740, %mul3A_744 : vector<16xf32>
        %mul3A_746 = arith.mulf %gather3A_743, %gather3A_743 : vector<16xf32>
        %add3A_747 = arith.addf %broadcast_in_dim3A_742, %mul3A_746 : vector<16xf32>
        %gather3A_748 = tpu.vector_load_idx %arg16[%add3A_738, %broadcast_in_dim3A_25] : memref<1600x16xf32, #tpu.memory_space<vmem>>[vector<16xi32>, vector<16xi32>], vector<16xf32>,
        %mul3A_749 = arith.mulf %gather3A_748, %gather3A_408 : vector<16xf32>
        %add3A_750 = arith.addf %add3A_745, %mul3A_749 : vector<16xf32>
        %mul3A_751 = arith.mulf %gather3A_748, %gather3A_748 : vector<16xf32>
        %add3A_752 = arith.addf %add3A_747, %mul3A_751 : vector<16xf32>
        %gather3A_753 = tpu.vector_load_idx %arg16[%add3A_738, %broadcast_in_dim3A_27] : memref<1600x16xf32, #tpu.memory_space<vmem>>[vector<16xi32>, vector<16xi32>], vector<16xf32>,
        %mul3A_754 = arith.mulf %gather3A_753, %gather3A_409 : vector<16xf32>
        %add3A_755 = arith.addf %add3A_750, %mul3A_754 : vector<16xf32>
        %mul3A_756 = arith.mulf %gather3A_753, %gather3A_753 : vector<16xf32>
        %add3A_757 = arith.addf %add3A_752, %mul3A_756 : vector<16xf32>
        %gather3A_758 = tpu.vector_load_idx %arg16[%add3A_738, %broadcast_in_dim3A_29] : memref<1600x16xf32, #tpu.memory_space<vmem>>[vector<16xi32>, vector<16xi32>], vector<16xf32>,
        %mul3A_759 = arith.mulf %gather3A_758, %gather3A_410 : vector<16xf32>
        %add3A_760 = arith.addf %add3A_755, %mul3A_759 : vector<16xf32>
        %mul3A_761 = arith.mulf %gather3A_758, %gather3A_758 : vector<16xf32>
        %add3A_762 = arith.addf %add3A_757, %mul3A_761 : vector<16xf32>
        %gather3A_763 = tpu.vector_load_idx %arg16[%add3A_738, %broadcast_in_dim3A_31] : memref<1600x16xf32, #tpu.memory_space<vmem>>[vector<16xi32>, vector<16xi32>], vector<16xf32>,
        %mul3A_764 = arith.mulf %gather3A_763, %gather3A_411 : vector<16xf32>
        %add3A_765 = arith.addf %add3A_760, %mul3A_764 : vector<16xf32>
        %mul3A_766 = arith.mulf %gather3A_763, %gather3A_763 : vector<16xf32>
        %add3A_767 = arith.addf %add3A_762, %mul3A_766 : vector<16xf32>
        %gather3A_768 = tpu.vector_load_idx %arg16[%add3A_738, %broadcast_in_dim3A_33] : memref<1600x16xf32, #tpu.memory_space<vmem>>[vector<16xi32>, vector<16xi32>], vector<16xf32>,
        %mul3A_769 = arith.mulf %gather3A_768, %gather3A_412 : vector<16xf32>
        %add3A_770 = arith.addf %add3A_765, %mul3A_769 : vector<16xf32>
        %mul3A_771 = arith.mulf %gather3A_768, %gather3A_768 : vector<16xf32>
        %add3A_772 = arith.addf %add3A_767, %mul3A_771 : vector<16xf32>
        %gather3A_773 = tpu.vector_load_idx %arg16[%add3A_738, %broadcast_in_dim3A_35] : memref<1600x16xf32, #tpu.memory_space<vmem>>[vector<16xi32>, vector<16xi32>], vector<16xf32>,
        %mul3A_774 = arith.mulf %gather3A_773, %gather3A_413 : vector<16xf32>
        %add3A_775 = arith.addf %add3A_770, %mul3A_774 : vector<16xf32>
        %mul3A_776 = arith.mulf %gather3A_773, %gather3A_773 : vector<16xf32>
        %add3A_777 = arith.addf %add3A_772, %mul3A_776 : vector<16xf32>
        %gather3A_778 = tpu.vector_load_idx %arg16[%add3A_738, %broadcast_in_dim3A_37] : memref<1600x16xf32, #tpu.memory_space<vmem>>[vector<16xi32>, vector<16xi32>], vector<16xf32>,
        %mul3A_779 = arith.mulf %gather3A_778, %gather3A_414 : vector<16xf32>
        %add3A_780 = arith.addf %add3A_775, %mul3A_779 : vector<16xf32>
        %mul3A_781 = arith.mulf %gather3A_778, %gather3A_778 : vector<16xf32>
        %add3A_782 = arith.addf %add3A_777, %mul3A_781 : vector<16xf32>
        %gather3A_783 = tpu.vector_load_idx %arg16[%add3A_738, %broadcast_in_dim3A_39] : memref<1600x16xf32, #tpu.memory_space<vmem>>[vector<16xi32>, vector<16xi32>], vector<16xf32>,
        %mul3A_784 = arith.mulf %gather3A_783, %gather3A_415 : vector<16xf32>
        %add3A_785 = arith.addf %add3A_780, %mul3A_784 : vector<16xf32>
        %mul3A_786 = arith.mulf %gather3A_783, %gather3A_783 : vector<16xf32>
        %add3A_787 = arith.addf %add3A_782, %mul3A_786 : vector<16xf32>
        %gather3A_788 = tpu.vector_load_idx %arg16[%add3A_738, %broadcast_in_dim3A_41] : memref<1600x16xf32, #tpu.memory_space<vmem>>[vector<16xi32>, vector<16xi32>], vector<16xf32>,
        %mul3A_789 = arith.mulf %gather3A_788, %gather3A_416 : vector<16xf32>
        %add3A_790 = arith.addf %add3A_785, %mul3A_789 : vector<16xf32>
        %mul3A_791 = arith.mulf %gather3A_788, %gather3A_788 : vector<16xf32>
        %add3A_792 = arith.addf %add3A_787, %mul3A_791 : vector<16xf32>
        %gather3A_793 = tpu.vector_load_idx %arg16[%add3A_738, %broadcast_in_dim3A_43] : memref<1600x16xf32, #tpu.memory_space<vmem>>[vector<16xi32>, vector<16xi32>], vector<16xf32>,
        %mul3A_794 = arith.mulf %gather3A_793, %gather3A_417 : vector<16xf32>
        %add3A_795 = arith.addf %add3A_790, %mul3A_794 : vector<16xf32>
        %mul3A_796 = arith.mulf %gather3A_793, %gather3A_793 : vector<16xf32>
        %add3A_797 = arith.addf %add3A_792, %mul3A_796 : vector<16xf32>
        %gather3A_798 = tpu.vector_load_idx %arg16[%add3A_738, %broadcast_in_dim3A_45] : memref<1600x16xf32, #tpu.memory_space<vmem>>[vector<16xi32>, vector<16xi32>], vector<16xf32>,
        %mul3A_799 = arith.mulf %gather3A_798, %gather3A_418 : vector<16xf32>
        %add3A_800 = arith.addf %add3A_795, %mul3A_799 : vector<16xf32>
        %mul3A_801 = arith.mulf %gather3A_798, %gather3A_798 : vector<16xf32>
        %add3A_802 = arith.addf %add3A_797, %mul3A_801 : vector<16xf32>
        %gather3A_803 = tpu.vector_load_idx %arg16[%add3A_738, %broadcast_in_dim3A_47] : memref<1600x16xf32, #tpu.memory_space<vmem>>[vector<16xi32>, vector<16xi32>], vector<16xf32>,
        %mul3A_804 = arith.mulf %gather3A_803, %gather3A_419 : vector<16xf32>
        %add3A_805 = arith.addf %add3A_800, %mul3A_804 : vector<16xf32>
        %mul3A_806 = arith.mulf %gather3A_803, %gather3A_803 : vector<16xf32>
        %add3A_807 = arith.addf %add3A_802, %mul3A_806 : vector<16xf32>
        %gather3A_808 = tpu.vector_load_idx %arg16[%add3A_738, %broadcast_in_dim3A_49] : memref<1600x16xf32, #tpu.memory_space<vmem>>[vector<16xi32>, vector<16xi32>], vector<16xf32>,
        %mul3A_809 = arith.mulf %gather3A_808, %gather3A_420 : vector<16xf32>
        %add3A_810 = arith.addf %add3A_805, %mul3A_809 : vector<16xf32>
        %mul3A_811 = arith.mulf %gather3A_808, %gather3A_808 : vector<16xf32>
        %add3A_812 = arith.addf %add3A_807, %mul3A_811 : vector<16xf32>
        %gather3A_813 = tpu.vector_load_idx %arg16[%add3A_738, %broadcast_in_dim3A_51] : memref<1600x16xf32, #tpu.memory_space<vmem>>[vector<16xi32>, vector<16xi32>], vector<16xf32>,
        %mul3A_814 = arith.mulf %gather3A_813, %gather3A_421 : vector<16xf32>
        %add3A_815 = arith.addf %add3A_810, %mul3A_814 : vector<16xf32>
        %mul3A_816 = arith.mulf %gather3A_813, %gather3A_813 : vector<16xf32>
        %add3A_817 = arith.addf %add3A_812, %mul3A_816 : vector<16xf32>
        %gather3A_818 = tpu.vector_load_idx %arg16[%add3A_738, %broadcast_in_dim3A_53] : memref<1600x16xf32, #tpu.memory_space<vmem>>[vector<16xi32>, vector<16xi32>], vector<16xf32>,
        %mul3A_819 = arith.mulf %gather3A_818, %gather3A_422 : vector<16xf32>
        %add3A_820 = arith.addf %add3A_815, %mul3A_819 : vector<16xf32>
        %mul3A_821 = arith.mulf %gather3A_818, %gather3A_818 : vector<16xf32>
        %add3A_822 = arith.addf %add3A_817, %mul3A_821 : vector<16xf32>
        %gt3A = arith.cmpf ogt, %add3A_820, %scan3A_735 : vector<16xf32>
        %select_n3A = arith.select %gt3A, %add3A_820, %scan3A_735 : vector<16xi1>, vector<16xf32>
        %select_n3A_823 = arith.select %gt3A, %add3A_822, %scan3A_736 : vector<16xi1>, vector<16xf32>
        scf.yield %select_n3A, %select_n3A_823 : vector<16xf32>, vector<16xf32>
      }
      %scan3A_438 = arith.constant 50 : i32
      %broadcast_in_dim3A_439 = arith.constant 0.000000e+00 : f32
      %broadcast_in_dim3A_440 = vector.broadcast %broadcast_in_dim3A_439 : f32 to vector<16xf32>
      %broadcast_in_dim3A_441 = arith.constant 0.000000e+00 : f32
      %broadcast_in_dim3A_442 = vector.broadcast %broadcast_in_dim3A_441 : f32 to vector<16xf32>
      %broadcast_in_dim3A_443 = arith.constant 0.000000e+00 : f32
      %broadcast_in_dim3A_444 = vector.broadcast %broadcast_in_dim3A_443 : f32 to vector<16xf32>
      %gather3A_445 = tpu.vector_load_idx %arg12[%add3A_406, %broadcast_in_dim3A_23] : memref<512x16xf32, #tpu.memory_space<vmem>>[vector<16xi32>, vector<16xi32>], vector<16xf32>,
      %mul3A_446 = arith.mulf %gather3A_445, %gather3A_407 : vector<16xf32>
      %add3A_447 = arith.addf %broadcast_in_dim3A_440, %mul3A_446 : vector<16xf32>
      %mul3A_448 = arith.mulf %gather3A_445, %gather3A_445 : vector<16xf32>
      %add3A_449 = arith.addf %broadcast_in_dim3A_442, %mul3A_448 : vector<16xf32>
      %mul3A_450 = arith.mulf %gather3A_407, %gather3A_407 : vector<16xf32>
      %add3A_451 = arith.addf %broadcast_in_dim3A_444, %mul3A_450 : vector<16xf32>
      %gather3A_452 = tpu.vector_load_idx %arg12[%add3A_406, %broadcast_in_dim3A_25] : memref<512x16xf32, #tpu.memory_space<vmem>>[vector<16xi32>, vector<16xi32>], vector<16xf32>,
      %mul3A_453 = arith.mulf %gather3A_452, %gather3A_408 : vector<16xf32>
      %add3A_454 = arith.addf %add3A_447, %mul3A_453 : vector<16xf32>
      %mul3A_455 = arith.mulf %gather3A_452, %gather3A_452 : vector<16xf32>
      %add3A_456 = arith.addf %add3A_449, %mul3A_455 : vector<16xf32>
      %mul3A_457 = arith.mulf %gather3A_408, %gather3A_408 : vector<16xf32>
      %add3A_458 = arith.addf %add3A_451, %mul3A_457 : vector<16xf32>
      %gather3A_459 = tpu.vector_load_idx %arg12[%add3A_406, %broadcast_in_dim3A_27] : memref<512x16xf32, #tpu.memory_space<vmem>>[vector<16xi32>, vector<16xi32>], vector<16xf32>,
      %mul3A_460 = arith.mulf %gather3A_459, %gather3A_409 : vector<16xf32>
      %add3A_461 = arith.addf %add3A_454, %mul3A_460 : vector<16xf32>
      %mul3A_462 = arith.mulf %gather3A_459, %gather3A_459 : vector<16xf32>
      %add3A_463 = arith.addf %add3A_456, %mul3A_462 : vector<16xf32>
      %mul3A_464 = arith.mulf %gather3A_409, %gather3A_409 : vector<16xf32>
      %add3A_465 = arith.addf %add3A_458, %mul3A_464 : vector<16xf32>
      %gather3A_466 = tpu.vector_load_idx %arg12[%add3A_406, %broadcast_in_dim3A_29] : memref<512x16xf32, #tpu.memory_space<vmem>>[vector<16xi32>, vector<16xi32>], vector<16xf32>,
      %mul3A_467 = arith.mulf %gather3A_466, %gather3A_410 : vector<16xf32>
      %add3A_468 = arith.addf %add3A_461, %mul3A_467 : vector<16xf32>
      %mul3A_469 = arith.mulf %gather3A_466, %gather3A_466 : vector<16xf32>
      %add3A_470 = arith.addf %add3A_463, %mul3A_469 : vector<16xf32>
      %mul3A_471 = arith.mulf %gather3A_410, %gather3A_410 : vector<16xf32>
      %add3A_472 = arith.addf %add3A_465, %mul3A_471 : vector<16xf32>
      %gather3A_473 = tpu.vector_load_idx %arg12[%add3A_406, %broadcast_in_dim3A_31] : memref<512x16xf32, #tpu.memory_space<vmem>>[vector<16xi32>, vector<16xi32>], vector<16xf32>,
      %mul3A_474 = arith.mulf %gather3A_473, %gather3A_411 : vector<16xf32>
      %add3A_475 = arith.addf %add3A_468, %mul3A_474 : vector<16xf32>
      %mul3A_476 = arith.mulf %gather3A_473, %gather3A_473 : vector<16xf32>
      %add3A_477 = arith.addf %add3A_470, %mul3A_476 : vector<16xf32>
      %mul3A_478 = arith.mulf %gather3A_411, %gather3A_411 : vector<16xf32>
      %add3A_479 = arith.addf %add3A_472, %mul3A_478 : vector<16xf32>
      %gather3A_480 = tpu.vector_load_idx %arg12[%add3A_406, %broadcast_in_dim3A_33] : memref<512x16xf32, #tpu.memory_space<vmem>>[vector<16xi32>, vector<16xi32>], vector<16xf32>,
      %mul3A_481 = arith.mulf %gather3A_480, %gather3A_412 : vector<16xf32>
      %add3A_482 = arith.addf %add3A_475, %mul3A_481 : vector<16xf32>
      %mul3A_483 = arith.mulf %gather3A_480, %gather3A_480 : vector<16xf32>
      %add3A_484 = arith.addf %add3A_477, %mul3A_483 : vector<16xf32>
      %mul3A_485 = arith.mulf %gather3A_412, %gather3A_412 : vector<16xf32>
      %add3A_486 = arith.addf %add3A_479, %mul3A_485 : vector<16xf32>
      %gather3A_487 = tpu.vector_load_idx %arg12[%add3A_406, %broadcast_in_dim3A_35] : memref<512x16xf32, #tpu.memory_space<vmem>>[vector<16xi32>, vector<16xi32>], vector<16xf32>,
      %mul3A_488 = arith.mulf %gather3A_487, %gather3A_413 : vector<16xf32>
      %add3A_489 = arith.addf %add3A_482, %mul3A_488 : vector<16xf32>
      %mul3A_490 = arith.mulf %gather3A_487, %gather3A_487 : vector<16xf32>
      %add3A_491 = arith.addf %add3A_484, %mul3A_490 : vector<16xf32>
      %mul3A_492 = arith.mulf %gather3A_413, %gather3A_413 : vector<16xf32>
      %add3A_493 = arith.addf %add3A_486, %mul3A_492 : vector<16xf32>
      %gather3A_494 = tpu.vector_load_idx %arg12[%add3A_406, %broadcast_in_dim3A_37] : memref<512x16xf32, #tpu.memory_space<vmem>>[vector<16xi32>, vector<16xi32>], vector<16xf32>,
      %mul3A_495 = arith.mulf %gather3A_494, %gather3A_414 : vector<16xf32>
      %add3A_496 = arith.addf %add3A_489, %mul3A_495 : vector<16xf32>
      %mul3A_497 = arith.mulf %gather3A_494, %gather3A_494 : vector<16xf32>
      %add3A_498 = arith.addf %add3A_491, %mul3A_497 : vector<16xf32>
      %mul3A_499 = arith.mulf %gather3A_414, %gather3A_414 : vector<16xf32>
      %add3A_500 = arith.addf %add3A_493, %mul3A_499 : vector<16xf32>
      %gather3A_501 = tpu.vector_load_idx %arg12[%add3A_406, %broadcast_in_dim3A_39] : memref<512x16xf32, #tpu.memory_space<vmem>>[vector<16xi32>, vector<16xi32>], vector<16xf32>,
      %mul3A_502 = arith.mulf %gather3A_501, %gather3A_415 : vector<16xf32>
      %add3A_503 = arith.addf %add3A_496, %mul3A_502 : vector<16xf32>
      %mul3A_504 = arith.mulf %gather3A_501, %gather3A_501 : vector<16xf32>
      %add3A_505 = arith.addf %add3A_498, %mul3A_504 : vector<16xf32>
      %mul3A_506 = arith.mulf %gather3A_415, %gather3A_415 : vector<16xf32>
      %add3A_507 = arith.addf %add3A_500, %mul3A_506 : vector<16xf32>
      %gather3A_508 = tpu.vector_load_idx %arg12[%add3A_406, %broadcast_in_dim3A_41] : memref<512x16xf32, #tpu.memory_space<vmem>>[vector<16xi32>, vector<16xi32>], vector<16xf32>,
      %mul3A_509 = arith.mulf %gather3A_508, %gather3A_416 : vector<16xf32>
      %add3A_510 = arith.addf %add3A_503, %mul3A_509 : vector<16xf32>
      %mul3A_511 = arith.mulf %gather3A_508, %gather3A_508 : vector<16xf32>
      %add3A_512 = arith.addf %add3A_505, %mul3A_511 : vector<16xf32>
      %mul3A_513 = arith.mulf %gather3A_416, %gather3A_416 : vector<16xf32>
      %add3A_514 = arith.addf %add3A_507, %mul3A_513 : vector<16xf32>
      %gather3A_515 = tpu.vector_load_idx %arg12[%add3A_406, %broadcast_in_dim3A_43] : memref<512x16xf32, #tpu.memory_space<vmem>>[vector<16xi32>, vector<16xi32>], vector<16xf32>,
      %mul3A_516 = arith.mulf %gather3A_515, %gather3A_417 : vector<16xf32>
      %add3A_517 = arith.addf %add3A_510, %mul3A_516 : vector<16xf32>
      %mul3A_518 = arith.mulf %gather3A_515, %gather3A_515 : vector<16xf32>
      %add3A_519 = arith.addf %add3A_512, %mul3A_518 : vector<16xf32>
      %mul3A_520 = arith.mulf %gather3A_417, %gather3A_417 : vector<16xf32>
      %add3A_521 = arith.addf %add3A_514, %mul3A_520 : vector<16xf32>
      %gather3A_522 = tpu.vector_load_idx %arg12[%add3A_406, %broadcast_in_dim3A_45] : memref<512x16xf32, #tpu.memory_space<vmem>>[vector<16xi32>, vector<16xi32>], vector<16xf32>,
      %mul3A_523 = arith.mulf %gather3A_522, %gather3A_418 : vector<16xf32>
      %add3A_524 = arith.addf %add3A_517, %mul3A_523 : vector<16xf32>
      %mul3A_525 = arith.mulf %gather3A_522, %gather3A_522 : vector<16xf32>
      %add3A_526 = arith.addf %add3A_519, %mul3A_525 : vector<16xf32>
      %mul3A_527 = arith.mulf %gather3A_418, %gather3A_418 : vector<16xf32>
      %add3A_528 = arith.addf %add3A_521, %mul3A_527 : vector<16xf32>
      %gather3A_529 = tpu.vector_load_idx %arg12[%add3A_406, %broadcast_in_dim3A_47] : memref<512x16xf32, #tpu.memory_space<vmem>>[vector<16xi32>, vector<16xi32>], vector<16xf32>,
      %mul3A_530 = arith.mulf %gather3A_529, %gather3A_419 : vector<16xf32>
      %add3A_531 = arith.addf %add3A_524, %mul3A_530 : vector<16xf32>
      %mul3A_532 = arith.mulf %gather3A_529, %gather3A_529 : vector<16xf32>
      %add3A_533 = arith.addf %add3A_526, %mul3A_532 : vector<16xf32>
      %mul3A_534 = arith.mulf %gather3A_419, %gather3A_419 : vector<16xf32>
      %add3A_535 = arith.addf %add3A_528, %mul3A_534 : vector<16xf32>
      %gather3A_536 = tpu.vector_load_idx %arg12[%add3A_406, %broadcast_in_dim3A_49] : memref<512x16xf32, #tpu.memory_space<vmem>>[vector<16xi32>, vector<16xi32>], vector<16xf32>,
      %mul3A_537 = arith.mulf %gather3A_536, %gather3A_420 : vector<16xf32>
      %add3A_538 = arith.addf %add3A_531, %mul3A_537 : vector<16xf32>
      %mul3A_539 = arith.mulf %gather3A_536, %gather3A_536 : vector<16xf32>
      %add3A_540 = arith.addf %add3A_533, %mul3A_539 : vector<16xf32>
      %mul3A_541 = arith.mulf %gather3A_420, %gather3A_420 : vector<16xf32>
      %add3A_542 = arith.addf %add3A_535, %mul3A_541 : vector<16xf32>
      %gather3A_543 = tpu.vector_load_idx %arg12[%add3A_406, %broadcast_in_dim3A_51] : memref<512x16xf32, #tpu.memory_space<vmem>>[vector<16xi32>, vector<16xi32>], vector<16xf32>,
      %mul3A_544 = arith.mulf %gather3A_543, %gather3A_421 : vector<16xf32>
      %add3A_545 = arith.addf %add3A_538, %mul3A_544 : vector<16xf32>
      %mul3A_546 = arith.mulf %gather3A_543, %gather3A_543 : vector<16xf32>
      %add3A_547 = arith.addf %add3A_540, %mul3A_546 : vector<16xf32>
      %mul3A_548 = arith.mulf %gather3A_421, %gather3A_421 : vector<16xf32>
      %add3A_549 = arith.addf %add3A_542, %mul3A_548 : vector<16xf32>
      %gather3A_550 = tpu.vector_load_idx %arg12[%add3A_406, %broadcast_in_dim3A_53] : memref<512x16xf32, #tpu.memory_space<vmem>>[vector<16xi32>, vector<16xi32>], vector<16xf32>,
      %mul3A_551 = arith.mulf %gather3A_550, %gather3A_422 : vector<16xf32>
      %add3A_552 = arith.addf %add3A_545, %mul3A_551 : vector<16xf32>
      %mul3A_553 = arith.mulf %gather3A_550, %gather3A_550 : vector<16xf32>
      %add3A_554 = arith.addf %add3A_547, %mul3A_553 : vector<16xf32>
      %mul3A_555 = arith.mulf %gather3A_422, %gather3A_422 : vector<16xf32>
      %add3A_556 = arith.addf %add3A_549, %mul3A_555 : vector<16xf32>
      %sub3A_557 = arith.subf %add3A_552, %scan3A_437#0 : vector<16xf32>
      %swap3A_558 = arith.index_cast %add3A_404 : i32 to index
      %swap3A_559 = tpu.vector_load %arg17[%swap3A_558] {strides = array<i32>} : memref<512xf32, #tpu.memory_space<vmem>>, vector<16xf32>,
      tpu.vector_store %arg17[%swap3A_558], %sub3A_557 {strides = array<i32>} : memref<512xf32, #tpu.memory_space<vmem>>, vector<16xf32>,
      %add3A_560 = arith.addf %add3A_556, %add3A_554 : vector<16xf32>
      %add3A_561 = arith.addf %add3A_560, %scan3A_437#1 : vector<16xf32>
      %swap3A_562 = arith.index_cast %add3A_404 : i32 to index
      %swap3A_563 = tpu.vector_load %arg18[%swap3A_562] {strides = array<i32>} : memref<512xf32, #tpu.memory_space<vmem>>, vector<16xf32>,
      tpu.vector_store %arg18[%swap3A_562], %add3A_561 {strides = array<i32>} : memref<512xf32, #tpu.memory_space<vmem>>, vector<16xf32>,
      %mul3A_564 = arith.constant 32 : i32
      %mul3A_565 = arith.muli %add3A_397, %mul3A_564 : i32
      %add3A_566 = arith.constant 16 : i32
      %add3A_567 = arith.addi %mul3A_565, %add3A_566 : i32
      %add3A_568 = vector.broadcast %add3A_567 : i32 to vector<16xi32>
      %add3A_569 = arith.addi %add3A_568, %iota3A : vector<16xi32>
      %gather3A_570 = tpu.vector_load_idx %arg11[%add3A_569, %broadcast_in_dim3A_23] : memref<512x16xf32, #tpu.memory_space<vmem>>[vector<16xi32>, vector<16xi32>], vector<16xf32>,
      %gather3A_571 = tpu.vector_load_idx %arg11[%add3A_569, %broadcast_in_dim3A_25] : memref<512x16xf32, #tpu.memory_space<vmem>>[vector<16xi32>, vector<16xi32>], vector<16xf32>,
      %gather3A_572 = tpu.vector_load_idx %arg11[%add3A_569, %broadcast_in_dim3A_27] : memref<512x16xf32, #tpu.memory_space<vmem>>[vector<16xi32>, vector<16xi32>], vector<16xf32>,
      %gather3A_573 = tpu.vector_load_idx %arg11[%add3A_569, %broadcast_in_dim3A_29] : memref<512x16xf32, #tpu.memory_space<vmem>>[vector<16xi32>, vector<16xi32>], vector<16xf32>,
      %gather3A_574 = tpu.vector_load_idx %arg11[%add3A_569, %broadcast_in_dim3A_31] : memref<512x16xf32, #tpu.memory_space<vmem>>[vector<16xi32>, vector<16xi32>], vector<16xf32>,
      %gather3A_575 = tpu.vector_load_idx %arg11[%add3A_569, %broadcast_in_dim3A_33] : memref<512x16xf32, #tpu.memory_space<vmem>>[vector<16xi32>, vector<16xi32>], vector<16xf32>,
      %gather3A_576 = tpu.vector_load_idx %arg11[%add3A_569, %broadcast_in_dim3A_35] : memref<512x16xf32, #tpu.memory_space<vmem>>[vector<16xi32>, vector<16xi32>], vector<16xf32>,
      %gather3A_577 = tpu.vector_load_idx %arg11[%add3A_569, %broadcast_in_dim3A_37] : memref<512x16xf32, #tpu.memory_space<vmem>>[vector<16xi32>, vector<16xi32>], vector<16xf32>,
      %gather3A_578 = tpu.vector_load_idx %arg11[%add3A_569, %broadcast_in_dim3A_39] : memref<512x16xf32, #tpu.memory_space<vmem>>[vector<16xi32>, vector<16xi32>], vector<16xf32>,
      %gather3A_579 = tpu.vector_load_idx %arg11[%add3A_569, %broadcast_in_dim3A_41] : memref<512x16xf32, #tpu.memory_space<vmem>>[vector<16xi32>, vector<16xi32>], vector<16xf32>,
      %gather3A_580 = tpu.vector_load_idx %arg11[%add3A_569, %broadcast_in_dim3A_43] : memref<512x16xf32, #tpu.memory_space<vmem>>[vector<16xi32>, vector<16xi32>], vector<16xf32>,
      %gather3A_581 = tpu.vector_load_idx %arg11[%add3A_569, %broadcast_in_dim3A_45] : memref<512x16xf32, #tpu.memory_space<vmem>>[vector<16xi32>, vector<16xi32>], vector<16xf32>,
      %gather3A_582 = tpu.vector_load_idx %arg11[%add3A_569, %broadcast_in_dim3A_47] : memref<512x16xf32, #tpu.memory_space<vmem>>[vector<16xi32>, vector<16xi32>], vector<16xf32>,
      %gather3A_583 = tpu.vector_load_idx %arg11[%add3A_569, %broadcast_in_dim3A_49] : memref<512x16xf32, #tpu.memory_space<vmem>>[vector<16xi32>, vector<16xi32>], vector<16xf32>,
      %gather3A_584 = tpu.vector_load_idx %arg11[%add3A_569, %broadcast_in_dim3A_51] : memref<512x16xf32, #tpu.memory_space<vmem>>[vector<16xi32>, vector<16xi32>], vector<16xf32>,
      %gather3A_585 = tpu.vector_load_idx %arg11[%add3A_569, %broadcast_in_dim3A_53] : memref<512x16xf32, #tpu.memory_space<vmem>>[vector<16xi32>, vector<16xi32>], vector<16xf32>,
      %add3A_586 = arith.constant 16 : i32
      %add3A_587 = vector.broadcast %add3A_586 : i32 to vector<16xi32>
      %add3A_588 = arith.addi %add3A_587, %iota3A : vector<16xi32>
      %mul3A_589 = arith.constant 50 : i32
      %mul3A_590 = vector.broadcast %mul3A_589 : i32 to vector<16xi32>
      %mul3A_591 = arith.muli %add3A_588, %mul3A_590 : vector<16xi32>
      %broadcast_in_dim3A_592 = arith.constant 0xFF800000 : f32
      %broadcast_in_dim3A_593 = vector.broadcast %broadcast_in_dim3A_592 : f32 to vector<16xf32>
      %broadcast_in_dim3A_594 = arith.constant 0.000000e+00 : f32
      %broadcast_in_dim3A_595 = vector.broadcast %broadcast_in_dim3A_594 : f32 to vector<16xf32>
      %scan3A_596 = arith.constant 0 : i32
      %scan3A_597 = arith.constant 50 : i32
      %scan3A_598 = arith.addi %scan3A_596, %scan3A_597 : i32
      %scan3A_599 = arith.constant 1 : i32
      %scan3A_600:2 = scf.for %scan3A_734 = %scan3A_596 to %scan3A_598 step %scan3A_599 iter_args(%scan3A_735 = %broadcast_in_dim3A_593, %scan3A_736 = %broadcast_in_dim3A_595) -> (vector<16xf32>, vector<16xf32>)  : i32 {
        %add3A_737 = vector.broadcast %scan3A_734 : i32 to vector<16xi32>
        %add3A_738 = arith.addi %mul3A_591, %add3A_737 : vector<16xi32>
        %broadcast_in_dim3A_739 = arith.constant 0.000000e+00 : f32
        %broadcast_in_dim3A_740 = vector.broadcast %broadcast_in_dim3A_739 : f32 to vector<16xf32>
        %broadcast_in_dim3A_741 = arith.constant 0.000000e+00 : f32
        %broadcast_in_dim3A_742 = vector.broadcast %broadcast_in_dim3A_741 : f32 to vector<16xf32>
        %gather3A_743 = tpu.vector_load_idx %arg16[%add3A_738, %broadcast_in_dim3A_23] : memref<1600x16xf32, #tpu.memory_space<vmem>>[vector<16xi32>, vector<16xi32>], vector<16xf32>,
        %mul3A_744 = arith.mulf %gather3A_743, %gather3A_570 : vector<16xf32>
        %add3A_745 = arith.addf %broadcast_in_dim3A_740, %mul3A_744 : vector<16xf32>
        %mul3A_746 = arith.mulf %gather3A_743, %gather3A_743 : vector<16xf32>
        %add3A_747 = arith.addf %broadcast_in_dim3A_742, %mul3A_746 : vector<16xf32>
        %gather3A_748 = tpu.vector_load_idx %arg16[%add3A_738, %broadcast_in_dim3A_25] : memref<1600x16xf32, #tpu.memory_space<vmem>>[vector<16xi32>, vector<16xi32>], vector<16xf32>,
        %mul3A_749 = arith.mulf %gather3A_748, %gather3A_571 : vector<16xf32>
        %add3A_750 = arith.addf %add3A_745, %mul3A_749 : vector<16xf32>
        %mul3A_751 = arith.mulf %gather3A_748, %gather3A_748 : vector<16xf32>
        %add3A_752 = arith.addf %add3A_747, %mul3A_751 : vector<16xf32>
        %gather3A_753 = tpu.vector_load_idx %arg16[%add3A_738, %broadcast_in_dim3A_27] : memref<1600x16xf32, #tpu.memory_space<vmem>>[vector<16xi32>, vector<16xi32>], vector<16xf32>,
        %mul3A_754 = arith.mulf %gather3A_753, %gather3A_572 : vector<16xf32>
        %add3A_755 = arith.addf %add3A_750, %mul3A_754 : vector<16xf32>
        %mul3A_756 = arith.mulf %gather3A_753, %gather3A_753 : vector<16xf32>
        %add3A_757 = arith.addf %add3A_752, %mul3A_756 : vector<16xf32>
        %gather3A_758 = tpu.vector_load_idx %arg16[%add3A_738, %broadcast_in_dim3A_29] : memref<1600x16xf32, #tpu.memory_space<vmem>>[vector<16xi32>, vector<16xi32>], vector<16xf32>,
        %mul3A_759 = arith.mulf %gather3A_758, %gather3A_573 : vector<16xf32>
        %add3A_760 = arith.addf %add3A_755, %mul3A_759 : vector<16xf32>
        %mul3A_761 = arith.mulf %gather3A_758, %gather3A_758 : vector<16xf32>
        %add3A_762 = arith.addf %add3A_757, %mul3A_761 : vector<16xf32>
        %gather3A_763 = tpu.vector_load_idx %arg16[%add3A_738, %broadcast_in_dim3A_31] : memref<1600x16xf32, #tpu.memory_space<vmem>>[vector<16xi32>, vector<16xi32>], vector<16xf32>,
        %mul3A_764 = arith.mulf %gather3A_763, %gather3A_574 : vector<16xf32>
        %add3A_765 = arith.addf %add3A_760, %mul3A_764 : vector<16xf32>
        %mul3A_766 = arith.mulf %gather3A_763, %gather3A_763 : vector<16xf32>
        %add3A_767 = arith.addf %add3A_762, %mul3A_766 : vector<16xf32>
        %gather3A_768 = tpu.vector_load_idx %arg16[%add3A_738, %broadcast_in_dim3A_33] : memref<1600x16xf32, #tpu.memory_space<vmem>>[vector<16xi32>, vector<16xi32>], vector<16xf32>,
        %mul3A_769 = arith.mulf %gather3A_768, %gather3A_575 : vector<16xf32>
        %add3A_770 = arith.addf %add3A_765, %mul3A_769 : vector<16xf32>
        %mul3A_771 = arith.mulf %gather3A_768, %gather3A_768 : vector<16xf32>
        %add3A_772 = arith.addf %add3A_767, %mul3A_771 : vector<16xf32>
        %gather3A_773 = tpu.vector_load_idx %arg16[%add3A_738, %broadcast_in_dim3A_35] : memref<1600x16xf32, #tpu.memory_space<vmem>>[vector<16xi32>, vector<16xi32>], vector<16xf32>,
        %mul3A_774 = arith.mulf %gather3A_773, %gather3A_576 : vector<16xf32>
        %add3A_775 = arith.addf %add3A_770, %mul3A_774 : vector<16xf32>
        %mul3A_776 = arith.mulf %gather3A_773, %gather3A_773 : vector<16xf32>
        %add3A_777 = arith.addf %add3A_772, %mul3A_776 : vector<16xf32>
        %gather3A_778 = tpu.vector_load_idx %arg16[%add3A_738, %broadcast_in_dim3A_37] : memref<1600x16xf32, #tpu.memory_space<vmem>>[vector<16xi32>, vector<16xi32>], vector<16xf32>,
        %mul3A_779 = arith.mulf %gather3A_778, %gather3A_577 : vector<16xf32>
        %add3A_780 = arith.addf %add3A_775, %mul3A_779 : vector<16xf32>
        %mul3A_781 = arith.mulf %gather3A_778, %gather3A_778 : vector<16xf32>
        %add3A_782 = arith.addf %add3A_777, %mul3A_781 : vector<16xf32>
        %gather3A_783 = tpu.vector_load_idx %arg16[%add3A_738, %broadcast_in_dim3A_39] : memref<1600x16xf32, #tpu.memory_space<vmem>>[vector<16xi32>, vector<16xi32>], vector<16xf32>,
        %mul3A_784 = arith.mulf %gather3A_783, %gather3A_578 : vector<16xf32>
        %add3A_785 = arith.addf %add3A_780, %mul3A_784 : vector<16xf32>
        %mul3A_786 = arith.mulf %gather3A_783, %gather3A_783 : vector<16xf32>
        %add3A_787 = arith.addf %add3A_782, %mul3A_786 : vector<16xf32>
        %gather3A_788 = tpu.vector_load_idx %arg16[%add3A_738, %broadcast_in_dim3A_41] : memref<1600x16xf32, #tpu.memory_space<vmem>>[vector<16xi32>, vector<16xi32>], vector<16xf32>,
        %mul3A_789 = arith.mulf %gather3A_788, %gather3A_579 : vector<16xf32>
        %add3A_790 = arith.addf %add3A_785, %mul3A_789 : vector<16xf32>
        %mul3A_791 = arith.mulf %gather3A_788, %gather3A_788 : vector<16xf32>
        %add3A_792 = arith.addf %add3A_787, %mul3A_791 : vector<16xf32>
        %gather3A_793 = tpu.vector_load_idx %arg16[%add3A_738, %broadcast_in_dim3A_43] : memref<1600x16xf32, #tpu.memory_space<vmem>>[vector<16xi32>, vector<16xi32>], vector<16xf32>,
        %mul3A_794 = arith.mulf %gather3A_793, %gather3A_580 : vector<16xf32>
        %add3A_795 = arith.addf %add3A_790, %mul3A_794 : vector<16xf32>
        %mul3A_796 = arith.mulf %gather3A_793, %gather3A_793 : vector<16xf32>
        %add3A_797 = arith.addf %add3A_792, %mul3A_796 : vector<16xf32>
        %gather3A_798 = tpu.vector_load_idx %arg16[%add3A_738, %broadcast_in_dim3A_45] : memref<1600x16xf32, #tpu.memory_space<vmem>>[vector<16xi32>, vector<16xi32>], vector<16xf32>,
        %mul3A_799 = arith.mulf %gather3A_798, %gather3A_581 : vector<16xf32>
        %add3A_800 = arith.addf %add3A_795, %mul3A_799 : vector<16xf32>
        %mul3A_801 = arith.mulf %gather3A_798, %gather3A_798 : vector<16xf32>
        %add3A_802 = arith.addf %add3A_797, %mul3A_801 : vector<16xf32>
        %gather3A_803 = tpu.vector_load_idx %arg16[%add3A_738, %broadcast_in_dim3A_47] : memref<1600x16xf32, #tpu.memory_space<vmem>>[vector<16xi32>, vector<16xi32>], vector<16xf32>,
        %mul3A_804 = arith.mulf %gather3A_803, %gather3A_582 : vector<16xf32>
        %add3A_805 = arith.addf %add3A_800, %mul3A_804 : vector<16xf32>
        %mul3A_806 = arith.mulf %gather3A_803, %gather3A_803 : vector<16xf32>
        %add3A_807 = arith.addf %add3A_802, %mul3A_806 : vector<16xf32>
        %gather3A_808 = tpu.vector_load_idx %arg16[%add3A_738, %broadcast_in_dim3A_49] : memref<1600x16xf32, #tpu.memory_space<vmem>>[vector<16xi32>, vector<16xi32>], vector<16xf32>,
        %mul3A_809 = arith.mulf %gather3A_808, %gather3A_583 : vector<16xf32>
        %add3A_810 = arith.addf %add3A_805, %mul3A_809 : vector<16xf32>
        %mul3A_811 = arith.mulf %gather3A_808, %gather3A_808 : vector<16xf32>
        %add3A_812 = arith.addf %add3A_807, %mul3A_811 : vector<16xf32>
        %gather3A_813 = tpu.vector_load_idx %arg16[%add3A_738, %broadcast_in_dim3A_51] : memref<1600x16xf32, #tpu.memory_space<vmem>>[vector<16xi32>, vector<16xi32>], vector<16xf32>,
        %mul3A_814 = arith.mulf %gather3A_813, %gather3A_584 : vector<16xf32>
        %add3A_815 = arith.addf %add3A_810, %mul3A_814 : vector<16xf32>
        %mul3A_816 = arith.mulf %gather3A_813, %gather3A_813 : vector<16xf32>
        %add3A_817 = arith.addf %add3A_812, %mul3A_816 : vector<16xf32>
        %gather3A_818 = tpu.vector_load_idx %arg16[%add3A_738, %broadcast_in_dim3A_53] : memref<1600x16xf32, #tpu.memory_space<vmem>>[vector<16xi32>, vector<16xi32>], vector<16xf32>,
        %mul3A_819 = arith.mulf %gather3A_818, %gather3A_585 : vector<16xf32>
        %add3A_820 = arith.addf %add3A_815, %mul3A_819 : vector<16xf32>
        %mul3A_821 = arith.mulf %gather3A_818, %gather3A_818 : vector<16xf32>
        %add3A_822 = arith.addf %add3A_817, %mul3A_821 : vector<16xf32>
        %gt3A = arith.cmpf ogt, %add3A_820, %scan3A_735 : vector<16xf32>
        %select_n3A = arith.select %gt3A, %add3A_820, %scan3A_735 : vector<16xi1>, vector<16xf32>
        %select_n3A_823 = arith.select %gt3A, %add3A_822, %scan3A_736 : vector<16xi1>, vector<16xf32>
        scf.yield %select_n3A, %select_n3A_823 : vector<16xf32>, vector<16xf32>
      }
      %scan3A_601 = arith.constant 50 : i32
      %broadcast_in_dim3A_602 = arith.constant 0.000000e+00 : f32
      %broadcast_in_dim3A_603 = vector.broadcast %broadcast_in_dim3A_602 : f32 to vector<16xf32>
      %broadcast_in_dim3A_604 = arith.constant 0.000000e+00 : f32
      %broadcast_in_dim3A_605 = vector.broadcast %broadcast_in_dim3A_604 : f32 to vector<16xf32>
      %broadcast_in_dim3A_606 = arith.constant 0.000000e+00 : f32
      %broadcast_in_dim3A_607 = vector.broadcast %broadcast_in_dim3A_606 : f32 to vector<16xf32>
      %gather3A_608 = tpu.vector_load_idx %arg12[%add3A_569, %broadcast_in_dim3A_23] : memref<512x16xf32, #tpu.memory_space<vmem>>[vector<16xi32>, vector<16xi32>], vector<16xf32>,
      %mul3A_609 = arith.mulf %gather3A_608, %gather3A_570 : vector<16xf32>
      %add3A_610 = arith.addf %broadcast_in_dim3A_603, %mul3A_609 : vector<16xf32>
      %mul3A_611 = arith.mulf %gather3A_608, %gather3A_608 : vector<16xf32>
      %add3A_612 = arith.addf %broadcast_in_dim3A_605, %mul3A_611 : vector<16xf32>
      %mul3A_613 = arith.mulf %gather3A_570, %gather3A_570 : vector<16xf32>
      %add3A_614 = arith.addf %broadcast_in_dim3A_607, %mul3A_613 : vector<16xf32>
      %gather3A_615 = tpu.vector_load_idx %arg12[%add3A_569, %broadcast_in_dim3A_25] : memref<512x16xf32, #tpu.memory_space<vmem>>[vector<16xi32>, vector<16xi32>], vector<16xf32>,
      %mul3A_616 = arith.mulf %gather3A_615, %gather3A_571 : vector<16xf32>
      %add3A_617 = arith.addf %add3A_610, %mul3A_616 : vector<16xf32>
      %mul3A_618 = arith.mulf %gather3A_615, %gather3A_615 : vector<16xf32>
      %add3A_619 = arith.addf %add3A_612, %mul3A_618 : vector<16xf32>
      %mul3A_620 = arith.mulf %gather3A_571, %gather3A_571 : vector<16xf32>
      %add3A_621 = arith.addf %add3A_614, %mul3A_620 : vector<16xf32>
      %gather3A_622 = tpu.vector_load_idx %arg12[%add3A_569, %broadcast_in_dim3A_27] : memref<512x16xf32, #tpu.memory_space<vmem>>[vector<16xi32>, vector<16xi32>], vector<16xf32>,
      %mul3A_623 = arith.mulf %gather3A_622, %gather3A_572 : vector<16xf32>
      %add3A_624 = arith.addf %add3A_617, %mul3A_623 : vector<16xf32>
      %mul3A_625 = arith.mulf %gather3A_622, %gather3A_622 : vector<16xf32>
      %add3A_626 = arith.addf %add3A_619, %mul3A_625 : vector<16xf32>
      %mul3A_627 = arith.mulf %gather3A_572, %gather3A_572 : vector<16xf32>
      %add3A_628 = arith.addf %add3A_621, %mul3A_627 : vector<16xf32>
      %gather3A_629 = tpu.vector_load_idx %arg12[%add3A_569, %broadcast_in_dim3A_29] : memref<512x16xf32, #tpu.memory_space<vmem>>[vector<16xi32>, vector<16xi32>], vector<16xf32>,
      %mul3A_630 = arith.mulf %gather3A_629, %gather3A_573 : vector<16xf32>
      %add3A_631 = arith.addf %add3A_624, %mul3A_630 : vector<16xf32>
      %mul3A_632 = arith.mulf %gather3A_629, %gather3A_629 : vector<16xf32>
      %add3A_633 = arith.addf %add3A_626, %mul3A_632 : vector<16xf32>
      %mul3A_634 = arith.mulf %gather3A_573, %gather3A_573 : vector<16xf32>
      %add3A_635 = arith.addf %add3A_628, %mul3A_634 : vector<16xf32>
      %gather3A_636 = tpu.vector_load_idx %arg12[%add3A_569, %broadcast_in_dim3A_31] : memref<512x16xf32, #tpu.memory_space<vmem>>[vector<16xi32>, vector<16xi32>], vector<16xf32>,
      %mul3A_637 = arith.mulf %gather3A_636, %gather3A_574 : vector<16xf32>
      %add3A_638 = arith.addf %add3A_631, %mul3A_637 : vector<16xf32>
      %mul3A_639 = arith.mulf %gather3A_636, %gather3A_636 : vector<16xf32>
      %add3A_640 = arith.addf %add3A_633, %mul3A_639 : vector<16xf32>
      %mul3A_641 = arith.mulf %gather3A_574, %gather3A_574 : vector<16xf32>
      %add3A_642 = arith.addf %add3A_635, %mul3A_641 : vector<16xf32>
      %gather3A_643 = tpu.vector_load_idx %arg12[%add3A_569, %broadcast_in_dim3A_33] : memref<512x16xf32, #tpu.memory_space<vmem>>[vector<16xi32>, vector<16xi32>], vector<16xf32>,
      %mul3A_644 = arith.mulf %gather3A_643, %gather3A_575 : vector<16xf32>
      %add3A_645 = arith.addf %add3A_638, %mul3A_644 : vector<16xf32>
      %mul3A_646 = arith.mulf %gather3A_643, %gather3A_643 : vector<16xf32>
      %add3A_647 = arith.addf %add3A_640, %mul3A_646 : vector<16xf32>
      %mul3A_648 = arith.mulf %gather3A_575, %gather3A_575 : vector<16xf32>
      %add3A_649 = arith.addf %add3A_642, %mul3A_648 : vector<16xf32>
      %gather3A_650 = tpu.vector_load_idx %arg12[%add3A_569, %broadcast_in_dim3A_35] : memref<512x16xf32, #tpu.memory_space<vmem>>[vector<16xi32>, vector<16xi32>], vector<16xf32>,
      %mul3A_651 = arith.mulf %gather3A_650, %gather3A_576 : vector<16xf32>
      %add3A_652 = arith.addf %add3A_645, %mul3A_651 : vector<16xf32>
      %mul3A_653 = arith.mulf %gather3A_650, %gather3A_650 : vector<16xf32>
      %add3A_654 = arith.addf %add3A_647, %mul3A_653 : vector<16xf32>
      %mul3A_655 = arith.mulf %gather3A_576, %gather3A_576 : vector<16xf32>
      %add3A_656 = arith.addf %add3A_649, %mul3A_655 : vector<16xf32>
      %gather3A_657 = tpu.vector_load_idx %arg12[%add3A_569, %broadcast_in_dim3A_37] : memref<512x16xf32, #tpu.memory_space<vmem>>[vector<16xi32>, vector<16xi32>], vector<16xf32>,
      %mul3A_658 = arith.mulf %gather3A_657, %gather3A_577 : vector<16xf32>
      %add3A_659 = arith.addf %add3A_652, %mul3A_658 : vector<16xf32>
      %mul3A_660 = arith.mulf %gather3A_657, %gather3A_657 : vector<16xf32>
      %add3A_661 = arith.addf %add3A_654, %mul3A_660 : vector<16xf32>
      %mul3A_662 = arith.mulf %gather3A_577, %gather3A_577 : vector<16xf32>
      %add3A_663 = arith.addf %add3A_656, %mul3A_662 : vector<16xf32>
      %gather3A_664 = tpu.vector_load_idx %arg12[%add3A_569, %broadcast_in_dim3A_39] : memref<512x16xf32, #tpu.memory_space<vmem>>[vector<16xi32>, vector<16xi32>], vector<16xf32>,
      %mul3A_665 = arith.mulf %gather3A_664, %gather3A_578 : vector<16xf32>
      %add3A_666 = arith.addf %add3A_659, %mul3A_665 : vector<16xf32>
      %mul3A_667 = arith.mulf %gather3A_664, %gather3A_664 : vector<16xf32>
      %add3A_668 = arith.addf %add3A_661, %mul3A_667 : vector<16xf32>
      %mul3A_669 = arith.mulf %gather3A_578, %gather3A_578 : vector<16xf32>
      %add3A_670 = arith.addf %add3A_663, %mul3A_669 : vector<16xf32>
      %gather3A_671 = tpu.vector_load_idx %arg12[%add3A_569, %broadcast_in_dim3A_41] : memref<512x16xf32, #tpu.memory_space<vmem>>[vector<16xi32>, vector<16xi32>], vector<16xf32>,
      %mul3A_672 = arith.mulf %gather3A_671, %gather3A_579 : vector<16xf32>
      %add3A_673 = arith.addf %add3A_666, %mul3A_672 : vector<16xf32>
      %mul3A_674 = arith.mulf %gather3A_671, %gather3A_671 : vector<16xf32>
      %add3A_675 = arith.addf %add3A_668, %mul3A_674 : vector<16xf32>
      %mul3A_676 = arith.mulf %gather3A_579, %gather3A_579 : vector<16xf32>
      %add3A_677 = arith.addf %add3A_670, %mul3A_676 : vector<16xf32>
      %gather3A_678 = tpu.vector_load_idx %arg12[%add3A_569, %broadcast_in_dim3A_43] : memref<512x16xf32, #tpu.memory_space<vmem>>[vector<16xi32>, vector<16xi32>], vector<16xf32>,
      %mul3A_679 = arith.mulf %gather3A_678, %gather3A_580 : vector<16xf32>
      %add3A_680 = arith.addf %add3A_673, %mul3A_679 : vector<16xf32>
      %mul3A_681 = arith.mulf %gather3A_678, %gather3A_678 : vector<16xf32>
      %add3A_682 = arith.addf %add3A_675, %mul3A_681 : vector<16xf32>
      %mul3A_683 = arith.mulf %gather3A_580, %gather3A_580 : vector<16xf32>
      %add3A_684 = arith.addf %add3A_677, %mul3A_683 : vector<16xf32>
      %gather3A_685 = tpu.vector_load_idx %arg12[%add3A_569, %broadcast_in_dim3A_45] : memref<512x16xf32, #tpu.memory_space<vmem>>[vector<16xi32>, vector<16xi32>], vector<16xf32>,
      %mul3A_686 = arith.mulf %gather3A_685, %gather3A_581 : vector<16xf32>
      %add3A_687 = arith.addf %add3A_680, %mul3A_686 : vector<16xf32>
      %mul3A_688 = arith.mulf %gather3A_685, %gather3A_685 : vector<16xf32>
      %add3A_689 = arith.addf %add3A_682, %mul3A_688 : vector<16xf32>
      %mul3A_690 = arith.mulf %gather3A_581, %gather3A_581 : vector<16xf32>
      %add3A_691 = arith.addf %add3A_684, %mul3A_690 : vector<16xf32>
      %gather3A_692 = tpu.vector_load_idx %arg12[%add3A_569, %broadcast_in_dim3A_47] : memref<512x16xf32, #tpu.memory_space<vmem>>[vector<16xi32>, vector<16xi32>], vector<16xf32>,
      %mul3A_693 = arith.mulf %gather3A_692, %gather3A_582 : vector<16xf32>
      %add3A_694 = arith.addf %add3A_687, %mul3A_693 : vector<16xf32>
      %mul3A_695 = arith.mulf %gather3A_692, %gather3A_692 : vector<16xf32>
      %add3A_696 = arith.addf %add3A_689, %mul3A_695 : vector<16xf32>
      %mul3A_697 = arith.mulf %gather3A_582, %gather3A_582 : vector<16xf32>
      %add3A_698 = arith.addf %add3A_691, %mul3A_697 : vector<16xf32>
      %gather3A_699 = tpu.vector_load_idx %arg12[%add3A_569, %broadcast_in_dim3A_49] : memref<512x16xf32, #tpu.memory_space<vmem>>[vector<16xi32>, vector<16xi32>], vector<16xf32>,
      %mul3A_700 = arith.mulf %gather3A_699, %gather3A_583 : vector<16xf32>
      %add3A_701 = arith.addf %add3A_694, %mul3A_700 : vector<16xf32>
      %mul3A_702 = arith.mulf %gather3A_699, %gather3A_699 : vector<16xf32>
      %add3A_703 = arith.addf %add3A_696, %mul3A_702 : vector<16xf32>
      %mul3A_704 = arith.mulf %gather3A_583, %gather3A_583 : vector<16xf32>
      %add3A_705 = arith.addf %add3A_698, %mul3A_704 : vector<16xf32>
      %gather3A_706 = tpu.vector_load_idx %arg12[%add3A_569, %broadcast_in_dim3A_51] : memref<512x16xf32, #tpu.memory_space<vmem>>[vector<16xi32>, vector<16xi32>], vector<16xf32>,
      %mul3A_707 = arith.mulf %gather3A_706, %gather3A_584 : vector<16xf32>
      %add3A_708 = arith.addf %add3A_701, %mul3A_707 : vector<16xf32>
      %mul3A_709 = arith.mulf %gather3A_706, %gather3A_706 : vector<16xf32>
      %add3A_710 = arith.addf %add3A_703, %mul3A_709 : vector<16xf32>
      %mul3A_711 = arith.mulf %gather3A_584, %gather3A_584 : vector<16xf32>
      %add3A_712 = arith.addf %add3A_705, %mul3A_711 : vector<16xf32>
      %gather3A_713 = tpu.vector_load_idx %arg12[%add3A_569, %broadcast_in_dim3A_53] : memref<512x16xf32, #tpu.memory_space<vmem>>[vector<16xi32>, vector<16xi32>], vector<16xf32>,
      %mul3A_714 = arith.mulf %gather3A_713, %gather3A_585 : vector<16xf32>
      %add3A_715 = arith.addf %add3A_708, %mul3A_714 : vector<16xf32>
      %mul3A_716 = arith.mulf %gather3A_713, %gather3A_713 : vector<16xf32>
      %add3A_717 = arith.addf %add3A_710, %mul3A_716 : vector<16xf32>
      %mul3A_718 = arith.mulf %gather3A_585, %gather3A_585 : vector<16xf32>
      %add3A_719 = arith.addf %add3A_712, %mul3A_718 : vector<16xf32>
      %sub3A_720 = arith.subf %add3A_715, %scan3A_600#0 : vector<16xf32>
      %swap3A_721 = arith.index_cast %add3A_567 : i32 to index
      %swap3A_722 = tpu.vector_load %arg17[%swap3A_721] {strides = array<i32>} : memref<512xf32, #tpu.memory_space<vmem>>, vector<16xf32>,
      tpu.vector_store %arg17[%swap3A_721], %sub3A_720 {strides = array<i32>} : memref<512xf32, #tpu.memory_space<vmem>>, vector<16xf32>,
      %add3A_723 = arith.addf %add3A_719, %add3A_717 : vector<16xf32>
      %add3A_724 = arith.addf %add3A_723, %scan3A_600#1 : vector<16xf32>
      %swap3A_725 = arith.index_cast %add3A_567 : i32 to index
      %swap3A_726 = tpu.vector_load %arg18[%swap3A_725] {strides = array<i32>} : memref<512xf32, #tpu.memory_space<vmem>>, vector<16xf32>,
      tpu.vector_store %arg18[%swap3A_725], %add3A_724 {strides = array<i32>} : memref<512xf32, #tpu.memory_space<vmem>>, vector<16xf32>,
      %add3A_727 = arith.constant 2 : i32
      %add3A_728 = arith.addi %add3A_397, %add3A_727 : i32
      %lt3A_729 = arith.constant 16 : i32
      %lt3A_730 = arith.cmpi slt, %add3A_728, %lt3A_729 : i32
      %convert_element_type3A_731 = arith.extui %lt3A_730 : i1 to i32
      %cond3A_732 = arith.constant 0 : i32
      %cond3A_733 = arith.cmpi ne, %convert_element_type3A_731, %cond3A_732 : i32
      scf.if %cond3A_733 {
        %mul3A_734 = arith.constant 1600 : i32
        %mul3A_735 = arith.muli %add3A_728, %mul3A_734 : i32
        %add3A_736 = arith.addi %mul3A_4, %mul3A_735 : i32
        "tpu.region"() ({
          %run_scoped3A = tpu.sem_alloc : memref<!tpu.dma_semaphore, #tpu.memory_space<semaphore_mem>>
          %dma_start3A_740 = tpu.memref_slice %arg4[%add3A_736] : memref<819200xi32, #tpu.memory_space<hbm>> -> memref<1600xi32, #tpu.memory_space<hbm>>
          %dma_start3A_741 = tpu.memref_slice %arg4[%add3A_736] : memref<819200xi32, #tpu.memory_space<hbm>> -> memref<1600xi32, #tpu.memory_space<hbm>>
          tpu.enqueue_dma source(%dma_start3A_741 : memref<1600xi32, #tpu.memory_space<hbm>>) target(%arg14 : memref<1600xi32, #tpu.memory_space<vmem>>) target_semaphore(%run_scoped3A : memref<!tpu.dma_semaphore, #tpu.memory_space<semaphore_mem>>)
          %dma_wait3A_742 = tpu.memref_slice %arg4[%add3A_736] : memref<819200xi32, #tpu.memory_space<hbm>> -> memref<1600xi32, #tpu.memory_space<hbm>>
          %dma_wait3A_743 = tpu.memref_slice %arg4[%add3A_736] : memref<819200xi32, #tpu.memory_space<hbm>> -> memref<1600xi32, #tpu.memory_space<hbm>>
          tpu.wait_dma2 semaphore(%run_scoped3A : memref<!tpu.dma_semaphore, #tpu.memory_space<semaphore_mem>>) src(%dma_wait3A_743 : memref<1600xi32, #tpu.memory_space<hbm>>) dst(%arg14 : memref<1600xi32, #tpu.memory_space<vmem>>)
          tpu.yield
        }) : () -> ()
        %dma_start3A_737 = arith.constant 0 : i32
        %dma_start3A_738 = arith.constant 0 : i32
        %dma_start3A_739 = tpu.memref_slice %arg6[%dma_start3A_737, %dma_start3A_738] : memref<1000000x16xf32, #tpu.memory_space<hbm>> -> memref<1000000x16xf32, #tpu.memory_space<hbm>>
        tpu.enqueue_indirect_dma source(%dma_start3A_739 : memref<1000000x16xf32, #tpu.memory_space<hbm>>) target(%arg16 : memref<1600x16xf32, #tpu.memory_space<vmem>>) offsets(%arg14 : memref<1600xi32, #tpu.memory_space<vmem>>) semaphore(%arg22 : memref<!tpu.dma_semaphore, #tpu.memory_space<semaphore_mem>>)
      } else {
      }
    }
    %scan3A_58 = arith.constant 8 : i32
    "tpu.region"() ({
      %run_scoped3A = tpu.sem_alloc : memref<!tpu.dma_semaphore, #tpu.memory_space<semaphore_mem>>
      %dma_start3A_59 = tpu.memref_slice %arg7[%mul3A_2] : memref<16384xf32, #tpu.memory_space<hbm>> -> memref<512xf32, #tpu.memory_space<hbm>>
      %dma_start3A_60 = tpu.memref_slice %arg7[%mul3A_2] : memref<16384xf32, #tpu.memory_space<hbm>> -> memref<512xf32, #tpu.memory_space<hbm>>
      tpu.enqueue_dma source(%arg17 : memref<512xf32, #tpu.memory_space<vmem>>) target(%dma_start3A_60 : memref<512xf32, #tpu.memory_space<hbm>>) target_semaphore(%run_scoped3A : memref<!tpu.dma_semaphore, #tpu.memory_space<semaphore_mem>>)
      %dma_wait3A_61 = tpu.memref_slice %arg7[%mul3A_2] : memref<16384xf32, #tpu.memory_space<hbm>> -> memref<512xf32, #tpu.memory_space<hbm>>
      %dma_wait3A_62 = tpu.memref_slice %arg7[%mul3A_2] : memref<16384xf32, #tpu.memory_space<hbm>> -> memref<512xf32, #tpu.memory_space<hbm>>
      tpu.wait_dma2 semaphore(%run_scoped3A : memref<!tpu.dma_semaphore, #tpu.memory_space<semaphore_mem>>) src(%arg17 : memref<512xf32, #tpu.memory_space<vmem>>) dst(%dma_wait3A_62 : memref<512xf32, #tpu.memory_space<hbm>>)
      tpu.yield
    }) : () -> ()
    "tpu.region"() ({
      %run_scoped3A = tpu.sem_alloc : memref<!tpu.dma_semaphore, #tpu.memory_space<semaphore_mem>>
      %dma_start3A_59 = tpu.memref_slice %arg8[%mul3A_2] : memref<16384xf32, #tpu.memory_space<hbm>> -> memref<512xf32, #tpu.memory_space<hbm>>
      %dma_start3A_60 = tpu.memref_slice %arg8[%mul3A_2] : memref<16384xf32, #tpu.memory_space<hbm>> -> memref<512xf32, #tpu.memory_space<hbm>>
      tpu.enqueue_dma source(%arg18 : memref<512xf32, #tpu.memory_space<vmem>>) target(%dma_start3A_60 : memref<512xf32, #tpu.memory_space<hbm>>) target_semaphore(%run_scoped3A : memref<!tpu.dma_semaphore, #tpu.memory_space<semaphore_mem>>)
      %dma_wait3A_61 = tpu.memref_slice %arg8[%mul3A_2] : memref<16384xf32, #tpu.memory_space<hbm>> -> memref<512xf32, #tpu.memory_space<hbm>>
      %dma_wait3A_62 = tpu.memref_slice %arg8[%mul3A_2] : memref<16384xf32, #tpu.memory_space<hbm>> -> memref<512xf32, #tpu.memory_space<hbm>>
      tpu.wait_dma2 semaphore(%run_scoped3A : memref<!tpu.dma_semaphore, #tpu.memory_space<semaphore_mem>>) src(%arg18 : memref<512xf32, #tpu.memory_space<vmem>>) dst(%dma_wait3A_62 : memref<512xf32, #tpu.memory_space<hbm>>)
      tpu.yield
    }) : () -> ()
    return
  }
}

module attributes {stable_mosaic.version = 14 : i64} {
  func.func @_tc_body(%arg0: memref<128x128xf32, #tpu.memory_space<vmem>>, %arg1: memref<128x128xf32, #tpu.memory_space<vmem>>, %arg2: memref<1x1xf32, #tpu.memory_space<vmem>>, %arg3: memref<1x1xf32, #tpu.memory_space<vmem>>) attributes {dimension_semantics = [], scalar_prefetch = 0 : i64, scratch_operands = 0 : i64, tpu.core_type = #tpu.core_type<tc>} {
    %get3A = arith.constant 0 : index
    %get3A_0 = arith.constant 0 : index
    %get3A_1 = vector.load %arg0[%get3A, %get3A_0] : memref<128x128xf32, #tpu.memory_space<vmem>>, vector<128x128xf32>
    %neg3A = arith.constant 0.000000e+00 : f32
    %neg3A_2 = vector.broadcast %neg3A : f32 to vector<128x128xf32>
    %neg3A_3 = arith.subf %neg3A_2, %get3A_1 : vector<128x128xf32>
    %max3A = arith.constant 0.000000e+00 : f32
    %max3A_4 = vector.broadcast %max3A : f32 to vector<128x128xf32>
    %max3A_5 = arith.maximumf %neg3A_3, %max3A_4 : vector<128x128xf32>
    %abs3A = math.absf %get3A_1 : vector<128x128xf32>
    %neg3A_6 = arith.constant 0.000000e+00 : f32
    %neg3A_7 = vector.broadcast %neg3A_6 : f32 to vector<128x128xf32>
    %neg3A_8 = arith.subf %neg3A_7, %abs3A : vector<128x128xf32>
    %exp3A = math.exp %neg3A_8 : vector<128x128xf32>
    %add3A = arith.constant 1.000000e+00 : f32
    %add3A_9 = vector.broadcast %add3A : f32 to vector<128x128xf32>
    %add3A_10 = arith.addf %add3A_9, %exp3A : vector<128x128xf32>
    %log3A = math.log %add3A_10 : vector<128x128xf32>
    %add3A_11 = arith.addf %max3A_5, %log3A : vector<128x128xf32>
    %reduce_sum3A = vector.shape_cast %add3A_11 : vector<128x128xf32> to vector<1x128x128xf32>
    %reduce_sum3A_12 = arith.constant dense<0.000000e+00> : vector<1xf32>
    %reduce_sum3A_13 = vector.multi_reduction <add>, %reduce_sum3A, %reduce_sum3A_12 [1, 2] : vector<1x128x128xf32> to vector<1xf32>
    %reduce_sum3A_14 = vector.shape_cast %reduce_sum3A_13 : vector<1xf32> to vector<1x1x1xf32>
    %reduce_sum3A_15 = vector.extract %reduce_sum3A_14[0, 0, 0] : f32 from vector<1x1x1xf32>
    %mul3A = arith.constant 6.10351563E-5 : f32
    %mul3A_16 = arith.mulf %reduce_sum3A_15, %mul3A : f32
    %reshape3A = vector.broadcast %mul3A_16 : f32 to vector<1x1xf32>
    %swap3A = arith.constant 0 : index
    %swap3A_17 = arith.constant 0 : index
    %swap3A_18 = vector.load %arg2[%swap3A, %swap3A_17] : memref<1x1xf32, #tpu.memory_space<vmem>>, vector<1x1xf32>
    tpu.vector_store %arg2[%swap3A, %swap3A_17], %reshape3A {strides = array<i32>} : memref<1x1xf32, #tpu.memory_space<vmem>>, vector<1x1xf32>,
    %get3A_19 = arith.constant 0 : index
    %get3A_20 = arith.constant 0 : index
    %get3A_21 = vector.load %arg1[%get3A_19, %get3A_20] : memref<128x128xf32, #tpu.memory_space<vmem>>, vector<128x128xf32>
    %reduce_sum3A_22 = vector.shape_cast %get3A_21 : vector<128x128xf32> to vector<1x128x128xf32>
    %reduce_sum3A_23 = arith.constant dense<0.000000e+00> : vector<1xf32>
    %reduce_sum3A_24 = vector.multi_reduction <add>, %reduce_sum3A_22, %reduce_sum3A_23 [1, 2] : vector<1x128x128xf32> to vector<1xf32>
    %reduce_sum3A_25 = vector.shape_cast %reduce_sum3A_24 : vector<1xf32> to vector<1x1x1xf32>
    %reduce_sum3A_26 = vector.extract %reduce_sum3A_25[0, 0, 0] : f32 from vector<1x1x1xf32>
    %mul3A_27 = arith.constant 3.05175774E-10 : f32
    %mul3A_28 = arith.mulf %reduce_sum3A_26, %mul3A_27 : f32
    %reshape3A_29 = vector.broadcast %mul3A_28 : f32 to vector<1x1xf32>
    %swap3A_30 = arith.constant 0 : index
    %swap3A_31 = arith.constant 0 : index
    %swap3A_32 = vector.load %arg3[%swap3A_30, %swap3A_31] : memref<1x1xf32, #tpu.memory_space<vmem>>, vector<1x1xf32>
    tpu.vector_store %arg3[%swap3A_30, %swap3A_31], %reshape3A_29 {strides = array<i32>} : memref<1x1xf32, #tpu.memory_space<vmem>>, vector<1x1xf32>,
    return
  }
}

</mosaic_0001>

<sc_bundles>
// kernel: kernel.4.cloned.1.call-start
scs
__scs_entry_jumppad:
0x0: {  	(pc) =	sbr.rel $0x88, $3  }
0x1: {  	(tag) =	ssettag $0x0;
	lr =	simm.s32 $0x1  }
0x2: {  	[smem:$0x3F9C] =	sst lr;
	_ =	strace $0xD0000000  }
0x3: {  	_ = 	snop  }
0x4: {  	_ = 	snop  }
0x5: {  	_ = 	snop  }
0x6: {  	_ = 	snop  }
0x7: {  	_ = 	snop  }
__scs_overlays_trampoline_lowered:
0x8: {  	[smem:$0x3FAB] =	sst s0  }
0x9: {  	[smem:$0x3FAC] =	sst s1  }
0xa: {  	[smem:$0x3FAD] =	sst s2  }
0xb: {  	[smem:$0x3FAE] =	sst s3  }
0xc: {  	[smem:$0x3FAF] =	sst s4  }
0xd: {  	[smem:$0x3FB0] =	sst s5  }
0xe: {  	[smem:$0x3FB1] =	sst s6  }
0xf: {  	[smem:$0x3FB2] =	sst s7  }
0x10: {  	[smem:$0x3FB3] =	sst s8  }
0x11: {  	[smem:$0x3FB4] =	sst s9;
	s0 =	simm.s32 @!p0 $0x0  }
0x12: {  	s1 =	sld [smem:$0x3F9A];
	s0 =	simm.s32 @p0 $0x1  }
0x13: {  	[smem:$0x3FB5] =	sst s0;
	s0 =	simm.s32 @!p1 $0x0  }
0x14: {  	s2 =	sld [smem:$0x3F99];
	s0 =	simm.s32 @p1 $0x1  }
0x15: {  	[smem:$0x3FB6] =	sst s0;
	s0 =	simm.s32 @!p2 $0x0  }
0x16: {  	s3 =	sld [smem:$0x3FDB];
	s0 =	simm.s32 @p2 $0x1  }
0x17: {  	s4 =	simm.s32 $0x1BF5;
	[smem:$0x3FB8] =	sst s0  }
0x18: {  	s0 =	sld [smem:$0x3F9B];
	_ =	swait.ge [sflag:s4], $0x0  }
0x19: {  	s7 =	sld [smem:$0x3F9C]  }
0x1a: {  	s8 =	sadd.s32 $0xFFFFE003, lr  }
0x1b: {  	s9 =	sadd.s32 $0xFFFFFEF7, lr;
	s5 =	simm.s32 $0xFFFFFFFF;
	p2 =	slt.u32 s8, $0xFFFFF086  }
0x1c: {  	p1 =	slt.u32 s9, $0xF7A;
	s5 =	simm.s32 @!p2 $0x0  }
0x1d: {  	s5 =	simm.s32 @p1 $0x1;
	p0 =	seq.s32 s7, s2  }
0x1e: {  	s7 =	smul.u32 @!p0 $0xF7A, s2;
	p2 =	seq.s32 @!p0 s5, $0x0  }
0x1f: {  	s9 =	smul.u32 $0xF7A, s1;
	s8 =	simm.s32 @!p0 $0x1BF5;
	p2 =	por !p2, p0  }
0x20: {  	[sflag:s8] =	ssyncset.s32 @!p0 $0xFFFFF086;
	s6 =	sadd.s32 @!p0 s3, s7;
	s7 =	simm.s32 @!p0 $0x108  }
0x21: {  	s3 =	sadd.s32 s3, s9;
	s6 =	sadd.s32 @!p0 $0x88, s6;
	s7 =	simm.s32 @p2 $0x1082  }
0x22: {  	[simem:s7], [sflag:s8] =	dma.local @!p0 [hbm:s6], $0xF7A  }
0x23: {  	s9 =	sor.u32 $0xD0000000, s2;
	s6 =	simm.s32 $0x108;
	_ =	swait.ge @!p0 [sflag:s8], $0x0  }
0x24: {  	s3 =	sadd.s32 $0x88, s3;
	s6 =	simm.s32 @!p1 $0x1082;
	[sflag:s4] =	ssyncset.s32 $0xFFFFF086  }
0x25: {  	[simem:s6], [sflag:s4] =	dma.local [hbm:s3], $0xF7A  }
0x26: {  	[smem:$0x3F9C] =	sst s1;
	(tag) =	ssettag s2;
	_ =	strace s9  }
0x27: {  	s1 =	sld [smem:$0x3FAC]  }
0x28: {  	s2 =	sld [smem:$0x3FAD]  }
0x29: {  	s4 =	sld [smem:$0x3FAF]  }
0x2a: {  	p0 =	seq.s32 s5, $0x0;
	s5 =	sld [smem:$0x3FB0]  }
0x2b: {  	s6 =	sld [smem:$0x3FB1]  }
0x2c: {  	s7 =	sld [smem:$0x3FB2]  }
0x2d: {  	s3 =	simm.s32 $0x108;
	s8 =	sld [smem:$0x3FB3]  }
0x2e: {  	s3 =	simm.s32 @!p0 $0x1082;
	s9 =	sld [smem:$0x3FB4]  }
0x2f: {  	lr =	sadd.s32 s0, s3;
	s0 =	sld [smem:$0x3FAB]  }
0x30: {  	s3 =	sld [smem:$0x3FAE]  }
0x31: {  	[smem:$0x3FB7] =	sst s10  }
0x32: {  	s10 =	sld [smem:$0x3FB5];
	_ =	sdelay $0x3  }
0x33: {  	p0 =	seq.s32 s10, $0x1;
	s10 =	sld [smem:$0x3FB7];
	_ =	sdelay $0x3  }
0x34: {  	[smem:$0x3FB7] =	sst s10  }
0x35: {  	s10 =	sld [smem:$0x3FB6];
	_ =	sdelay $0x3  }
0x36: {  	p1 =	seq.s32 s10, $0x1;
	s10 =	sld [smem:$0x3FB7];
	_ =	sdelay $0x3  }
0x37: {  	[smem:$0x3FB7] =	sst s10  }
0x38: {  	s10 =	sld [smem:$0x3FB8]  }
0x39: {  	_ = 	snop;
	(pc) =	sbr.ind lr, $3  }
0x3a: {  	_ = 	snop  }
0x3b: {  	_ = 	snop  }
0x3c: {  	p2 =	seq.s32 s10, $0x1;
	s10 =	sld [smem:$0x3FB7]  }
0x3d: {  	_ =	shalt  }
0x3e: {  	_ =	shalt  }
0x3f: {  	_ =	shalt  }
0x40: {  	_ =	shalt  }
0x41: {  	_ =	shalt  }
0x42: {  	_ =	shalt  }
0x43: {  	_ =	shalt  }
0x44: {  	_ =	shalt  }
0x45: {  	_ =	shalt  }
0x46: {  	_ =	shalt  }
0x47: {  	_ =	shalt  }
0x48: {  	_ =	shalt  }
0x49: {  	_ =	shalt  }
0x4a: {  	_ =	shalt  }
0x4b: {  	_ =	shalt  }
0x4c: {  	_ =	shalt  }
0x4d: {  	_ =	shalt  }
0x4e: {  	_ =	shalt  }
0x4f: {  	_ =	shalt  }
0x50: {  	_ =	shalt  }
0x51: {  	_ =	shalt  }
0x52: {  	_ =	shalt  }
0x53: {  	_ =	shalt  }
0x54: {  	_ =	shalt  }
0x55: {  	_ =	shalt  }
0x56: {  	_ =	shalt  }
0x57: {  	_ =	shalt  }
0x58: {  	_ =	shalt  }
0x59: {  	_ =	shalt  }
0x5a: {  	_ =	shalt  }
0x5b: {  	_ =	shalt  }
0x5c: {  	_ =	shalt  }
0x5d: {  	_ =	shalt  }
0x5e: {  	_ =	shalt  }
0x5f: {  	_ =	shalt  }
0x60: {  	_ =	shalt  }
0x61: {  	_ =	shalt  }
0x62: {  	_ =	shalt  }
0x63: {  	_ =	shalt  }
0x64: {  	_ =	shalt  }
0x65: {  	_ =	shalt  }
0x66: {  	_ =	shalt  }
0x67: {  	_ =	shalt  }
0x68: {  	_ =	shalt  }
0x69: {  	_ =	shalt  }
0x6a: {  	_ =	shalt  }
0x6b: {  	_ =	shalt  }
0x6c: {  	_ =	shalt  }
0x6d: {  	_ =	shalt  }
0x6e: {  	_ =	shalt  }
0x6f: {  	_ =	shalt  }
0x70: {  	_ =	shalt  }
0x71: {  	_ =	shalt  }
0x72: {  	_ =	shalt  }
0x73: {  	_ =	shalt  }
0x74: {  	_ =	shalt  }
0x75: {  	_ =	shalt  }
0x76: {  	_ =	shalt  }
0x77: {  	_ =	shalt  }
0x78: {  	_ =	shalt  }
0x79: {  	_ =	shalt  }
0x7a: {  	_ =	shalt  }
0x7b: {  	_ =	shalt  }
0x7c: {  	_ =	shalt  }
0x7d: {  	_ =	shalt  }
0x7e: {  	_ =	shalt  }
0x7f: {  	_ =	shalt  }
0x80: {  	_ =	shalt  }
0x81: {  	_ =	shalt  }
0x82: {  	_ =	shalt  }
0x83: {  	_ =	shalt  }
0x84: {  	_ =	shalt  }
0x85: {  	_ =	shalt  }
0x86: {  	_ =	shalt  }
0x87: {  	_ =	shalt  }
.Lfunc_end0:
.L_simem_size_0:
called_computation_lowered:
.L_overlay_start_0:
0x88: {  	s2 =	sld [smem:$0x3FD9]  }
0x89: {  	s3 =	sld [smem:$0x3FFE];
	_ =	sdelay $0x1  }
0x8a: {  	s1 =	srdreg.scid  }
0x8b: {  	s0 =	sand.u32 $0x1, s1  }
0x8c: {  	s17 =	sshll.u32 s0, $0xA;
	s2 =	sadd.s32 s3, s2  }
0x8d: {  	s2 =	sadd.s32 s2, s17  }
0x8e: {  	[smem:$0x3FC3] =	sst s2  }
0x8f: {  	_ = 	snop  }
0x90: {  	s2 =	sld [smem:$0x3FC9]  }
0x91: {  	s18 =	sld [smem:$0x3FC8];
	(tm) =	ssettm $0x1  }
0x92: {  	s4 =	sld [smem:$0x3FFB];
	_ =	sdelay $0x3  }
0x93: {  	_ =	strace s4  }
0x94: {  	s4 =	sld [smem:$0x3FFC];
	_ =	sdelay $0x3  }
0x95: {  	_ =	strace s4  }
0x96: {  	s4 =	sld [smem:$0x3FFD];
	_ =	sdelay $0x3  }
0x97: {  	_ =	strace s4  }
0x98: {  	_ =	strace $0x8FFFFFFF  }
0x99: {  	s19 =	sld [smem:$0x3FDB];
	_ =	sdelay $0x1  }
0x9a: {  	s5 =	simm.s32 $_scs_section_size  }
0x9b: {  	s6 =	simm.s32 $_size__tile_overlayer_lowered;
	s7 =	simm.s32 $_tile_overlayer_lowered  }
0x9c: {  	s22 =	simm.s32 $0x1BFF;
	s21 =	sshll.u32 s7, $0x1;
	s4 =	sadd.s32 s5, s19  }
0x9d: {  	s8 =	simm.s32 $0x0;
	s20 =	sshll.u32 s6, $0x1;
	s6 =	sadd.s32 s21, s4  }
0x9e: {  	[timem:s8], [sflag:s22] =	dma.local [hbm:s6], s20  }
0x9f: {  	_ =	swait.ge [sflag:s22], s20  }
0xa0: {  	s5 =	ssub.s32 $0x0, s20;
	[sflag:s22] =	ssyncset.done $0x0  }
0xa1: {  	[sflag:s22] =	ssyncadd.s32 s5;
	_ =	sdelay $0x1  }
0xa2: {  	s23 =	simm.s32 $0x1B8B  }
0xa3: {  	_ =	swait.ge [sflag:s23], $0x1  }
0xa4: {  	[sflag:s23] =	ssyncset.done $0x0  }
0xa5: {  	s25 =	simm.s32 $0x1B8E;
	s24 =	sld [smem:$0x3FFE];
	[sflag:s23] =	ssyncadd.s32 $0xFFFFFFFF  }
0xa6: {  	s26 =	simm.s32 $execute0_lowered;
	[smem:$0x3FD2] =	sst s25  }
0xa7: {  	s6 =	sshll.u32 s26, $0x1;
	_ =	strace $0x80000046;
	[dreg:$0x1] =	wrdreg $0xFFFFFFFF  }
0xa8: {  	s28 =	simm.s32 $_size_execute0_lowered;
	s4 =	sadd.s32 s4, s6;
	[dreg:$0x0] =	wrdreg $0x0  }
0xa9: {  	s6 =	sshll.u32 s28, $0x1;
	[dreg:$0x2] =	wrdreg s4  }
0xaa: {  	[dreg:$0x3] =	wrdreg s6  }
0xab: {  	[dreg:$0x4] =	wrdreg $0xC0  }
0xac: {  	_ =	task [dreg:s8], $0x5FFFF  }
0xad: {  	[dreg:$0x1] =	wrdreg $0xFFFFFFFF  }
0xae: {  	[dreg:$0x0] =	wrdreg $0x60  }
0xaf: {  	[dreg:$0x2] =	wrdreg s2  }
0xb0: {  	[dreg:$0x3] =	wrdreg s18  }
0xb1: {  	[dreg:$0x4] =	wrdreg s24  }
0xb2: {  	[dreg:$0x5] =	wrdreg $0x9  }
0xb3: {  	_ =	task.clear_ibuf [dreg:s8], $0x6FFFF;
	_ =	strace $0x90000046  }
0xb4: {  	s29 =	simm.s32 $0x9;
	_ =	strace $0x80000048  }
0xb5: {  	_ =	swait.ge [sflag:s29], $0x1  }
0xb6: {  	[sflag:s29] =	ssyncadd.s32 $0xFFFFFFFF  }
0xb7: {  	_ =	strace $0x90000048  }
0xb8: {  	_ =	sfence  }
0xb9: {  	s30 =	sld [smem:$0x0];
	_ =	sdelay $0x2  }
0xba: {  	s31 =	sshll.u32 s1, $0xD;
	s1 =	sshrl.u32 s1, $0x2  }
0xbb: {  	s3 =	sand.u32 $0x4000, s31;
	s1 =	sadd.s32 s1, s30  }
0xbc: {  	s0 =	sor.u32 s3, s0;
	s1 =	sshll.u32 s1, $0x11  }
0xbd: {  	s0 =	sor.u32 s1, s0  }
0xbe: {  	s0 =	sadd.s32 $0x8F2B, s0  }
0xbf: {  	[sflag:s0] =	ssyncadd.remote.s32 $0x1  }
0xc0: {  	_ =	sfence.sel $0xFFFF  }
0xc1: {  	[dreg:$0x0] =	wrdreg $0xFFFFFFFF;
	(pc) =	sbr.abs _section_cstart, $3  }
0xc2: {  	[dreg:$0x1] =	wrdreg $0xFFFFFFFF  }
0xc3: {  	_ =	task.clear_ibuf [dreg:s8], $0x2FFFF;
	_ =	strace $0x9FFFFFFF  }
0xc4: {  	(tm) =	ssettm $0x7FFFFFFF  }
0xc5: {  	_ =	shalt  }
tec
execute0_lowered:
.L_overlay_start_1:
0x0: {  	(tag) =	ssettag $0x1  }
0x1: {  	s0 =	rddreg [dreg:$0x0]  }
0x2: {  	s1 =	rddreg [dreg:$0x1]  }
0x3: {  	s6 =	rddreg [dreg:$0x2]  }
0x4: {  	s3 =	srdreg.scid;
	s4 =	stileid.u32  }
0x5: {  	s2 =	simm.s32 $0x0;
	s15 =	simm.s32 $0x5;
	s16 =	simm.s32 $0x200  }
0x6: {  	s17 =	simm.s32 $0x400;
	s18 =	simm.s32 $0x2400;
	s20 =	simm.s32 $0x640  }
0x7: {  	s21 =	simm.s32 $0x5080;
	s22 =	simm.s32 $0x4A40;
	s23 =	simm.s32 $0xB480  }
0x8: {  	s24 =	simm.s32 $0x1;
	s25 =	simm.s32 $0x2;
	s26 =	simm.s32 $0x3  }
0x9: {  	s28 =	simm.s32 $0x4;
	s31 =	simm.s32 $0x0;
	s7 =	sand.u32 $0x1, s3  }
0xa: {  	s29 =	sshll.u32 s4, $0x1;
	[smem:$0x7FF] =	sst s2;
	s3 =	sadd.s32 $0x1000, s6  }
0xb: {  	s30 =	sadd.s32 $0x112BA00, s6;
	s5 =	sadd.s32 $0xF43400, s6;
	s8 =	sor.u32 s7, s29  }
0xc: {  	_ =	strace $0x80000047;
	[dreg:$0x4] =	wrdreg s30;
	s7 =	ssub.s32 $0x2, s7  }
0xd: {  	s11 =	smul.u32 $0x6400, s8;
	s8 =	sshll.u32 s8, $0x6;
	s9 =	sshrl.u32 s7, $0x1  }
.Ltmp0:
0xe: {  	s13 =	sadd.s32 s8, s6;
	s14 =	ssub.s32 s7, s9;
	(pc) =	sbr.rel .LBB2_1-.Ltmp0, $4  }
0xf: {  	s0 =	sadd.s32 s0, s8;
	s8 =	sadd.s32 s1, s8;
	s7 =	simm.s32 $0x0  }
0x10: {  	v1 =	vlaneseq.u32;
	s10 =	sshrl.u32 s11, $0x3;
	[dreg:$0x5] =	wrdreg s0;
	s12 =	sadd.s32 $0x1A000, s13  }
0x11: {  	v0 =	vmul.u32 $0x10, v1;
	v1 =	vmul.u32 $0x320, v1;
	s13 =	sadd.s32 $0x1A800, s13;
	s14 =	smax.u32 s14, $0x1;
	s6 =	sadd.s32 s3, s10  }
0x12: {  	s10 =	sadd.s32 $0xC80, s11;
	s11 =	sadd.s32 $0x12C0, s11;
	s9 =	sadd.s32 $0xC8, s6  }
.LBB2_12:
0x13: {  	s0 =	simm.s32 $0x11880  }
0x14: {  	[hbm4b:s12+s2] =	stream.linear.scatter [tilespmem:s0], [sflag:$0x5], $0x200, $0x38;
	[tilespmem:$0x11C80] =	vst v63  }
0x15: {  	s31 =	sadd.s32 $0x1, s31;
	_ =	swait.ge [sflag:s15], $0x200  }
0x16: {  	p0 =	sne.s32 s31, s14;
	[sflag:s15] =	ssyncset.done $0x0  }
.Ltmp1:
0x17: {  	s30 =	simm.s32 $0x11A80;
	[sflag:s15] =	ssyncadd.s32 $0xFFFFFE00;
	(pc) =	sbr.rel @!p0 .LBB2_13-.Ltmp1, $4  }
0x18: {  	[hbm4b:s13+s2] =	stream.linear.scatter [tilespmem:s30], [sflag:$0x5], $0x200, $0x38;
	[tilespmem:$0x11C80] =	vst v63  }
0x19: {  	_ =	swait.ge [sflag:s15], $0x200  }
0x1a: {  	[sflag:s15] =	ssyncset.done $0x0  }
0x1b: {  	[sflag:s15] =	ssyncadd.s32 $0xFFFFFE00  }
.LBB2_1:
0x1c: {  	s0 =	rddreg [dreg:$0x5]  }
0x1d: {  	[tilespmem:s2], [sflag:$0x5] =	stream.linear.gather [hbm4b:s0+s2], $0x200, $0x38;
	[tilespmem:$0x11C80] =	vst v63  }
0x1e: {  	_ =	swait.ge [sflag:s15], $0x200  }
0x1f: {  	[sflag:s15] =	ssyncset.done $0x0  }
0x20: {  	[sflag:s15] =	ssyncadd.s32 $0xFFFFFE00  }
0x21: {  	[tilespmem:s16], [sflag:$0x5] =	stream.linear.gather [hbm4b:s8+s2], $0x200, $0x38;
	[tilespmem:$0x11C80] =	vst v63  }
0x22: {  	_ =	swait.ge [sflag:s15], $0x200  }
0x23: {  	[sflag:s15] =	ssyncset.done $0x0  }
0x24: {  	s29 =	rddreg [dreg:$0x4];
	[sflag:s15] =	ssyncadd.s32 $0xFFFFFE00  }
0x25: {  	[tilespmem:s17], [sflag:$0x1] =	stream.indirect.gather [hbm4b:s29+s16], $0x10, s2, s16, $0xb8;
	[tilespmem:$0x11C80] =	vst v63  }
0x26: {  	_ = 	snop  }
0x27: {  	[tilespmem:s18], [sflag:$0x2] =	stream.indirect.gather [hbm4b:s5+s16], $0x10, s16, s16, $0xb8;
	[tilespmem:$0x11C80] =	vst v63  }
0x28: {  	s30 =	simm.s32 $0x4400  }
0x29: {  	[tilespmem:s30], [sflag:$0x5] =	stream.linear.gather [hbm4b:s6+s2], $0x640, $0x38;
	[tilespmem:$0x11C80] =	vst v63  }
0x2a: {  	_ =	swait.ge [sflag:s15], $0x640  }
0x2b: {  	[sflag:s15] =	ssyncset.done $0x0  }
0x2c: {  	[sflag:s15] =	ssyncadd.s32 $0xFFFFF9C0  }
0x2d: {  	[tilespmem:s21], [sflag:$0x3] =	stream.indirect.gather [hbm4b:s5+s20], $0x10, s30, s20, $0xb8;
	[tilespmem:$0x11C80] =	vst v63  }
0x2e: {  	_ = 	snop  }
0x2f: {  	[tilespmem:s22], [sflag:$0x5] =	stream.linear.gather [hbm4b:s9+s2], $0x640, $0x38;
	[tilespmem:$0x11C80] =	vst v63  }
0x30: {  	_ =	swait.ge [sflag:s15], $0x640  }
0x31: {  	[sflag:s15] =	ssyncset.done $0x0  }
0x32: {  	[sflag:s15] =	ssyncadd.s32 $0xFFFFF9C0  }
0x33: {  	[tilespmem:s23], [sflag:$0x4] =	stream.indirect.gather [hbm4b:s5+s20], $0x10, s22, s20, $0xb8;
	[tilespmem:$0x11C80] =	vst v63  }
0x34: {  	_ =	swait.ge [sflag:s24], $0x2000  }
0x35: {  	[sflag:s24] =	ssyncset.done $0x0  }
0x36: {  	[sflag:s24] =	ssyncadd.s32 $0xFFFFE000  }
0x37: {  	_ =	swait.ge [sflag:s25], $0x2000  }
0x38: {  	[sflag:s25] =	ssyncset.done $0x0  }
0x39: {  	s0 =	simm.s32 $0x0;
	[sflag:s25] =	ssyncadd.s32 $0xFFFFE000  }
.LBB2_2:
0x3a: {  	s1 =	sshll.u32 s0, $0x6  }
0x3b: {  	v2 =	vmov s1  }
0x3c: {  	v2 =	vshll.u32 v2, $0x4  }
0x3d: {  	v33 =	vor.u32 v0, v2  }
0x3e: {  	v32 =	vor.u32 $0x1, v33  }
0x3f: {  	s29 =	simm.s32 $0x0;
	_ =	swait.ge [sflag:s26], $0x6400;
	v31 =	vor.u32 $0x2, v33  }
0x40: {  	[sflag:s26] =	ssyncset.done $0x0;
	v2 =	vmov s29;
	v30 =	vor.u32 $0x3, v33  }
0x41: {  	[sflag:s26] =	ssyncadd.s32 $0xFFFF9C00;
	v2 =	vshll.u32 v2, $0x4;
	v29 =	vor.u32 $0x4, v33  }
0x42: {  	v22 =	vadd.s32 v1, v2;
	v27 =	vld.idx.msk [tilespmem:v33+s17+$0x0], $0xffff  }
0x43: {  	v26 =	vor.u32 $0x5, v33;
	v28 =	vld.idx.msk [tilespmem:v32+s17+$0x0], $0xffff  }
0x44: {  	v2 =	vor.u32 $0x1, v22;
	v25 =	vld.idx.msk [tilespmem:v31+s17+$0x0], $0xffff  }
0x45: {  	v23 =	vor.u32 $0x6, v33;
	v24 =	vld.idx.msk [tilespmem:v30+s17+$0x0], $0xffff  }
0x46: {  	v3 =	vor.u32 $0x2, v22;
	v20 =	vld.idx.msk [tilespmem:v29+s17+$0x0], $0xffff  }
0x47: {  	v21 =	vor.u32 $0x7, v33;
	v10 =	vld.idx.msk [tilespmem:v22+s21+$0x0], $0xffff  }
0x48: {  	v4 =	vor.u32 $0x3, v22;
	v12 =	vld.idx.msk [tilespmem:v26+s17+$0x0], $0xffff  }
0x49: {  	v11 =	vor.u32 $0x4, v22;
	v2 =	vld.idx.msk [tilespmem:v2+s21+$0x0], $0xffff  }
0x4a: {  	v14 =	vor.u32 $0x5, v22;
	v9 =	vld.idx.msk [tilespmem:v23+s17+$0x0], $0xffff  }
0x4b: {  	v41 =	vimm.f32 $-Inf;
	v18 =	vor.u32 $0x8, v33;
	v16 =	vor.u32 $0x6, v22;
	v3 =	vld.idx.msk [tilespmem:v3+s21+$0x0], $0xffff  }
0x4c: {  	s29 =	simm.s32 $0x1;
	v8 =	vor.u32 $0x9, v33;
	v34 =	vor.u32 $0x7, v22;
	v13 =	vld.idx.msk [tilespmem:v21+s17+$0x0], $0xffff;
	v5 =	vmul.f32 v10, v27  }
0x4d: {  	v7 =	vor.u32 $0xA, v33;
	v44 =	vmov s29;
	v38 =	vor.u32 $0x8, v22;
	v15 =	vld.idx.msk [tilespmem:v4+s21+$0x0], $0xffff  }
0x4e: {  	v58 =	vor.u32 $0xA, v22;
	v19 =	vld.idx.msk [tilespmem:v11+s21+$0x0], $0xffff;
	v17 =	vmul.f32 v2, v28;
	v4 =	vadd.f32 $0.0e+00, v5  }
0x4f: {  	v6 =	vor.u32 $0xB, v33;
	v62 =	vshll.u32 v44, $0x4;
	v42 =	vor.u32 $0xB, v22;
	v37 =	vld.idx.msk [tilespmem:v14+s21+$0x0], $0xffff  }
0x50: {  	v61 =	vor.u32 $0xC, v22;
	v39 =	vld.idx.msk [tilespmem:v16+s21+$0x0], $0xffff;
	v11 =	vadd.f32 v17, v4;
	v17 =	vmul.f32 v3, v25  }
0x51: {  	v63 =	vor.u32 $0xD, v22;
	v34 =	vld.idx.msk [tilespmem:v34+s21+$0x0], $0xffff;
	v35 =	vmul.f32 v10, v10;
	v36 =	vmul.f32 v2, v2  }
0x52: {  	v16 =	vor.u32 $0x9, v22;
	v38 =	vld.idx.msk [tilespmem:v38+s21+$0x0], $0xffff;
	v14 =	vadd.f32 v17, v11;
	v17 =	vmul.f32 v15, v24  }
0x53: {  	v53 =	vor.u32 $0xE, v22;
	v46 =	vld.idx.msk [tilespmem:v58+s21+$0x0], $0xffff;
	v57 =	vmul.f32 v3, v3;
	v35 =	vadd.f32 v36, v35  }
0x54: {  	v42 =	vld.idx.msk [tilespmem:v42+s21+$0x0], $0xffff;
	v40 =	vmul.f32 v19, v20;
	v5 =	vor.u32 $0xC, v33;
	v17 =	vadd.f32 v17, v14  }
0x55: {  	v48 =	vor.u32 $0xF, v22;
	v47 =	vld.idx.msk [tilespmem:v61+s21+$0x0], $0xffff;
	v35 =	vadd.f32 v57, v35;
	v15 =	vmul.f32 v15, v15  }
0x56: {  	v10 =	vld.idx.msk [tilespmem:v18+s17+$0x0], $0xffff;
	v2 =	vor.u32 $0xE, v33;
	v59 =	vmul.f32 v37, v12;
	v17 =	vadd.f32 v40, v17  }
0x57: {  	v19 =	vmul.f32 v19, v19;
	v43 =	vld.idx.msk [tilespmem:v16+s21+$0x0], $0xffff;
	v36 =	vadd.s32 v1, v62;
	v35 =	vadd.f32 v15, v35  }
0x58: {  	v60 =	vmul.f32 v39, v9;
	v37 =	vmul.f32 v37, v37;
	v11 =	vld.idx.msk [tilespmem:v8+s17+$0x0], $0xffff;
	v17 =	vadd.f32 v59, v17  }
0x59: {  	v45 =	vmul.f32 v34, v13;
	v4 =	vor.u32 $0xD, v33;
	v16 =	vld.idx.msk [tilespmem:v5+s17+$0x0], $0xffff;
	v19 =	vadd.f32 v19, v35  }
0x5a: {  	v39 =	vmul.f32 v39, v39;
	v34 =	vmul.f32 v34, v34;
	v14 =	vld.idx.msk [tilespmem:v7+s17+$0x0], $0xffff;
	v40 =	vadd.f32 v60, v17  }
0x5b: {  	v3 =	vor.u32 $0xF, v33;
	v55 =	vor.u32 $0x1, v36;
	v15 =	vld.idx.msk [tilespmem:v6+s17+$0x0], $0xffff;
	v19 =	vadd.f32 v37, v19  }
0x5c: {  	v49 =	vor.u32 $0x2, v36;
	v52 =	vmul.f32 v38, v10;
	v57 =	vld.idx.msk [tilespmem:v36+s21+$0x0], $0xffff;
	v40 =	vadd.f32 v45, v40  }
0x5d: {  	v50 =	vor.u32 $0x4, v36;
	v51 =	vor.u32 $0x5, v36;
	v37 =	vld.idx.msk [tilespmem:v63+s21+$0x0], $0xffff;
	v39 =	vadd.f32 v39, v19  }
0x5e: {  	v38 =	vmul.f32 v38, v38;
	v54 =	vmul.f32 v43, v11;
	v17 =	vld.idx.msk [tilespmem:v4+s17+$0x0], $0xffff;
	v40 =	vadd.f32 v52, v40  }
0x5f: {  	v35 =	vimm.f32 $0.0e+00;
	v63 =	vor.u32 $0x6, v36;
	v19 =	vld.idx.msk [tilespmem:v2+s17+$0x0], $0xffff;
	v34 =	vadd.f32 v34, v39  }
0x60: {  	v43 =	vmul.f32 v43, v43;
	v56 =	vmul.f32 v46, v14;
	v45 =	vld.idx.msk [tilespmem:v53+s21+$0x0], $0xffff;
	v40 =	vadd.f32 v54, v40  }
0x61: {  	v59 =	vor.u32 $0x3, v36;
	v58 =	vmul.f32 v42, v15;
	v39 =	vld.idx.msk [tilespmem:v55+s21+$0x0], $0xffff;
	v34 =	vadd.f32 v38, v34  }
0x62: {  	v48 =	vld.idx.msk [tilespmem:v48+s21+$0x0], $0xffff;
	v46 =	vmul.f32 v46, v46;
	v42 =	vmul.f32 v42, v42;
	v40 =	vadd.f32 v56, v40  }
0x63: {  	v22 =	vld.idx.msk [tilespmem:v3+s17+$0x0], $0xffff;
	v60 =	vmul.f32 v47, v16;
	v47 =	vmul.f32 v47, v47;
	v34 =	vadd.f32 v43, v34  }
0x64: {  	v44 =	vld.idx.msk [tilespmem:v63+s21+$0x0], $0xffff;
	v63 =	vor.u32 $0x9, v36;
	v38 =	vmul.f32 v57, v27;
	v40 =	vadd.f32 v58, v40  }
0x65: {  	v61 =	vmul.f32 v37, v17;
	v37 =	vmul.f32 v37, v37;
	v34 =	vadd.f32 v46, v34;
	v46 =	vld.idx.msk [tilespmem:v49+s21+$0x0], $0xffff  }
0x66: {  	v43 =	vld.idx.msk [tilespmem:v59+s21+$0x0], $0xffff;
	v62 =	vmul.f32 v45, v19;
	v52 =	vmul.f32 v39, v28;
	v40 =	vadd.f32 v60, v40  }
0x67: {  	v38 =	vadd.f32 $0.0e+00, v38;
	v39 =	vmul.f32 v39, v39;
	v45 =	vmul.f32 v45, v45  }
0x68: {  	v49 =	vmul.f32 v57, v57;
	v56 =	vmul.f32 v48, v22;
	v57 =	vld.idx.msk [tilespmem:v50+s21+$0x0], $0xffff;
	v40 =	vadd.f32 v61, v40  }
0x69: {  	v59 =	vadd.f32 v52, v38;
	v34 =	vadd.f32 v42, v34;
	v58 =	vor.u32 $0x7, v36  }
0x6a: {  	v39 =	vadd.f32 v39, v49;
	v60 =	vmul.f32 v46, v25;
	v40 =	vadd.f32 v62, v40  }
0x6b: {  	v49 =	vor.u32 $0x8, v36;
	v55 =	vmul.f32 v43, v43;
	v46 =	vmul.f32 v46, v46;
	v61 =	vld.idx.msk [tilespmem:v51+s21+$0x0], $0xffff  }
0x6c: {  	v38 =	vadd.f32 v60, v59;
	v62 =	vmul.f32 v43, v24;
	v40 =	vadd.f32 v56, v40  }
0x6d: {  	v34 =	vadd.f32 v47, v34;
	v42 =	vmul.f32 v57, v57;
	v46 =	vadd.f32 v46, v39  }
0x6e: {  	v38 =	vadd.f32 v62, v38;
	v56 =	vmul.f32 v57, v20;
	vm0 =	vgt.f32 v40, v41  }
0x6f: {  	v37 =	vadd.f32 v37, v34;
	v39 =	vld.idx.msk [tilespmem:v58+s21+$0x0], $0xffff;
	v34 =	vsel vm0, v40, v41;
	v40 =	vadd.f32 v55, v46  }
0x70: {  	v57 =	vor.u32 $0xA, v36;
	v58 =	vmul.f32 v61, v12;
	v38 =	vadd.f32 v56, v38  }
0x71: {  	v43 =	vor.u32 $0xB, v36;
	v37 =	vadd.f32 v45, v37;
	v60 =	vadd.f32 v42, v40;
	v40 =	vld.idx.msk [tilespmem:v49+s21+$0x0], $0xffff  }
0x72: {  	s29 =	simm.s32 $0x2;
	v62 =	vmul.f32 v44, v9;
	v59 =	vmul.f32 v61, v61;
	v61 =	vadd.f32 v58, v38  }
0x73: {  	v46 =	vmul.f32 v44, v44;
	v44 =	vor.u32 $0xC, v36;
	v41 =	vld.idx.msk [tilespmem:v63+s21+$0x0], $0xffff;
	v63 =	vmov s29  }
0x74: {  	v38 =	vmul.f32 v48, v48;
	v48 =	vmul.f32 v39, v13;
	v47 =	vadd.f32 v62, v61  }
0x75: {  	v45 =	vor.u32 $0xD, v36;
	s29 =	simm.s32 $0x3;
	v50 =	vshll.u32 v63, $0x4;
	v42 =	vld.idx.msk [tilespmem:v57+s21+$0x0], $0xffff;
	v49 =	vadd.f32 v59, v60  }
.LBB2_3:
0x76: {  	p0 =	sne.s32 s29, $0x31;
	v50 =	vadd.s32 v1, v50;
	v47 =	vadd.f32 v48, v47;
	v48 =	vmul.f32 v40, v10;
	v43 =	vld.idx.msk [tilespmem:v43+s21+$0x0], $0xffff  }
0x77: {  	v39 =	vmul.f32 v39, v39;
	v46 =	vadd.f32 v46, v49;
	v49 =	vor.u32 $0xE, v36  }
0x78: {  	v51 =	vor.u32 $0xF, v36;
	v36 =	vmovc v50;
	v47 =	vadd.f32 v48, v47;
	v48 =	vmul.f32 v41, v11;
	v44 =	vld.idx.msk [tilespmem:v44+s21+$0x0], $0xffff  }
0x79: {  	v40 =	vmul.f32 v40, v40;
	v52 =	vor.u32 $0x1, v36;
	v39 =	vadd.f32 v39, v46  }
0x7a: {  	v41 =	vmul.f32 v41, v41;
	v46 =	vadd.f32 v48, v47;
	v47 =	vmul.f32 v42, v14;
	v45 =	vld.idx.msk [tilespmem:v45+s21+$0x0], $0xffff  }
0x7b: {  	v48 =	vld.idx.msk [tilespmem:v50+s21+$0x0], $0xffff;
	v50 =	vor.u32 $0x2, v36;
	v39 =	vadd.f32 v40, v39;
	v40 =	vmul.f32 v42, v42  }
0x7c: {  	v42 =	vadd.f32 v47, v46;
	v46 =	vmul.f32 v43, v15;
	v43 =	vmul.f32 v43, v43;
	v47 =	vld.idx.msk [tilespmem:v49+s21+$0x0], $0xffff  }
0x7d: {  	v37 =	vadd.f32 v38, v37;
	v49 =	vor.u32 $0x3, v36;
	v39 =	vadd.f32 v41, v39;
	v51 =	vld.idx.msk [tilespmem:v51+s21+$0x0], $0xffff  }
0x7e: {  	v38 =	vld.idx.msk [tilespmem:v52+s21+$0x0], $0xffff;
	v41 =	vadd.f32 v46, v42;
	v42 =	vmul.f32 v44, v16;
	v44 =	vmul.f32 v44, v44  }
0x7f: {  	v35 =	vsel vm0, v37, v35;
	v46 =	vor.u32 $0x4, v36;
	v39 =	vadd.f32 v40, v39  }
0x80: {  	v37 =	vld.idx.msk [tilespmem:v50+s21+$0x0], $0xffff;
	v40 =	vadd.f32 v42, v41;
	v41 =	vmul.f32 v45, v17;
	v42 =	vmul.f32 v45, v45  }
0x81: {  	v45 =	vmul.f32 v48, v48;
	v50 =	vor.u32 $0x5, v36;
	v39 =	vadd.f32 v43, v39  }
0x82: {  	v43 =	vmul.f32 v48, v27;
	v48 =	vld.idx.msk [tilespmem:v49+s21+$0x0], $0xffff;
	v40 =	vadd.f32 v41, v40;
	v41 =	vmul.f32 v47, v19  }
0x83: {  	v49 =	vor.u32 $0x6, v36;
	v39 =	vadd.f32 v44, v39;
	v44 =	vmul.f32 v51, v22  }
0x84: {  	v43 =	vadd.f32 $0.0e+00, v43;
	v52 =	vmul.f32 v38, v28;
	v46 =	vld.idx.msk [tilespmem:v46+s21+$0x0], $0xffff;
	v40 =	vadd.f32 v41, v40  }
0x85: {  	v38 =	vmul.f32 v38, v38;
	v41 =	vor.u32 $0x7, v36;
	v42 =	vadd.f32 v42, v39  }
0x86: {  	v39 =	vadd.f32 v52, v43;
	v43 =	vmul.f32 v37, v25;
	v50 =	vld.idx.msk [tilespmem:v50+s21+$0x0], $0xffff;
	v40 =	vadd.f32 v44, v40  }
0x87: {  	v38 =	vadd.f32 v38, v45;
	v37 =	vmul.f32 v37, v37;
	v44 =	vor.u32 $0x8, v36  }
0x88: {  	v39 =	vadd.f32 v43, v39;
	v43 =	vmul.f32 v48, v24;
	v45 =	vld.idx.msk [tilespmem:v49+s21+$0x0], $0xffff;
	vm0 =	vgt.f32 v40, v34  }
0x89: {  	v37 =	vadd.f32 v37, v38;
	v38 =	vor.u32 $0x9, v36;
	v34 =	vsel vm0, v40, v34  }
0x8a: {  	v40 =	vadd.f32 v43, v39;
	v43 =	vmul.f32 v48, v48;
	v48 =	vmul.f32 v46, v20;
	v39 =	vld.idx.msk [tilespmem:v41+s21+$0x0], $0xffff  }
0x8b: {  	v49 =	vor.u32 $0xA, v36;
	v41 =	vmul.f32 v46, v46;
	v46 =	vmul.f32 v47, v47  }
0x8c: {  	v47 =	vadd.f32 v43, v37;
	v48 =	vadd.f32 v48, v40;
	v52 =	vmul.f32 v50, v12;
	v40 =	vld.idx.msk [tilespmem:v44+s21+$0x0], $0xffff  }
.Ltmp2:
0x8d: {  	v53 =	vmul.f32 v50, v50;
	v43 =	vor.u32 $0xB, v36;
	v37 =	vadd.f32 v46, v42;
	(pc) =	sbr.rel @p0 .LBB2_3-.Ltmp2, $4  }
0x8e: {  	v54 =	vadd.f32 v41, v47;
	v42 =	vadd.f32 v52, v48;
	v47 =	vmul.f32 v45, v9;
	v41 =	vld.idx.msk [tilespmem:v38+s21+$0x0], $0xffff  }
0x8f: {  	v44 =	vor.u32 $0xC, v36;
	v46 =	vmul.f32 v45, v45;
	v38 =	vmul.f32 v51, v51  }
0x90: {  	v45 =	vmov s29;
	v47 =	vadd.f32 v47, v42;
	v48 =	vmul.f32 v39, v13;
	v42 =	vld.idx.msk [tilespmem:v49+s21+$0x0], $0xffff  }
0x91: {  	s29 =	sadd.s32 $0x1, s29;
	v50 =	vshll.u32 v45, $0x4;
	v45 =	vor.u32 $0xD, v36;
	v49 =	vadd.f32 v53, v54  }
0x92: {  	_ =	sdelay $0x1  }
0x93: {  	v50 =	vadd.s32 v1, v50;
	v57 =	vmul.f32 v40, v10  }
0x94: {  	v47 =	vadd.f32 v48, v47;
	v39 =	vmul.f32 v39, v39;
	v59 =	vmul.f32 v40, v40  }
0x95: {  	v43 =	vld.idx.msk [tilespmem:v43+s21+$0x0], $0xffff;
	v37 =	vadd.f32 v38, v37;
	v46 =	vadd.f32 v46, v49;
	v51 =	vor.u32 $0x1, v50  }
0x96: {  	v44 =	vld.idx.msk [tilespmem:v44+s21+$0x0], $0xffff;
	v49 =	vor.u32 $0xE, v36;
	v58 =	vmul.f32 v41, v11;
	v36 =	vor.u32 $0xF, v36  }
0x97: {  	v45 =	vld.idx.msk [tilespmem:v45+s21+$0x0], $0xffff;
	v62 =	vor.u32 $0x2, v50;
	v63 =	vmul.f32 v41, v41;
	v47 =	vadd.f32 v57, v47  }
0x98: {  	v57 =	vor.u32 $0x3, v50;
	v35 =	vsel vm0, v37, v35;
	v39 =	vadd.f32 v39, v46  }
0x99: {  	v61 =	vmul.f32 v42, v14;
	v54 =	vmul.f32 v42, v42;
	v60 =	vadd.f32 v58, v47;
	v52 =	vld.idx.msk [tilespmem:v50+s21+$0x0], $0xffff  }
0x9a: {  	v39 =	vadd.f32 v59, v39;
	v56 =	vmul.f32 v43, v15;
	v43 =	vmul.f32 v43, v43;
	v38 =	vld.idx.msk [tilespmem:v51+s21+$0x0], $0xffff  }
0x9b: {  	v58 =	vmul.f32 v44, v16;
	v59 =	vor.u32 $0x4, v50;
	v55 =	vadd.f32 v61, v60;
	v41 =	vld.idx.msk [tilespmem:v49+s21+$0x0], $0xffff  }
0x9c: {  	v44 =	vmul.f32 v44, v44;
	v37 =	vld.idx.msk [tilespmem:v62+s21+$0x0], $0xffff;
	v60 =	vmul.f32 v45, v17;
	v39 =	vadd.f32 v63, v39  }
0x9d: {  	v61 =	vor.u32 $0x5, v50;
	v45 =	vmul.f32 v45, v45;
	v42 =	vadd.f32 v56, v55  }
0x9e: {  	v47 =	vld.idx.msk [tilespmem:v57+s21+$0x0], $0xffff;
	v56 =	vor.u32 $0x6, v50;
	v55 =	vor.u32 $0xD, v50;
	v39 =	vadd.f32 v54, v39  }
0x9f: {  	v36 =	vld.idx.msk [tilespmem:v36+s21+$0x0], $0xffff;
	v62 =	vmul.f32 v52, v27;
	v42 =	vadd.f32 v58, v42;
	v63 =	vmul.f32 v52, v52  }
0xa0: {  	v58 =	vor.u32 $0x7, v50;
	v53 =	vmul.f32 v38, v28;
	v57 =	vmul.f32 v41, v19  }
0xa1: {  	v39 =	vadd.f32 v43, v39;
	v43 =	vld.idx.msk [tilespmem:v59+s21+$0x0], $0xffff;
	v59 =	vmul.f32 v37, v25;
	v38 =	vmul.f32 v38, v38  }
0xa2: {  	v52 =	vor.u32 $0xF, v50;
	v37 =	vmul.f32 v37, v37;
	v41 =	vmul.f32 v41, v41  }
0xa3: {  	v51 =	vadd.f32 $0.0e+00, v62;
	v40 =	vadd.f32 v60, v42;
	v42 =	vld.idx.msk [tilespmem:v61+s21+$0x0], $0xffff;
	v61 =	vmul.f32 v47, v24  }
0xa4: {  	v29 =	vld.idx.msk [tilespmem:v29+s18+$0x0], $0xffff;
	v62 =	vmul.f32 v36, v22;
	v36 =	vmul.f32 v36, v36;
	v39 =	vadd.f32 v44, v39  }
0xa5: {  	v44 =	vor.u32 $0x8, v50;
	v38 =	vadd.f32 v38, v63;
	v51 =	vadd.f32 v53, v51  }
0xa6: {  	v46 =	vld.idx.msk [tilespmem:v56+s21+$0x0], $0xffff;
	v63 =	vor.u32 $0x9, v50;
	v40 =	vadd.f32 v57, v40;
	v39 =	vadd.f32 v45, v39  }
0xa7: {  	v57 =	vmul.f32 v47, v47;
	v37 =	vadd.f32 v37, v38;
	v60 =	vadd.f32 v59, v51  }
0xa8: {  	v56 =	vmul.f32 v43, v20;
	v59 =	vor.u32 $0xA, v50;
	v40 =	vadd.f32 v62, v40  }
0xa9: {  	v30 =	vld.idx.msk [tilespmem:v30+s18+$0x0], $0xffff;
	v43 =	vmul.f32 v43, v43;
	v51 =	vmul.f32 v29, v20;
	v37 =	vadd.f32 v57, v37  }
0xaa: {  	v58 =	vld.idx.msk [tilespmem:v58+s21+$0x0], $0xffff;
	v20 =	vmul.f32 v20, v20;
	v39 =	vadd.f32 v41, v39;
	v48 =	vadd.f32 v61, v60  }
0xab: {  	v60 =	vmul.f32 v42, v12;
	v38 =	vld.idx.msk [tilespmem:v44+s21+$0x0], $0xffff;
	v61 =	vor.u32 $0xB, v50;
	v62 =	vmul.f32 v46, v9  }
0xac: {  	vm0 =	vgt.f32 v40, v34;
	v42 =	vmul.f32 v42, v42;
	v37 =	vadd.f32 v43, v37;
	v43 =	vld.idx.msk [tilespmem:v63+s21+$0x0], $0xffff  }
0xad: {  	v46 =	vmul.f32 v46, v46;
	v63 =	vor.u32 $0xC, v50;
	v48 =	vadd.f32 v56, v48;
	v47 =	vld.idx.msk [tilespmem:v59+s21+$0x0], $0xffff  }
0xae: {  	v34 =	vsel vm0, v40, v34;
	v36 =	vadd.f32 v36, v39;
	v37 =	vadd.f32 v42, v37;
	v42 =	vld.idx.msk [tilespmem:v55+s21+$0x0], $0xffff  }
0xaf: {  	v54 =	vmul.f32 v58, v13;
	v58 =	vmul.f32 v58, v58;
	v55 =	vld.idx.msk [tilespmem:v32+s18+$0x0], $0xffff;
	v48 =	vadd.f32 v60, v48  }
0xb0: {  	v31 =	vld.idx.msk [tilespmem:v31+s18+$0x0], $0xffff;
	v56 =	vmul.f32 v38, v10;
	v37 =	vadd.f32 v46, v37;
	v38 =	vmul.f32 v38, v38  }
0xb1: {  	v57 =	vld.idx.msk [tilespmem:v61+s21+$0x0], $0xffff;
	v48 =	vadd.f32 v62, v48;
	v60 =	vmul.f32 v43, v11;
	v43 =	vmul.f32 v43, v43  }
0xb2: {  	v61 =	vld.idx.msk [tilespmem:v63+s21+$0x0], $0xffff;
	v62 =	vor.u32 $0xE, v50;
	v50 =	vmul.f32 v30, v24;
	v24 =	vmul.f32 v24, v24  }
0xb3: {  	v33 =	vld.idx.msk [tilespmem:v33+s18+$0x0], $0xffff;
	v37 =	vadd.f32 v58, v37;
	v63 =	vmul.f32 v47, v14;
	v53 =	vmul.f32 v47, v47  }
0xb4: {  	v48 =	vadd.f32 v54, v48;
	v45 =	vmul.f32 v55, v28;
	v46 =	vmul.f32 v55, v55  }
0xb5: {  	v28 =	vmul.f32 v28, v28;
	v47 =	vmul.f32 v31, v25;
	v37 =	vadd.f32 v38, v37  }
0xb6: {  	v31 =	vmul.f32 v31, v31;
	v25 =	vmul.f32 v25, v25;
	v59 =	vadd.f32 v56, v48  }
0xb7: {  	v40 =	vmul.f32 v57, v57;
	v56 =	vadd.f32 v43, v37;
	v58 =	vmul.f32 v61, v16  }
0xb8: {  	v41 =	vadd.f32 v60, v59;
	v59 =	vmul.f32 v61, v61;
	v61 =	vmul.f32 v33, v27  }
0xb9: {  	v33 =	vmul.f32 v33, v33;
	v27 =	vmul.f32 v27, v27;
	v38 =	vadd.f32 v53, v56  }
0xba: {  	v60 =	vsel vm0, v36, v35;
	v41 =	vadd.f32 v63, v41;
	v35 =	vadd.f32 $0.0e+00, v61  }
0xbb: {  	v54 =	vmul.f32 v57, v15;
	v62 =	vld.idx.msk [tilespmem:v62+s21+$0x0], $0xffff;
	v33 =	vadd.f32 v46, v33;
	v27 =	vadd.f32 v28, v27  }
0xbc: {  	v26 =	vld.idx.msk [tilespmem:v26+s18+$0x0], $0xffff;
	v63 =	vmul.f32 v42, v17;
	v38 =	vadd.f32 v40, v38;
	v35 =	vadd.f32 v45, v35  }
0xbd: {  	v31 =	vadd.f32 v31, v33;
	v25 =	vadd.f32 v25, v27;
	v27 =	vmul.f32 v30, v30  }
0xbe: {  	v42 =	vmul.f32 v42, v42;
	v28 =	vld.idx.msk [tilespmem:v52+s21+$0x0], $0xffff;
	v57 =	vadd.f32 v54, v41;
	v35 =	vadd.f32 v47, v35  }
0xbf: {  	v23 =	vld.idx.msk [tilespmem:v23+s18+$0x0], $0xffff;
	v27 =	vadd.f32 v27, v31;
	v24 =	vadd.f32 v24, v25;
	v25 =	vmul.f32 v29, v29  }
0xc0: {  	v49 =	vmul.f32 v62, v19;
	v30 =	vadd.f32 v59, v38;
	v33 =	vadd.f32 v50, v35  }
0xc1: {  	v21 =	vld.idx.msk [tilespmem:v21+s18+$0x0], $0xffff;
	v31 =	vmul.f32 v26, v12;
	v26 =	vmul.f32 v26, v26;
	v25 =	vadd.f32 v25, v27  }
0xc2: {  	v37 =	vadd.f32 v58, v57;
	v12 =	vmul.f32 v12, v12;
	v29 =	vadd.f32 v51, v33  }
0xc3: {  	v18 =	vld.idx.msk [tilespmem:v18+s18+$0x0], $0xffff;
	v52 =	vmul.f32 v28, v22;
	v20 =	vadd.f32 v20, v24;
	v25 =	vadd.f32 v26, v25  }
0xc4: {  	v26 =	vmul.f32 v23, v9;
	v23 =	vmul.f32 v23, v23;
	v24 =	vadd.f32 v31, v29  }
0xc5: {  	v8 =	vld.idx.msk [tilespmem:v8+s18+$0x0], $0xffff;
	v37 =	vadd.f32 v63, v37;
	v12 =	vadd.f32 v12, v20;
	v9 =	vmul.f32 v9, v9  }
0xc6: {  	v23 =	vadd.f32 v23, v25;
	v20 =	vadd.f32 v26, v24;
	v24 =	vmul.f32 v21, v13  }
0xc7: {  	v9 =	vadd.f32 v9, v12;
	v12 =	vmul.f32 v21, v21;
	v13 =	vmul.f32 v13, v13  }
0xc8: {  	v7 =	vld.idx.msk [tilespmem:v7+s18+$0x0], $0xffff;
	v27 =	vadd.f32 v49, v37;
	v20 =	vadd.f32 v24, v20;
	v24 =	vmul.f32 v18, v10  }
0xc9: {  	v12 =	vadd.f32 v12, v23;
	v9 =	vadd.f32 v13, v9;
	v13 =	vmul.f32 v18, v18  }
0xca: {  	v6 =	vld.idx.msk [tilespmem:v6+s18+$0x0], $0xffff;
	v10 =	vmul.f32 v10, v10;
	v18 =	vadd.f32 v24, v20;
	v20 =	vmul.f32 v8, v11  }
0xcb: {  	v21 =	vadd.f32 v42, v30;
	v12 =	vadd.f32 v13, v12;
	v8 =	vmul.f32 v8, v8  }
0xcc: {  	v5 =	vld.idx.msk [tilespmem:v5+s18+$0x0], $0xffff;
	v9 =	vadd.f32 v10, v9;
	v11 =	vmul.f32 v11, v11;
	v10 =	vadd.f32 v20, v18  }
0xcd: {  	v8 =	vadd.f32 v8, v12;
	v12 =	vmul.f32 v7, v14;
	v7 =	vmul.f32 v7, v7  }
0xce: {  	v4 =	vld.idx.msk [tilespmem:v4+s18+$0x0], $0xffff;
	v23 =	vadd.f32 v52, v27;
	v9 =	vadd.f32 v11, v9;
	v11 =	vmul.f32 v14, v14  }
0xcf: {  	v10 =	vadd.f32 v12, v10;
	v7 =	vadd.f32 v7, v8;
	v8 =	vmul.f32 v6, v15  }
0xd0: {  	v9 =	vadd.f32 v11, v9;
	v6 =	vmul.f32 v6, v6;
	v11 =	vmul.f32 v15, v15  }
0xd1: {  	v2 =	vld.idx.msk [tilespmem:v2+s18+$0x0], $0xffff;
	v12 =	vmul.f32 v62, v62;
	v8 =	vadd.f32 v8, v10;
	v10 =	vmul.f32 v5, v16  }
0xd2: {  	v6 =	vadd.f32 v6, v7;
	v7 =	vadd.f32 v11, v9;
	v5 =	vmul.f32 v5, v5  }
0xd3: {  	v3 =	vld.idx.msk [tilespmem:v3+s18+$0x0], $0xffff;
	v9 =	vmul.f32 v16, v16;
	v8 =	vadd.f32 v10, v8;
	v10 =	vmul.f32 v4, v17  }
0xd4: {  	v11 =	vadd.f32 v12, v21;
	v5 =	vadd.f32 v5, v6;
	v4 =	vmul.f32 v4, v4  }
0xd5: {  	v6 =	vadd.f32 v9, v7;
	v7 =	vadd.f32 v10, v8;
	v8 =	vmul.f32 v17, v17  }
0xd6: {  	v4 =	vadd.f32 v4, v5;
	v5 =	vmul.f32 v2, v19;
	v2 =	vmul.f32 v2, v2  }
0xd7: {  	v9 =	vmul.f32 v28, v28;
	v6 =	vadd.f32 v8, v6;
	v8 =	vmul.f32 v19, v19  }
0xd8: {  	v5 =	vadd.f32 v5, v7;
	v2 =	vadd.f32 v2, v4;
	v4 =	vmul.f32 v3, v22  }
0xd9: {  	v3 =	vmul.f32 v3, v3;
	v7 =	vmul.f32 v22, v22;
	v6 =	vadd.f32 v8, v6  }
0xda: {  	s29 =	sor.u32 $0x10, s1;
	vm0 =	vgt.f32 v23, v34;
	v9 =	vadd.f32 v9, v11;
	v4 =	vadd.f32 v4, v5  }
0xdb: {  	v2 =	vadd.f32 v3, v2;
	v5 =	vmov s29;
	v3 =	vadd.f32 v7, v6  }
0xdc: {  	v8 =	vsel vm0, v23, v34;
	v5 =	vshll.u32 v5, $0x4;
	v6 =	vsel vm0, v9, v60  }
0xdd: {  	s30 =	simm.s32 $0x0;
	v4 =	vsub.f32 v4, v8;
	v34 =	vor.u32 v0, v5;
	v3 =	vadd.f32 v2, v3  }
0xde: {  	v33 =	vor.u32 $0x1, v34;
	v32 =	vor.u32 $0x2, v34;
	v2 =	vmov s30  }
0xdf: {  	v5 =	vshll.u32 v2, $0x4;
	v2 =	vadd.s32 $0x3200, v1;
	v3 =	vadd.f32 v3, v6  }
0xe0: {  	[tilespmem:s1+$0x11880] =	vst v4;
	v23 =	vadd.s32 v2, v5  }
0xe1: {  	v31 =	vor.u32 $0x3, v34;
	[tilespmem:s1+$0x11A80] =	vst v3  }
0xe2: {  	v3 =	vor.u32 $0x1, v23;
	v30 =	vld.idx.msk [tilespmem:v34+s17+$0x0], $0xffff  }
0xe3: {  	v29 =	vor.u32 $0x4, v34;
	v28 =	vld.idx.msk [tilespmem:v33+s17+$0x0], $0xffff  }
0xe4: {  	v4 =	vor.u32 $0x2, v23;
	v26 =	vld.idx.msk [tilespmem:v32+s17+$0x0], $0xffff  }
0xe5: {  	v6 =	vor.u32 $0x3, v23;
	v5 =	vld.idx.msk [tilespmem:v23+s21+$0x0], $0xffff  }
0xe6: {  	v27 =	vor.u32 $0x5, v34;
	v24 =	vld.idx.msk [tilespmem:v31+s17+$0x0], $0xffff  }
0xe7: {  	v25 =	vor.u32 $0x6, v34;
	v7 =	vld.idx.msk [tilespmem:v3+s21+$0x0], $0xffff  }
0xe8: {  	v21 =	vld.idx.msk [tilespmem:v29+s17+$0x0], $0xffff;
	v3 =	vor.u32 $0x4, v23  }
0xe9: {  	v13 =	vld.idx.msk [tilespmem:v4+s21+$0x0], $0xffff;
	v4 =	vor.u32 $0x5, v23  }
0xea: {  	v19 =	vor.u32 $0x7, v23;
	v14 =	vld.idx.msk [tilespmem:v6+s21+$0x0], $0xffff;
	v8 =	vmul.f32 v5, v30  }
0xeb: {  	v18 =	vor.u32 $0x7, v34;
	v17 =	vor.u32 $0x8, v34;
	v11 =	vld.idx.msk [tilespmem:v27+s17+$0x0], $0xffff;
	v6 =	vor.u32 $0x6, v23  }
0xec: {  	v53 =	vor.u32 $0x8, v23;
	v10 =	vld.idx.msk [tilespmem:v25+s17+$0x0], $0xffff;
	v12 =	vadd.f32 $0.0e+00, v8;
	v15 =	vmul.f32 v7, v28  }
0xed: {  	v9 =	vor.u32 $0x9, v34;
	v56 =	vor.u32 $0x9, v23;
	v5 =	vmul.f32 v5, v5;
	v16 =	vld.idx.msk [tilespmem:v3+s21+$0x0], $0xffff  }
0xee: {  	s30 =	simm.s32 $0x1;
	v20 =	vmul.f32 v13, v26;
	v22 =	vld.idx.msk [tilespmem:v4+s21+$0x0], $0xffff;
	v7 =	vmul.f32 v7, v7;
	v15 =	vadd.f32 v15, v12  }
0xef: {  	v51 =	vmov s30;
	v63 =	vor.u32 $0xC, v23;
	v58 =	vld.idx.msk [tilespmem:v19+s21+$0x0], $0xffff;
	v54 =	vmul.f32 v14, v24  }
0xf0: {  	v55 =	vld.idx.msk [tilespmem:v6+s21+$0x0], $0xffff;
	v5 =	vadd.f32 v7, v5;
	v7 =	vmul.f32 v13, v13;
	v20 =	vadd.f32 v20, v15  }
0xf1: {  	v61 =	vor.u32 $0xB, v23;
	v19 =	vor.u32 $0xA, v23;
	v35 =	vld.idx.msk [tilespmem:v53+s21+$0x0], $0xffff;
	v14 =	vmul.f32 v14, v14  }
0xf2: {  	v38 =	vld.idx.msk [tilespmem:v56+s21+$0x0], $0xffff;
	v5 =	vadd.f32 v7, v5;
	v57 =	vmul.f32 v16, v21;
	v20 =	vadd.f32 v54, v20  }
0xf3: {  	v50 =	vor.u32 $0xD, v23;
	v4 =	vor.u32 $0xC, v34;
	v12 =	vld.idx.msk [tilespmem:v18+s17+$0x0], $0xffff;
	v59 =	vmul.f32 v22, v11  }
0xf4: {  	v42 =	vld.idx.msk [tilespmem:v63+s21+$0x0], $0xffff;
	v16 =	vmul.f32 v16, v16;
	v60 =	vadd.f32 v14, v5;
	v20 =	vadd.f32 v57, v20  }
0xf5: {  	v8 =	vor.u32 $0xA, v34;
	v3 =	vor.u32 $0xB, v34;
	v15 =	vld.idx.msk [tilespmem:v17+s17+$0x0], $0xffff;
	v62 =	vmul.f32 v55, v10  }
0xf6: {  	v13 =	vld.idx.msk [tilespmem:v9+s17+$0x0], $0xffff;
	v22 =	vmul.f32 v22, v22;
	v40 =	vadd.f32 v16, v60;
	v20 =	vadd.f32 v59, v20  }
0xf7: {  	v53 =	vshll.u32 v51, $0x4;
	v49 =	vld.idx.msk [tilespmem:v19+s21+$0x0], $0xffff;
	v37 =	vmul.f32 v55, v55;
	v5 =	vor.u32 $0xF, v34  }
0xf8: {  	v19 =	vld.idx.msk [tilespmem:v4+s17+$0x0], $0xffff;
	v48 =	vmul.f32 v58, v12;
	v22 =	vadd.f32 v22, v40;
	v20 =	vadd.f32 v62, v20  }
0xf9: {  	v41 =	vld.idx.msk [tilespmem:v61+s21+$0x0], $0xffff;
	v6 =	vor.u32 $0xD, v34;
	v39 =	vmul.f32 v58, v58;
	v54 =	vor.u32 $0xE, v23  }
0xfa: {  	v14 =	vld.idx.msk [tilespmem:v8+s17+$0x0], $0xffff;
	v52 =	vmul.f32 v35, v15;
	v22 =	vadd.f32 v37, v22;
	v36 =	vadd.f32 v48, v20  }
0xfb: {  	v7 =	vor.u32 $0xE, v34;
	v55 =	vmul.f32 v38, v13;
	v16 =	vld.idx.msk [tilespmem:v3+s17+$0x0], $0xffff;
	v35 =	vmul.f32 v35, v35  }
0xfc: {  	v43 =	vld.idx.msk [tilespmem:v50+s21+$0x0], $0xffff;
	v56 =	vadd.f32 v39, v22;
	v45 =	vadd.f32 v52, v36;
	v36 =	vadd.s32 v2, v53  }
0xfd: {  	v38 =	vmul.f32 v38, v38;
	v57 =	vor.u32 $0xF, v23;
	v63 =	vmul.f32 v42, v19;
	v23 =	vld.idx.msk [tilespmem:v5+s17+$0x0], $0xffff  }
0xfe: {  	v40 =	vmul.f32 v49, v49;
	v20 =	vld.idx.msk [tilespmem:v6+s17+$0x0], $0xffff;
	v35 =	vadd.f32 v35, v56;
	v59 =	vor.u32 $0x1, v36  }
0xff: {  	v58 =	vmul.f32 v49, v14;
	v44 =	vld.idx.msk [tilespmem:v54+s21+$0x0], $0xffff;
	v61 =	vor.u32 $0x2, v36;
	v45 =	vadd.f32 v55, v45  }
0x100: {  	v37 =	vimm.f32 $0.0e+00;
	v60 =	vmul.f32 v41, v16;
	v22 =	vld.idx.msk [tilespmem:v7+s17+$0x0], $0xffff;
	v35 =	vadd.f32 v38, v35  }
0x101: {  	v41 =	vmul.f32 v41, v41;
	v54 =	vor.u32 $0x3, v36;
	v45 =	vadd.f32 v58, v45;
	v62 =	vld.idx.msk [tilespmem:v36+s21+$0x0], $0xffff  }
0x102: {  	v51 =	vld.idx.msk [tilespmem:v57+s21+$0x0], $0xffff;
	v47 =	vor.u32 $0x5, v36;
	v50 =	vor.u32 $0x6, v36;
	v35 =	vadd.f32 v40, v35  }
0x103: {  	v55 =	vmul.f32 v42, v42;
	v57 =	vmul.f32 v43, v20;
	v45 =	vadd.f32 v60, v45;
	v39 =	vld.idx.msk [tilespmem:v59+s21+$0x0], $0xffff  }
0x104: {  	v58 =	vor.u32 $0x4, v36;
	v35 =	vadd.f32 v41, v35;
	v59 =	vmul.f32 v43, v43;
	v43 =	vld.idx.msk [tilespmem:v61+s21+$0x0], $0xffff  }
0x105: {  	v38 =	vimm.f32 $-Inf;
	v60 =	vmul.f32 v44, v22;
	v56 =	vadd.f32 v63, v45  }
0x106: {  	v40 =	vld.idx.msk [tilespmem:v54+s21+$0x0], $0xffff;
	v44 =	vmul.f32 v44, v44;
	v35 =	vadd.f32 v55, v35;
	v61 =	vmul.f32 v62, v30  }
0x107: {  	v42 =	vadd.f32 v57, v56;
	v49 =	vmul.f32 v62, v62;
	v62 =	vmul.f32 v51, v23  }
0x108: {  	v56 =	vor.u32 $0x7, v36;
	v63 =	vmul.f32 v39, v28;
	v48 =	vadd.f32 $0.0e+00, v61  }
0x109: {  	v46 =	vld.idx.msk [tilespmem:v58+s21+$0x0], $0xffff;
	v41 =	vadd.f32 v59, v35;
	v39 =	vmul.f32 v39, v39;
	v59 =	vmul.f32 v43, v26  }
0x10a: {  	v47 =	vld.idx.msk [tilespmem:v47+s21+$0x0], $0xffff;
	v43 =	vmul.f32 v43, v43;
	v42 =	vadd.f32 v60, v42;
	v58 =	vadd.f32 v63, v48  }
0x10b: {  	v60 =	vor.u32 $0x8, v36;
	v61 =	vmul.f32 v40, v24;
	v39 =	vadd.f32 v39, v49  }
0x10c: {  	s30 =	simm.s32 $0x2;
	v40 =	vmul.f32 v40, v40;
	v57 =	vadd.f32 v62, v42;
	v42 =	vadd.f32 v59, v58  }
0x10d: {  	v49 =	vmov s30;
	v62 =	vld.idx.msk [tilespmem:v50+s21+$0x0], $0xffff;
	v63 =	vor.u32 $0x9, v36;
	v39 =	vadd.f32 v43, v39  }
0x10e: {  	v54 =	vmul.f32 v46, v21;
	v55 =	vmul.f32 v46, v46;
	v42 =	vadd.f32 v61, v42  }
0x10f: {  	v50 =	vor.u32 $0xA, v36;
	v46 =	vld.idx.msk [tilespmem:v56+s21+$0x0], $0xffff;
	v56 =	vmul.f32 v47, v11;
	v40 =	vadd.f32 v40, v39  }
0x110: {  	v47 =	vmul.f32 v47, v47;
	vm0 =	vgt.f32 v57, v38;
	v42 =	vadd.f32 v54, v42  }
0x111: {  	v35 =	vsel vm0, v57, v38;
	v39 =	vld.idx.msk [tilespmem:v60+s21+$0x0], $0xffff;
	v57 =	vor.u32 $0xB, v36;
	v40 =	vadd.f32 v55, v40  }
0x112: {  	v43 =	vor.u32 $0xC, v36;
	v60 =	vmul.f32 v62, v10;
	v59 =	vadd.f32 v56, v42  }
0x113: {  	v58 =	vadd.f32 v44, v41;
	v38 =	vmul.f32 v62, v62;
	v61 =	vadd.f32 v47, v40;
	v40 =	vld.idx.msk [tilespmem:v63+s21+$0x0], $0xffff  }
0x114: {  	v62 =	vmul.f32 v51, v51;
	v63 =	vmul.f32 v46, v12;
	v42 =	vadd.f32 v60, v59  }
0x115: {  	v44 =	vor.u32 $0xD, v36;
	v41 =	vld.idx.msk [tilespmem:v50+s21+$0x0], $0xffff;
	v45 =	vmul.f32 v46, v46;
	v46 =	vadd.f32 v38, v61  }
0x116: {  	s30 =	simm.s32 $0x3;
	v48 =	vmul.f32 v39, v15;
	v38 =	vadd.f32 v62, v58;
	v47 =	vadd.f32 v63, v42;
	v42 =	vld.idx.msk [tilespmem:v57+s21+$0x0], $0xffff  }
.LBB2_5:
0x117: {  	p0 =	sne.s32 s30, $0x31;
	v49 =	vshll.u32 v49, $0x4;
	v50 =	vor.u32 $0xE, v36  }
0x118: {  	v49 =	vadd.s32 v2, v49;
	v47 =	vadd.f32 v48, v47;
	v48 =	vmul.f32 v40, v13;
	v43 =	vld.idx.msk [tilespmem:v43+s21+$0x0], $0xffff  }
0x119: {  	v45 =	vadd.f32 v45, v46;
	v39 =	vmul.f32 v39, v39;
	v46 =	vor.u32 $0xF, v36;
	v36 =	vmovc v49  }
0x11a: {  	v51 =	vor.u32 $0x1, v36;
	v47 =	vadd.f32 v48, v47;
	v48 =	vmul.f32 v41, v14;
	v44 =	vld.idx.msk [tilespmem:v44+s21+$0x0], $0xffff  }
0x11b: {  	v40 =	vmul.f32 v40, v40;
	v39 =	vadd.f32 v39, v45;
	v41 =	vmul.f32 v41, v41  }
0x11c: {  	v45 =	vor.u32 $0x2, v36;
	v47 =	vadd.f32 v48, v47;
	v48 =	vmul.f32 v42, v16;
	v50 =	vld.idx.msk [tilespmem:v50+s21+$0x0], $0xffff  }
0x11d: {  	v37 =	vsel vm0, v38, v37;
	v39 =	vadd.f32 v40, v39;
	v40 =	vmul.f32 v42, v42;
	v49 =	vld.idx.msk [tilespmem:v49+s21+$0x0], $0xffff  }
0x11e: {  	v38 =	vor.u32 $0x3, v36;
	v42 =	vadd.f32 v48, v47;
	v47 =	vmul.f32 v43, v19;
	v46 =	vld.idx.msk [tilespmem:v46+s21+$0x0], $0xffff  }
0x11f: {  	v39 =	vadd.f32 v41, v39;
	v41 =	vmul.f32 v43, v43;
	v48 =	vld.idx.msk [tilespmem:v51+s21+$0x0], $0xffff  }
0x120: {  	v43 =	vor.u32 $0x4, v36;
	v42 =	vadd.f32 v47, v42;
	v47 =	vmul.f32 v44, v20  }
0x121: {  	v39 =	vadd.f32 v40, v39;
	v40 =	vmul.f32 v44, v44;
	v45 =	vld.idx.msk [tilespmem:v45+s21+$0x0], $0xffff  }
0x122: {  	v44 =	vor.u32 $0x5, v36;
	v42 =	vadd.f32 v47, v42;
	v47 =	vmul.f32 v50, v22  }
0x123: {  	v39 =	vadd.f32 v41, v39;
	v51 =	vmul.f32 v49, v30;
	v49 =	vmul.f32 v49, v49;
	v38 =	vld.idx.msk [tilespmem:v38+s21+$0x0], $0xffff  }
0x124: {  	v41 =	vor.u32 $0x6, v36;
	v42 =	vadd.f32 v47, v42;
	v47 =	vmul.f32 v46, v23  }
0x125: {  	v51 =	vadd.f32 $0.0e+00, v51;
	v52 =	vmul.f32 v48, v28;
	v48 =	vmul.f32 v48, v48;
	v43 =	vld.idx.msk [tilespmem:v43+s21+$0x0], $0xffff  }
0x126: {  	v53 =	vor.u32 $0x7, v36;
	v40 =	vadd.f32 v40, v39;
	v39 =	vadd.f32 v47, v42  }
0x127: {  	v42 =	vadd.f32 v52, v51;
	v47 =	vadd.f32 v48, v49;
	v48 =	vmul.f32 v45, v26;
	v44 =	vld.idx.msk [tilespmem:v44+s21+$0x0], $0xffff  }
0x128: {  	v45 =	vmul.f32 v45, v45;
	v49 =	vor.u32 $0x8, v36;
	vm0 =	vgt.f32 v39, v35  }
0x129: {  	v42 =	vadd.f32 v48, v42;
	v48 =	vmul.f32 v38, v24;
	v41 =	vld.idx.msk [tilespmem:v41+s21+$0x0], $0xffff;
	v35 =	vsel vm0, v39, v35  }
0x12a: {  	v38 =	vmul.f32 v38, v38;
	v39 =	vadd.f32 v45, v47;
	v45 =	vor.u32 $0x9, v36  }
0x12b: {  	v42 =	vadd.f32 v48, v42;
	v47 =	vmul.f32 v43, v21;
	v43 =	vmul.f32 v43, v43;
	v48 =	vld.idx.msk [tilespmem:v53+s21+$0x0], $0xffff  }
0x12c: {  	v50 =	vmul.f32 v50, v50;
	v51 =	vor.u32 $0xA, v36;
	v38 =	vadd.f32 v38, v39  }
0x12d: {  	v42 =	vadd.f32 v47, v42;
	v47 =	vmul.f32 v44, v11;
	v44 =	vmul.f32 v44, v44;
	v39 =	vld.idx.msk [tilespmem:v49+s21+$0x0], $0xffff  }
0x12e: {  	v52 =	vor.u32 $0xB, v36;
	v38 =	vadd.f32 v43, v38;
	v49 =	vadd.f32 v50, v40  }
.Ltmp3:
0x12f: {  	v42 =	vadd.f32 v47, v42;
	v47 =	vmul.f32 v41, v10;
	v50 =	vmul.f32 v41, v41;
	v40 =	vld.idx.msk [tilespmem:v45+s21+$0x0], $0xffff;
	(pc) =	sbr.rel @p0 .LBB2_5-.Ltmp3, $4  }
0x130: {  	v53 =	vmul.f32 v46, v46;
	v43 =	vor.u32 $0xC, v36;
	v38 =	vadd.f32 v44, v38  }
0x131: {  	v42 =	vadd.f32 v47, v42;
	v47 =	vmul.f32 v48, v12;
	v45 =	vmul.f32 v48, v48;
	v41 =	vld.idx.msk [tilespmem:v51+s21+$0x0], $0xffff  }
0x132: {  	v44 =	vor.u32 $0xD, v36;
	v46 =	vadd.f32 v50, v38;
	v38 =	vadd.f32 v53, v49  }
0x133: {  	v49 =	vmov s30;
	s30 =	sadd.s32 $0x1, s30;
	v47 =	vadd.f32 v47, v42;
	v48 =	vmul.f32 v39, v15;
	v42 =	vld.idx.msk [tilespmem:v52+s21+$0x0], $0xffff  }
0x134: {  	_ = 	snop  }
0x135: {  	v49 =	vshll.u32 v49, $0x4  }
0x136: {  	v49 =	vadd.s32 v2, v49  }
0x137: {  	v45 =	vadd.f32 v45, v46;
	v39 =	vmul.f32 v39, v39;
	v50 =	vor.u32 $0x1, v49  }
0x138: {  	v60 =	vmul.f32 v40, v13;
	v43 =	vld.idx.msk [tilespmem:v43+s21+$0x0], $0xffff;
	v51 =	vor.u32 $0xE, v36;
	v61 =	vor.u32 $0x2, v49  }
0x139: {  	v44 =	vld.idx.msk [tilespmem:v44+s21+$0x0], $0xffff;
	v63 =	vmul.f32 v40, v40;
	v39 =	vadd.f32 v39, v45;
	v45 =	vor.u32 $0x3, v49  }
0x13a: {  	v53 =	vor.u32 $0xF, v36;
	v36 =	vsel vm0, v38, v37;
	v47 =	vadd.f32 v48, v47  }
0x13b: {  	v62 =	vmul.f32 v41, v14;
	v57 =	vmul.f32 v41, v41;
	v58 =	vor.u32 $0x4, v49;
	v52 =	vld.idx.msk [tilespmem:v49+s21+$0x0], $0xffff  }
0x13c: {  	v37 =	vor.u32 $0x5, v49;
	v47 =	vadd.f32 v60, v47;
	v56 =	vmul.f32 v42, v16;
	v48 =	vld.idx.msk [tilespmem:v50+s21+$0x0], $0xffff  }
0x13d: {  	v39 =	vadd.f32 v63, v39;
	v59 =	vmul.f32 v42, v42;
	v60 =	vmul.f32 v43, v19;
	v46 =	vld.idx.msk [tilespmem:v61+s21+$0x0], $0xffff  }
0x13e: {  	v55 =	vadd.f32 v62, v47;
	v63 =	vmul.f32 v44, v20;
	v43 =	vmul.f32 v43, v43;
	v45 =	vld.idx.msk [tilespmem:v45+s21+$0x0], $0xffff  }
0x13f: {  	v44 =	vmul.f32 v44, v44;
	v39 =	vadd.f32 v57, v39;
	v57 =	vor.u32 $0x6, v49;
	v50 =	vld.idx.msk [tilespmem:v51+s21+$0x0], $0xffff  }
0x140: {  	v47 =	vadd.f32 v56, v55;
	v40 =	vld.idx.msk [tilespmem:v58+s21+$0x0], $0xffff;
	v58 =	vor.u32 $0x7, v49;
	v56 =	vor.u32 $0x9, v49  }
0x141: {  	v55 =	vor.u32 $0xF, v49;
	v39 =	vadd.f32 v59, v39;
	v61 =	vmul.f32 v52, v30  }
0x142: {  	v62 =	vadd.f32 v60, v47;
	v52 =	vmul.f32 v52, v52;
	v54 =	vmul.f32 v48, v28  }
0x143: {  	v39 =	vadd.f32 v43, v39;
	v59 =	vmul.f32 v46, v26;
	v60 =	vmul.f32 v48, v48  }
0x144: {  	v41 =	vadd.f32 v63, v62;
	v62 =	vmul.f32 v45, v24;
	v63 =	vmul.f32 v50, v22  }
0x145: {  	v51 =	vld.idx.msk [tilespmem:v57+s21+$0x0], $0xffff;
	v46 =	vmul.f32 v46, v46;
	v57 =	vmul.f32 v40, v21;
	v38 =	vadd.f32 $0.0e+00, v61  }
0x146: {  	v37 =	vld.idx.msk [tilespmem:v37+s21+$0x0], $0xffff;
	v45 =	vmul.f32 v45, v45;
	v61 =	vor.u32 $0x8, v49;
	v43 =	vadd.f32 v60, v52  }
0x147: {  	v42 =	vld.idx.msk [tilespmem:v58+s21+$0x0], $0xffff;
	v58 =	vor.u32 $0xA, v49;
	v60 =	vor.u32 $0xB, v49;
	v38 =	vadd.f32 v54, v38  }
0x148: {  	v39 =	vadd.f32 v44, v39;
	v50 =	vmul.f32 v50, v50;
	v43 =	vadd.f32 v46, v43  }
0x149: {  	v40 =	vmul.f32 v40, v40;
	v41 =	vadd.f32 v63, v41;
	v46 =	vld.idx.msk [tilespmem:v53+s21+$0x0], $0xffff;
	v38 =	vadd.f32 v59, v38  }
0x14a: {  	v39 =	vadd.f32 v50, v39;
	v54 =	vor.u32 $0xE, v49;
	v43 =	vadd.f32 v45, v43  }
0x14b: {  	v59 =	vmul.f32 v37, v11;
	v45 =	vld.idx.msk [tilespmem:v61+s21+$0x0], $0xffff;
	v38 =	vadd.f32 v62, v38;
	v62 =	vor.u32 $0xC, v49  }
0x14c: {  	v37 =	vmul.f32 v37, v37;
	v63 =	vmul.f32 v42, v12;
	v48 =	vld.idx.msk [tilespmem:v60+s21+$0x0], $0xffff;
	v40 =	vadd.f32 v40, v43  }
0x14d: {  	v61 =	vmul.f32 v51, v10;
	v51 =	vmul.f32 v51, v51;
	v43 =	vld.idx.msk [tilespmem:v56+s21+$0x0], $0xffff;
	v38 =	vadd.f32 v57, v38  }
0x14e: {  	v56 =	vmul.f32 v46, v23;
	v57 =	vld.idx.msk [tilespmem:v58+s21+$0x0], $0xffff;
	v46 =	vmul.f32 v46, v46;
	v37 =	vadd.f32 v37, v40  }
0x14f: {  	v42 =	vmul.f32 v42, v42;
	v58 =	vor.u32 $0xD, v49;
	v38 =	vadd.f32 v59, v38  }
0x150: {  	v59 =	vmul.f32 v45, v15;
	v52 =	vadd.f32 v46, v39;
	v51 =	vadd.f32 v51, v37;
	v44 =	vld.idx.msk [tilespmem:v62+s21+$0x0], $0xffff  }
0x151: {  	v45 =	vmul.f32 v45, v45;
	v37 =	vadd.f32 v56, v41;
	v62 =	vld.idx.msk [tilespmem:v34+s18+$0x0], $0xffff;
	v38 =	vadd.f32 v61, v38  }
0x152: {  	v53 =	vmul.f32 v48, v16;
	v60 =	vmul.f32 v43, v13;
	v42 =	vadd.f32 v42, v51  }
0x153: {  	v32 =	vld.idx.msk [tilespmem:v32+s18+$0x0], $0xffff;
	v43 =	vmul.f32 v43, v43;
	v61 =	vmul.f32 v57, v14;
	v38 =	vadd.f32 v63, v38  }
0x154: {  	v33 =	vld.idx.msk [tilespmem:v33+s18+$0x0], $0xffff;
	vm0 =	vgt.f32 v37, v35;
	v40 =	vmul.f32 v57, v57;
	v42 =	vadd.f32 v45, v42  }
0x155: {  	v57 =	vmul.f32 v48, v48;
	v38 =	vadd.f32 v59, v38;
	v56 =	vmul.f32 v44, v19  }
0x156: {  	v63 =	vld.idx.msk [tilespmem:v58+s21+$0x0], $0xffff;
	v58 =	vmul.f32 v62, v30;
	v44 =	vmul.f32 v44, v44;
	v42 =	vadd.f32 v43, v42  }
0x157: {  	v30 =	vmul.f32 v30, v30;
	v38 =	vadd.f32 v60, v38;
	v60 =	vmul.f32 v62, v62  }
0x158: {  	v62 =	vmul.f32 v32, v26;
	v32 =	vmul.f32 v32, v32;
	v40 =	vadd.f32 v40, v42  }
0x159: {  	v31 =	vld.idx.msk [tilespmem:v31+s18+$0x0], $0xffff;
	v42 =	vadd.f32 $0.0e+00, v58;
	v38 =	vadd.f32 v61, v38;
	v61 =	vmul.f32 v33, v28  }
0x15a: {  	v33 =	vmul.f32 v33, v33;
	v28 =	vmul.f32 v28, v28;
	v40 =	vadd.f32 v57, v40  }
0x15b: {  	v29 =	vld.idx.msk [tilespmem:v29+s18+$0x0], $0xffff;
	v26 =	vmul.f32 v26, v26;
	v38 =	vadd.f32 v53, v38;
	v42 =	vadd.f32 v61, v42  }
0x15c: {  	v27 =	vld.idx.msk [tilespmem:v27+s18+$0x0], $0xffff;
	v59 =	vmul.f32 v63, v20;
	v33 =	vadd.f32 v33, v60;
	v28 =	vadd.f32 v28, v30  }
0x15d: {  	v41 =	vld.idx.msk [tilespmem:v54+s21+$0x0], $0xffff;
	v63 =	vmul.f32 v63, v63;
	v38 =	vadd.f32 v56, v38;
	v30 =	vadd.f32 v62, v42  }
0x15e: {  	v32 =	vadd.f32 v32, v33;
	v42 =	vmul.f32 v31, v24;
	v31 =	vmul.f32 v31, v31  }
0x15f: {  	v25 =	vld.idx.msk [tilespmem:v25+s18+$0x0], $0xffff;
	v26 =	vadd.f32 v26, v28;
	v24 =	vmul.f32 v24, v24;
	v38 =	vadd.f32 v59, v38  }
0x160: {  	v28 =	vadd.f32 v42, v30;
	v30 =	vadd.f32 v31, v32;
	v31 =	vmul.f32 v29, v21  }
0x161: {  	v24 =	vadd.f32 v24, v26;
	v26 =	vmul.f32 v29, v29;
	v21 =	vmul.f32 v21, v21  }
0x162: {  	v18 =	vld.idx.msk [tilespmem:v18+s18+$0x0], $0xffff;
	v29 =	vmul.f32 v41, v22;
	v28 =	vadd.f32 v31, v28;
	v31 =	vmul.f32 v27, v11  }
0x163: {  	v26 =	vadd.f32 v26, v30;
	v21 =	vadd.f32 v21, v24;
	v24 =	vmul.f32 v27, v27  }
0x164: {  	v17 =	vld.idx.msk [tilespmem:v17+s18+$0x0], $0xffff;
	v11 =	vmul.f32 v11, v11;
	v27 =	vadd.f32 v31, v28;
	v28 =	vmul.f32 v25, v10  }
0x165: {  	v9 =	vld.idx.msk [tilespmem:v9+s18+$0x0], $0xffff;
	v31 =	vadd.f32 v44, v40;
	v24 =	vadd.f32 v24, v26;
	v25 =	vmul.f32 v25, v25  }
0x166: {  	v30 =	vld.idx.msk [tilespmem:v55+s21+$0x0], $0xffff;
	v11 =	vadd.f32 v11, v21;
	v10 =	vmul.f32 v10, v10;
	v21 =	vadd.f32 v28, v27  }
0x167: {  	v24 =	vadd.f32 v25, v24;
	v25 =	vmul.f32 v18, v12;
	v18 =	vmul.f32 v18, v18  }
0x168: {  	v8 =	vld.idx.msk [tilespmem:v8+s18+$0x0], $0xffff;
	v26 =	vadd.f32 v29, v38;
	v10 =	vadd.f32 v10, v11;
	v11 =	vmul.f32 v12, v12  }
0x169: {  	v12 =	vadd.f32 v25, v21;
	v18 =	vadd.f32 v18, v24;
	v21 =	vmul.f32 v17, v15  }
0x16a: {  	v10 =	vadd.f32 v11, v10;
	v11 =	vmul.f32 v17, v17;
	v15 =	vmul.f32 v15, v15  }
0x16b: {  	v3 =	vld.idx.msk [tilespmem:v3+s18+$0x0], $0xffff;
	v17 =	vmul.f32 v30, v23;
	v12 =	vadd.f32 v21, v12;
	v21 =	vmul.f32 v9, v13  }
0x16c: {  	v11 =	vadd.f32 v11, v18;
	v10 =	vadd.f32 v15, v10;
	v9 =	vmul.f32 v9, v9  }
0x16d: {  	v4 =	vld.idx.msk [tilespmem:v4+s18+$0x0], $0xffff;
	v13 =	vmul.f32 v13, v13;
	v15 =	vmul.f32 v8, v14;
	v12 =	vadd.f32 v21, v12  }
0x16e: {  	v18 =	vadd.f32 v63, v31;
	v8 =	vmul.f32 v8, v8;
	v9 =	vadd.f32 v9, v11  }
0x16f: {  	v6 =	vld.idx.msk [tilespmem:v6+s18+$0x0], $0xffff;
	v10 =	vadd.f32 v13, v10;
	v11 =	vadd.f32 v15, v12;
	v12 =	vmul.f32 v14, v14  }
0x170: {  	v8 =	vadd.f32 v8, v9;
	v9 =	vmul.f32 v3, v16;
	v3 =	vmul.f32 v3, v3  }
0x171: {  	v7 =	vld.idx.msk [tilespmem:v7+s18+$0x0], $0xffff;
	v13 =	vadd.f32 v17, v26;
	v10 =	vadd.f32 v12, v10;
	v12 =	vmul.f32 v16, v16  }
0x172: {  	v9 =	vadd.f32 v9, v11;
	v3 =	vadd.f32 v3, v8;
	v8 =	vmul.f32 v4, v4  }
0x173: {  	v4 =	vmul.f32 v4, v19;
	v11 =	vmul.f32 v19, v19;
	v10 =	vadd.f32 v12, v10  }
0x174: {  	v5 =	vld.idx.msk [tilespmem:v5+s18+$0x0], $0xffff;
	v12 =	vmul.f32 v41, v41;
	v3 =	vadd.f32 v8, v3;
	v8 =	vmul.f32 v6, v6  }
0x175: {  	v4 =	vadd.f32 v4, v9;
	v9 =	vadd.f32 v11, v10;
	v10 =	vmul.f32 v20, v20  }
0x176: {  	v6 =	vmul.f32 v6, v20;
	v3 =	vadd.f32 v8, v3;
	v8 =	vmul.f32 v7, v7  }
0x177: {  	v11 =	vadd.f32 v12, v18;
	v9 =	vadd.f32 v10, v9;
	v10 =	vmul.f32 v22, v22  }
0x178: {  	v4 =	vadd.f32 v6, v4;
	v6 =	vmul.f32 v7, v22;
	v3 =	vadd.f32 v8, v3  }
0x179: {  	v8 =	vmul.f32 v5, v5;
	v7 =	vadd.f32 v10, v9;
	v9 =	vmul.f32 v23, v23  }
0x17a: {  	v4 =	vadd.f32 v6, v4;
	v5 =	vmul.f32 v5, v23;
	v10 =	vmul.f32 v30, v30  }
0x17b: {  	v6 =	vsel vm0, v37, v35;
	v3 =	vadd.f32 v8, v3;
	v7 =	vadd.f32 v9, v7  }
0x17c: {  	p0 =	seq.s32 s0, $0x7;
	vm1 =	vgt.f32 v13, v6;
	v4 =	vadd.f32 v5, v4;
	v8 =	vadd.f32 v10, v11  }
0x17d: {  	s30 =	smul.u32 @!p0 $0xC80, s0;
	v5 =	vsel vm0, v52, v36;
	v6 =	vsel vm1, v13, v6;
	v3 =	vadd.f32 v3, v7  }
0x17e: {  	v4 =	vsub.f32 v4, v6;
	v5 =	vsel vm1, v8, v5  }
0x17f: {  	s30 =	sadd.s32 @!p0 s30, s10;
	v3 =	vadd.f32 v3, v5  }
0x180: {  	s30 =	sshrl.u32 @!p0 s30, $0x3;
	[tilespmem:s29+$0x11880] =	vst v4  }
0x181: {  	s19 =	simm.s32 @!p0 $0x4400;
	[tilespmem:s29+$0x11A80] =	vst v3;
	s29 =	sadd.s32 @!p0 s3, s30;
	s30 =	simm.s32 @!p0 $0x0  }
0x182: {  	[tilespmem:s19], [sflag:$0x5] =	stream.linear.gather @!p0 [hbm4b:s29+s30], $0x640, $0x38;
	[tilespmem:$0x11C80] =	vst v63  }
0x183: {  	s30 =	simm.s32 @!p0 $0x5;
	s29 =	sor.u32 $0x20, s1  }
0x184: {  	_ =	swait.ge @!p0 [sflag:s30], $0x640;
	v3 =	vmov s29  }
0x185: {  	[sflag:s30] =	ssyncset.done @!p0 $0x0;
	v3 =	vshll.u32 v3, $0x4  }
0x186: {  	s4 =	simm.s32 @!p0 $0x5080;
	[sflag:s30] =	ssyncadd.s32 @!p0 $0xFFFFF9C0;
	s30 =	simm.s32 @!p0 $0x640;
	v34 =	vor.u32 v0, v3  }
0x187: {  	[tilespmem:s4], [sflag:$0x3] =	stream.indirect.gather @!p0 [hbm4b:s5+s30], $0x10, s19, s30, $0xb8;
	v33 =	vor.u32 $0x1, v34;
	[tilespmem:$0x11C80] =	vst v63  }
0x188: {  	v32 =	vor.u32 $0x2, v34;
	_ =	swait.ge [sflag:s28], $0x6400  }
0x189: {  	v31 =	vor.u32 $0x3, v34;
	[sflag:s28] =	ssyncset.done $0x0  }
0x18a: {  	v28 =	vor.u32 $0x4, v34;
	[sflag:s28] =	ssyncadd.s32 $0xFFFF9C00  }
0x18b: {  	v3 =	vmov s7;
	v27 =	vor.u32 $0x5, v34;
	v30 =	vld.idx.msk [tilespmem:v34+s17+$0x0], $0xffff  }
0x18c: {  	v3 =	vshll.u32 v3, $0x4;
	v25 =	vor.u32 $0x6, v34;
	v29 =	vld.idx.msk [tilespmem:v33+s17+$0x0], $0xffff  }
0x18d: {  	v22 =	vadd.s32 v1, v3;
	v26 =	vld.idx.msk [tilespmem:v32+s17+$0x0], $0xffff  }
0x18e: {  	v3 =	vor.u32 $0x1, v22;
	v24 =	vld.idx.msk [tilespmem:v31+s17+$0x0], $0xffff  }
0x18f: {  	v4 =	vor.u32 $0x2, v22;
	v23 =	vld.idx.msk [tilespmem:v28+s17+$0x0], $0xffff  }
0x190: {  	v5 =	vor.u32 $0x3, v22;
	v14 =	vld.idx.msk [tilespmem:v27+s17+$0x0], $0xffff  }
0x191: {  	v11 =	vor.u32 $0x4, v22;
	v10 =	vld.idx.msk [tilespmem:v25+s17+$0x0], $0xffff  }
0x192: {  	v20 =	vor.u32 $0x7, v34;
	v6 =	vld.idx.msk [tilespmem:v22+s23+$0x0], $0xffff  }
0x193: {  	v13 =	vor.u32 $0x5, v22;
	v3 =	vld.idx.msk [tilespmem:v3+s23+$0x0], $0xffff  }
0x194: {  	v42 =	vimm.f32 $-Inf;
	v17 =	vor.u32 $0x8, v34;
	v18 =	vor.u32 $0x6, v22;
	v12 =	vld.idx.msk [tilespmem:v4+s23+$0x0], $0xffff  }
0x195: {  	v9 =	vor.u32 $0x9, v34;
	v8 =	vor.u32 $0xA, v34;
	s19 =	simm.s32 $0x1;
	v21 =	vor.u32 $0x7, v22;
	v16 =	vld.idx.msk [tilespmem:v5+s23+$0x0], $0xffff  }
0x196: {  	v7 =	vor.u32 $0xB, v34;
	v54 =	vmov s19;
	v49 =	vor.u32 $0x8, v22;
	v19 =	vld.idx.msk [tilespmem:v11+s23+$0x0], $0xffff  }
0x197: {  	v59 =	vor.u32 $0xB, v22;
	v62 =	vshll.u32 v54, $0x4;
	v11 =	vld.idx.msk [tilespmem:v20+s17+$0x0], $0xffff;
	v4 =	vmul.f32 v6, v30  }
0x198: {  	v57 =	vor.u32 $0xA, v22;
	v63 =	vor.u32 $0xD, v22;
	v37 =	vadd.s32 v1, v62;
	v48 =	vld.idx.msk [tilespmem:v13+s23+$0x0], $0xffff  }
0x199: {  	v53 =	vld.idx.msk [tilespmem:v18+s23+$0x0], $0xffff;
	v18 =	vor.u32 $0x9, v22;
	v15 =	vmul.f32 v3, v29;
	v4 =	vadd.f32 $0.0e+00, v4  }
0x19a: {  	v5 =	vor.u32 $0xC, v34;
	v21 =	vld.idx.msk [tilespmem:v21+s23+$0x0], $0xffff;
	v47 =	vmul.f32 v6, v6;
	v3 =	vmul.f32 v3, v3  }
0x19b: {  	v39 =	vld.idx.msk [tilespmem:v49+s23+$0x0], $0xffff;
	v6 =	vor.u32 $0xE, v34;
	v46 =	vmul.f32 v12, v26;
	v45 =	vadd.f32 v15, v4  }
0x19c: {  	v43 =	vld.idx.msk [tilespmem:v59+s23+$0x0], $0xffff;
	v50 =	vmul.f32 v16, v24;
	v52 =	vmul.f32 v12, v12;
	v51 =	vadd.f32 v3, v47  }
0x19d: {  	v12 =	vld.idx.msk [tilespmem:v9+s17+$0x0], $0xffff;
	v56 =	vmul.f32 v19, v23;
	v16 =	vmul.f32 v16, v16;
	v13 =	vadd.f32 v46, v45  }
0x19e: {  	v58 =	vmul.f32 v48, v14;
	v19 =	vmul.f32 v19, v19;
	v61 =	vld.idx.msk [tilespmem:v18+s23+$0x0], $0xffff;
	v36 =	vadd.f32 v52, v51  }
0x19f: {  	v60 =	vmul.f32 v53, v10;
	v38 =	vmul.f32 v48, v48;
	v18 =	vld.idx.msk [tilespmem:v5+s17+$0x0], $0xffff;
	v35 =	vadd.f32 v50, v13  }
0x1a0: {  	v40 =	vmul.f32 v53, v53;
	v53 =	vor.u32 $0xE, v22;
	v15 =	vld.idx.msk [tilespmem:v17+s17+$0x0], $0xffff;
	v36 =	vadd.f32 v16, v36  }
0x1a1: {  	v55 =	vmul.f32 v21, v11;
	v4 =	vor.u32 $0xD, v34;
	v45 =	vld.idx.msk [tilespmem:v63+s23+$0x0], $0xffff;
	v35 =	vadd.f32 v56, v35  }
0x1a2: {  	v3 =	vor.u32 $0xF, v34;
	v52 =	vmul.f32 v21, v21;
	v16 =	vld.idx.msk [tilespmem:v7+s17+$0x0], $0xffff;
	v19 =	vadd.f32 v19, v36  }
0x1a3: {  	v54 =	vmul.f32 v61, v12;
	v44 =	vmul.f32 v61, v61;
	v13 =	vld.idx.msk [tilespmem:v8+s17+$0x0], $0xffff;
	v35 =	vadd.f32 v58, v35  }
0x1a4: {  	v61 =	vor.u32 $0x2, v37;
	v50 =	vor.u32 $0xC, v22;
	v56 =	vld.idx.msk [tilespmem:v57+s23+$0x0], $0xffff;
	v38 =	vadd.f32 v38, v19  }
0x1a5: {  	v47 =	vld.idx.msk [tilespmem:v53+s23+$0x0], $0xffff;
	v63 =	vor.u32 $0x3, v37;
	v57 =	vor.u32 $0xF, v22;
	v35 =	vadd.f32 v60, v35  }
0x1a6: {  	v53 =	vor.u32 $0x9, v37;
	v19 =	vld.idx.msk [tilespmem:v4+s17+$0x0], $0xffff;
	v58 =	vor.u32 $0x1, v37;
	v38 =	vadd.f32 v40, v38  }
0x1a7: {  	v51 =	vmul.f32 v39, v15;
	v39 =	vmul.f32 v39, v39;
	v60 =	vld.idx.msk [tilespmem:v37+s23+$0x0], $0xffff;
	v35 =	vadd.f32 v55, v35  }
0x1a8: {  	v21 =	vld.idx.msk [tilespmem:v6+s17+$0x0], $0xffff;
	v36 =	vimm.f32 $0.0e+00;
	v62 =	vmul.f32 v43, v16;
	v38 =	vadd.f32 v52, v38  }
0x1a9: {  	v43 =	vmul.f32 v43, v43;
	v59 =	vmul.f32 v56, v13;
	v55 =	vld.idx.msk [tilespmem:v50+s23+$0x0], $0xffff;
	v35 =	vadd.f32 v51, v35  }
0x1aa: {  	v46 =	vmul.f32 v56, v56;
	v49 =	vld.idx.msk [tilespmem:v57+s23+$0x0], $0xffff;
	v57 =	vor.u32 $0x4, v37;
	v38 =	vadd.f32 v39, v38  }
0x1ab: {  	v40 =	vld.idx.msk [tilespmem:v58+s23+$0x0], $0xffff;
	v58 =	vmul.f32 v45, v19;
	v45 =	vmul.f32 v45, v45;
	v35 =	vadd.f32 v54, v35  }
0x1ac: {  	v22 =	vld.idx.msk [tilespmem:v3+s17+$0x0], $0xffff;
	v51 =	vor.u32 $0xA, v37;
	v38 =	vadd.f32 v44, v38;
	v50 =	vmul.f32 v60, v60  }
0x1ad: {  	v39 =	vmul.f32 v60, v30;
	v60 =	vmul.f32 v47, v21;
	v35 =	vadd.f32 v59, v35  }
0x1ae: {  	v44 =	vor.u32 $0x6, v37;
	v56 =	vmul.f32 v55, v18;
	v38 =	vadd.f32 v46, v38;
	v46 =	vld.idx.msk [tilespmem:v61+s23+$0x0], $0xffff  }
0x1af: {  	v48 =	vmul.f32 v55, v55;
	v59 =	vor.u32 $0x5, v37;
	v35 =	vadd.f32 v62, v35  }
0x1b0: {  	v39 =	vadd.f32 $0.0e+00, v39;
	v38 =	vadd.f32 v43, v38;
	v43 =	vld.idx.msk [tilespmem:v63+s23+$0x0], $0xffff;
	v62 =	vmul.f32 v40, v29  }
0x1b1: {  	v61 =	vmul.f32 v49, v22;
	v63 =	vld.idx.msk [tilespmem:v57+s23+$0x0], $0xffff;
	v40 =	vmul.f32 v40, v40;
	v35 =	vadd.f32 v56, v35  }
0x1b2: {  	v38 =	vadd.f32 v48, v38;
	v56 =	vor.u32 $0x7, v37;
	v57 =	vadd.f32 v62, v39  }
0x1b3: {  	v52 =	vld.idx.msk [tilespmem:v44+s23+$0x0], $0xffff;
	v40 =	vadd.f32 v40, v50;
	v35 =	vadd.f32 v58, v35;
	v58 =	vmul.f32 v46, v26  }
0x1b4: {  	v50 =	vor.u32 $0x8, v37;
	v45 =	vadd.f32 v45, v38;
	v59 =	vld.idx.msk [tilespmem:v59+s23+$0x0], $0xffff;
	v46 =	vmul.f32 v46, v46  }
0x1b5: {  	v35 =	vadd.f32 v60, v35;
	v38 =	vadd.f32 v58, v57;
	v60 =	vmul.f32 v43, v24  }
0x1b6: {  	v44 =	vor.u32 $0xB, v37;
	v62 =	vmul.f32 v63, v23;
	v41 =	vmul.f32 v63, v63  }
0x1b7: {  	v63 =	vmul.f32 v47, v47;
	v35 =	vadd.f32 v61, v35;
	v39 =	vadd.f32 v60, v38  }
0x1b8: {  	v47 =	vmul.f32 v52, v52;
	v40 =	vadd.f32 v46, v40;
	v61 =	vmul.f32 v43, v43;
	v38 =	vld.idx.msk [tilespmem:v56+s23+$0x0], $0xffff  }
0x1b9: {  	v58 =	vmul.f32 v59, v14;
	vm0 =	vgt.f32 v35, v42;
	v57 =	vadd.f32 v62, v39  }
0x1ba: {  	v46 =	vor.u32 $0xC, v37;
	v40 =	vadd.f32 v61, v40;
	v35 =	vsel vm0, v35, v42;
	v42 =	vld.idx.msk [tilespmem:v50+s23+$0x0], $0xffff  }
0x1bb: {  	s19 =	simm.s32 $0x2;
	v59 =	vmul.f32 v59, v59;
	v62 =	vmul.f32 v52, v10;
	v61 =	vadd.f32 v58, v57  }
0x1bc: {  	v43 =	vld.idx.msk [tilespmem:v53+s23+$0x0], $0xffff;
	v39 =	vadd.f32 v63, v45;
	v63 =	vmov s19;
	v60 =	vadd.f32 v41, v40  }
0x1bd: {  	v40 =	vmul.f32 v49, v49;
	v49 =	vmul.f32 v38, v11;
	v48 =	vadd.f32 v62, v61  }
0x1be: {  	s30 =	simm.s32 $0x3;
	v45 =	vor.u32 $0xD, v37;
	v41 =	vld.idx.msk [tilespmem:v51+s23+$0x0], $0xffff;
	v51 =	vshll.u32 v63, $0x4;
	v50 =	vadd.f32 v59, v60  }
.LBB2_7:
0x1bf: {  	p1 =	sne.s32 s30, $0x31;
	v51 =	vadd.s32 v1, v51;
	v48 =	vadd.f32 v49, v48;
	v49 =	vmul.f32 v42, v15;
	v44 =	vld.idx.msk [tilespmem:v44+s23+$0x0], $0xffff  }
0x1c0: {  	v38 =	vmul.f32 v38, v38;
	v47 =	vadd.f32 v47, v50;
	v50 =	vor.u32 $0xE, v37  }
0x1c1: {  	v52 =	vor.u32 $0xF, v37;
	v37 =	vmovc v51;
	v48 =	vadd.f32 v49, v48;
	v49 =	vmul.f32 v43, v12;
	v46 =	vld.idx.msk [tilespmem:v46+s23+$0x0], $0xffff  }
0x1c2: {  	v42 =	vmul.f32 v42, v42;
	v53 =	vor.u32 $0x1, v37;
	v38 =	vadd.f32 v38, v47  }
0x1c3: {  	v43 =	vmul.f32 v43, v43;
	v47 =	vadd.f32 v49, v48;
	v48 =	vmul.f32 v41, v13;
	v45 =	vld.idx.msk [tilespmem:v45+s23+$0x0], $0xffff  }
0x1c4: {  	v41 =	vmul.f32 v41, v41;
	v49 =	vld.idx.msk [tilespmem:v51+s23+$0x0], $0xffff;
	v51 =	vor.u32 $0x2, v37;
	v38 =	vadd.f32 v42, v38  }
0x1c5: {  	v42 =	vadd.f32 v48, v47;
	v47 =	vmul.f32 v44, v16;
	v44 =	vmul.f32 v44, v44;
	v48 =	vld.idx.msk [tilespmem:v50+s23+$0x0], $0xffff  }
0x1c6: {  	v39 =	vadd.f32 v40, v39;
	v50 =	vor.u32 $0x3, v37;
	v38 =	vadd.f32 v43, v38;
	v52 =	vld.idx.msk [tilespmem:v52+s23+$0x0], $0xffff  }
0x1c7: {  	v43 =	vmul.f32 v46, v18;
	v46 =	vmul.f32 v46, v46;
	v40 =	vld.idx.msk [tilespmem:v53+s23+$0x0], $0xffff;
	v42 =	vadd.f32 v47, v42  }
0x1c8: {  	v36 =	vsel vm0, v39, v36;
	v47 =	vor.u32 $0x4, v37;
	v38 =	vadd.f32 v41, v38  }
0x1c9: {  	v39 =	vld.idx.msk [tilespmem:v51+s23+$0x0], $0xffff;
	v41 =	vadd.f32 v43, v42;
	v42 =	vmul.f32 v45, v19;
	v43 =	vmul.f32 v45, v45  }
0x1ca: {  	v45 =	vmul.f32 v49, v49;
	v51 =	vor.u32 $0x5, v37;
	v38 =	vadd.f32 v44, v38  }
0x1cb: {  	v44 =	vmul.f32 v49, v30;
	v49 =	vld.idx.msk [tilespmem:v50+s23+$0x0], $0xffff;
	v41 =	vadd.f32 v42, v41;
	v42 =	vmul.f32 v48, v21  }
0x1cc: {  	v50 =	vor.u32 $0x6, v37;
	v38 =	vadd.f32 v46, v38;
	v46 =	vmul.f32 v52, v22  }
0x1cd: {  	v44 =	vadd.f32 $0.0e+00, v44;
	v53 =	vmul.f32 v40, v29;
	v47 =	vld.idx.msk [tilespmem:v47+s23+$0x0], $0xffff;
	v41 =	vadd.f32 v42, v41  }
0x1ce: {  	v40 =	vmul.f32 v40, v40;
	v42 =	vor.u32 $0x7, v37;
	v43 =	vadd.f32 v43, v38  }
0x1cf: {  	v38 =	vadd.f32 v53, v44;
	v44 =	vmul.f32 v39, v26;
	v51 =	vld.idx.msk [tilespmem:v51+s23+$0x0], $0xffff;
	v41 =	vadd.f32 v46, v41  }
0x1d0: {  	v40 =	vadd.f32 v40, v45;
	v39 =	vmul.f32 v39, v39;
	v45 =	vor.u32 $0x8, v37  }
0x1d1: {  	v38 =	vadd.f32 v44, v38;
	v44 =	vmul.f32 v49, v24;
	v46 =	vld.idx.msk [tilespmem:v50+s23+$0x0], $0xffff;
	vm0 =	vgt.f32 v41, v35  }
0x1d2: {  	v39 =	vadd.f32 v39, v40;
	v40 =	vor.u32 $0x9, v37;
	v35 =	vsel vm0, v41, v35  }
0x1d3: {  	v41 =	vadd.f32 v44, v38;
	v44 =	vmul.f32 v49, v49;
	v49 =	vmul.f32 v47, v23;
	v38 =	vld.idx.msk [tilespmem:v42+s23+$0x0], $0xffff  }
0x1d4: {  	v48 =	vmul.f32 v48, v48;
	v50 =	vor.u32 $0xA, v37;
	v47 =	vmul.f32 v47, v47  }
0x1d5: {  	v53 =	vadd.f32 v44, v39;
	v41 =	vadd.f32 v49, v41;
	v49 =	vmul.f32 v51, v14;
	v42 =	vld.idx.msk [tilespmem:v45+s23+$0x0], $0xffff  }
.Ltmp4:
0x1d6: {  	v44 =	vor.u32 $0xB, v37;
	v39 =	vadd.f32 v48, v43;
	v45 =	vmul.f32 v51, v51;
	(pc) =	sbr.rel @p1 .LBB2_7-.Ltmp4, $4  }
0x1d7: {  	v53 =	vadd.f32 v47, v53;
	v41 =	vadd.f32 v49, v41;
	v48 =	vmul.f32 v46, v10;
	v43 =	vld.idx.msk [tilespmem:v40+s23+$0x0], $0xffff  }
0x1d8: {  	v47 =	vmul.f32 v46, v46;
	v46 =	vor.u32 $0xC, v37;
	v40 =	vmul.f32 v52, v52  }
0x1d9: {  	v51 =	vmov s30;
	v48 =	vadd.f32 v48, v41;
	v49 =	vmul.f32 v38, v11;
	v41 =	vld.idx.msk [tilespmem:v50+s23+$0x0], $0xffff  }
0x1da: {  	s30 =	sadd.s32 $0x1, s30;
	v51 =	vshll.u32 v51, $0x4;
	v50 =	vadd.f32 v45, v53;
	v45 =	vor.u32 $0xD, v37  }
0x1db: {  	_ =	sdelay $0x1  }
0x1dc: {  	v48 =	vadd.f32 v49, v48;
	v58 =	vmul.f32 v42, v15;
	v51 =	vadd.s32 v1, v51  }
0x1dd: {  	v38 =	vmul.f32 v38, v38;
	v61 =	vmul.f32 v42, v42;
	v62 =	vor.u32 $0xE, v37  }
0x1de: {  	v44 =	vld.idx.msk [tilespmem:v44+s23+$0x0], $0xffff;
	v37 =	vor.u32 $0xF, v37;
	v39 =	vadd.f32 v40, v39;
	v47 =	vadd.f32 v47, v50  }
0x1df: {  	v46 =	vld.idx.msk [tilespmem:v46+s23+$0x0], $0xffff;
	v59 =	vmul.f32 v43, v12;
	v60 =	vor.u32 $0x1, v51;
	v48 =	vadd.f32 v58, v48  }
0x1e0: {  	v56 =	vmul.f32 v43, v43;
	v52 =	vor.u32 $0x2, v51;
	v38 =	vadd.f32 v38, v47  }
0x1e1: {  	v45 =	vld.idx.msk [tilespmem:v45+s23+$0x0], $0xffff;
	v58 =	vor.u32 $0x3, v51;
	v63 =	vmul.f32 v41, v13;
	v48 =	vadd.f32 v59, v48  }
0x1e2: {  	v36 =	vsel vm0, v39, v36;
	v59 =	vmul.f32 v41, v41;
	v42 =	vadd.f32 v61, v38;
	v53 =	vld.idx.msk [tilespmem:v51+s23+$0x0], $0xffff  }
0x1e3: {  	v57 =	vmul.f32 v44, v16;
	v44 =	vmul.f32 v44, v44;
	v47 =	vld.idx.msk [tilespmem:v62+s23+$0x0], $0xffff;
	v48 =	vadd.f32 v63, v48  }
0x1e4: {  	v61 =	vor.u32 $0x4, v51;
	v40 =	vld.idx.msk [tilespmem:v60+s23+$0x0], $0xffff;
	v60 =	vmul.f32 v46, v18;
	v46 =	vmul.f32 v46, v46  }
0x1e5: {  	v37 =	vld.idx.msk [tilespmem:v37+s23+$0x0], $0xffff;
	v63 =	vor.u32 $0x5, v51;
	v42 =	vadd.f32 v56, v42;
	v48 =	vadd.f32 v57, v48  }
0x1e6: {  	v43 =	vld.idx.msk [tilespmem:v58+s23+$0x0], $0xffff;
	v58 =	vor.u32 $0x6, v51;
	v57 =	vmul.f32 v45, v19;
	v45 =	vmul.f32 v45, v45  }
0x1e7: {  	v41 =	vadd.f32 v59, v42;
	v62 =	vadd.f32 v60, v48;
	v56 =	vmul.f32 v53, v30  }
0x1e8: {  	v39 =	vld.idx.msk [tilespmem:v52+s23+$0x0], $0xffff;
	v59 =	vmul.f32 v47, v21;
	v60 =	vor.u32 $0x7, v51;
	v53 =	vmul.f32 v53, v53  }
0x1e9: {  	v47 =	vmul.f32 v47, v47;
	v41 =	vadd.f32 v44, v41;
	v54 =	vmul.f32 v40, v29  }
0x1ea: {  	v40 =	vmul.f32 v40, v40;
	v48 =	vld.idx.msk [tilespmem:v63+s23+$0x0], $0xffff;
	v49 =	vadd.f32 $0.0e+00, v56;
	v42 =	vadd.f32 v57, v62  }
0x1eb: {  	v62 =	vor.u32 $0x8, v51;
	v63 =	vmul.f32 v43, v24;
	v44 =	vld.idx.msk [tilespmem:v58+s23+$0x0], $0xffff;
	v58 =	vmul.f32 v37, v22  }
0x1ec: {  	v56 =	vor.u32 $0xC, v51;
	v37 =	vmul.f32 v37, v37;
	v41 =	vadd.f32 v46, v41  }
0x1ed: {  	v46 =	vld.idx.msk [tilespmem:v61+s23+$0x0], $0xffff;
	v61 =	vmul.f32 v39, v26;
	v40 =	vadd.f32 v40, v53;
	v39 =	vmul.f32 v39, v39  }
0x1ee: {  	v28 =	vld.idx.msk [tilespmem:v28+s18+$0x0], $0xffff;
	v49 =	vadd.f32 v54, v49;
	v42 =	vadd.f32 v59, v42;
	v59 =	vmul.f32 v43, v43  }
0x1ef: {  	v41 =	vadd.f32 v45, v41;
	v45 =	vor.u32 $0x9, v51;
	v39 =	vadd.f32 v39, v40  }
0x1f0: {  	v43 =	vld.idx.msk [tilespmem:v60+s23+$0x0], $0xffff;
	v60 =	vor.u32 $0xA, v51;
	v49 =	vadd.f32 v61, v49;
	v61 =	vmul.f32 v48, v14  }
0x1f1: {  	v42 =	vadd.f32 v58, v42;
	v48 =	vmul.f32 v48, v48;
	v58 =	vor.u32 $0xD, v51  }
0x1f2: {  	v39 =	vadd.f32 v59, v39;
	v40 =	vld.idx.msk [tilespmem:v62+s23+$0x0], $0xffff;
	v62 =	vor.u32 $0xB, v51;
	v41 =	vadd.f32 v47, v41  }
0x1f3: {  	v34 =	vld.idx.msk [tilespmem:v34+s18+$0x0], $0xffff;
	v47 =	vmul.f32 v28, v23;
	v49 =	vadd.f32 v63, v49;
	v57 =	vmul.f32 v46, v23  }
0x1f4: {  	v46 =	vmul.f32 v46, v46;
	v63 =	vmul.f32 v44, v10;
	vm0 =	vgt.f32 v42, v35;
	v45 =	vld.idx.msk [tilespmem:v45+s23+$0x0], $0xffff  }
0x1f5: {  	v44 =	vmul.f32 v44, v44;
	v23 =	vmul.f32 v23, v23;
	v49 =	vadd.f32 v57, v49;
	v50 =	vld.idx.msk [tilespmem:v60+s23+$0x0], $0xffff  }
0x1f6: {  	v35 =	vsel vm0, v42, v35;
	v39 =	vadd.f32 v46, v39;
	v57 =	vmul.f32 v43, v11;
	v46 =	vld.idx.msk [tilespmem:v56+s23+$0x0], $0xffff  }
0x1f7: {  	v43 =	vmul.f32 v43, v43;
	v49 =	vadd.f32 v61, v49;
	v59 =	vmul.f32 v40, v15  }
0x1f8: {  	v39 =	vadd.f32 v48, v39;
	v40 =	vmul.f32 v40, v40;
	v48 =	vld.idx.msk [tilespmem:v58+s23+$0x0], $0xffff;
	v58 =	vmul.f32 v34, v30  }
0x1f9: {  	v60 =	vld.idx.msk [tilespmem:v62+s23+$0x0], $0xffff;
	v34 =	vmul.f32 v34, v34;
	v30 =	vmul.f32 v30, v30;
	v49 =	vadd.f32 v63, v49  }
0x1fa: {  	v39 =	vadd.f32 v44, v39;
	v62 =	vmul.f32 v45, v12;
	v63 =	vmul.f32 v50, v13  }
0x1fb: {  	v37 =	vadd.f32 v37, v41;
	v56 =	vld.idx.msk [tilespmem:v32+s18+$0x0], $0xffff;
	v45 =	vmul.f32 v45, v45;
	v54 =	vmul.f32 v46, v18  }
0x1fc: {  	v33 =	vld.idx.msk [tilespmem:v33+s18+$0x0], $0xffff;
	v55 =	vmul.f32 v46, v46;
	v49 =	vadd.f32 v57, v49;
	v39 =	vadd.f32 v43, v39  }
0x1fd: {  	v43 =	vor.u32 $0xE, v51;
	v57 =	vsel vm0, v37, v36;
	v36 =	vadd.f32 $0.0e+00, v58  }
0x1fe: {  	v27 =	vld.idx.msk [tilespmem:v27+s18+$0x0], $0xffff;
	v52 =	vmul.f32 v60, v16;
	v42 =	vmul.f32 v60, v60;
	v61 =	vadd.f32 v59, v49  }
0x1ff: {  	v60 =	vmul.f32 v48, v19;
	v49 =	vor.u32 $0xF, v51;
	v39 =	vadd.f32 v40, v39  }
0x200: {  	v51 =	vmul.f32 v50, v50;
	v40 =	vmul.f32 v56, v56;
	v44 =	vadd.f32 v62, v61  }
0x201: {  	v31 =	vld.idx.msk [tilespmem:v31+s18+$0x0], $0xffff;
	v39 =	vadd.f32 v45, v39;
	v61 =	vmul.f32 v48, v48;
	v62 =	vmul.f32 v33, v29  }
0x202: {  	v33 =	vmul.f32 v33, v33;
	v29 =	vmul.f32 v29, v29;
	v44 =	vadd.f32 v63, v44  }
0x203: {  	v48 =	vmul.f32 v27, v14;
	v39 =	vadd.f32 v51, v39;
	v36 =	vadd.f32 v62, v36  }
0x204: {  	v63 =	vmul.f32 v56, v26;
	v33 =	vadd.f32 v33, v34;
	v29 =	vadd.f32 v29, v30  }
0x205: {  	v43 =	vld.idx.msk [tilespmem:v43+s23+$0x0], $0xffff;
	v26 =	vmul.f32 v26, v26;
	v53 =	vadd.f32 v52, v44;
	v39 =	vadd.f32 v42, v39  }
0x206: {  	v30 =	vadd.f32 v63, v36;
	v33 =	vadd.f32 v40, v33;
	v44 =	vmul.f32 v31, v24  }
0x207: {  	v25 =	vld.idx.msk [tilespmem:v25+s18+$0x0], $0xffff;
	v31 =	vmul.f32 v31, v31;
	v26 =	vadd.f32 v26, v29;
	v24 =	vmul.f32 v24, v24  }
0x208: {  	v14 =	vmul.f32 v14, v14;
	v29 =	vld.idx.msk [tilespmem:v49+s23+$0x0], $0xffff;
	v59 =	vadd.f32 v54, v53;
	v30 =	vadd.f32 v44, v30  }
0x209: {  	v31 =	vadd.f32 v31, v33;
	v24 =	vadd.f32 v24, v26;
	v26 =	vmul.f32 v28, v28  }
0x20a: {  	v20 =	vld.idx.msk [tilespmem:v20+s18+$0x0], $0xffff;
	v46 =	vmul.f32 v43, v21;
	v28 =	vadd.f32 v55, v39;
	v30 =	vadd.f32 v47, v30  }
0x20b: {  	v26 =	vadd.f32 v26, v31;
	v23 =	vadd.f32 v23, v24;
	v24 =	vmul.f32 v27, v27  }
0x20c: {  	v17 =	vld.idx.msk [tilespmem:v17+s18+$0x0], $0xffff;
	v37 =	vadd.f32 v60, v59;
	v27 =	vadd.f32 v48, v30;
	v30 =	vmul.f32 v25, v10  }
0x20d: {  	v31 =	vmul.f32 v29, v22;
	v24 =	vadd.f32 v24, v26;
	v25 =	vmul.f32 v25, v25  }
0x20e: {  	v9 =	vld.idx.msk [tilespmem:v9+s18+$0x0], $0xffff;
	v14 =	vadd.f32 v14, v23;
	v10 =	vmul.f32 v10, v10;
	v23 =	vadd.f32 v30, v27  }
0x20f: {  	v24 =	vadd.f32 v25, v24;
	v25 =	vmul.f32 v20, v11;
	v20 =	vmul.f32 v20, v20  }
0x210: {  	v8 =	vld.idx.msk [tilespmem:v8+s18+$0x0], $0xffff;
	v26 =	vadd.f32 v46, v37;
	v10 =	vadd.f32 v10, v14;
	v11 =	vmul.f32 v11, v11  }
0x211: {  	v14 =	vadd.f32 v25, v23;
	v20 =	vadd.f32 v20, v24;
	v23 =	vmul.f32 v17, v15  }
0x212: {  	v10 =	vadd.f32 v11, v10;
	v11 =	vmul.f32 v17, v17;
	v15 =	vmul.f32 v15, v15  }
0x213: {  	v7 =	vld.idx.msk [tilespmem:v7+s18+$0x0], $0xffff;
	v17 =	vadd.f32 v61, v28;
	v14 =	vadd.f32 v23, v14;
	v23 =	vmul.f32 v9, v12  }
0x214: {  	v11 =	vadd.f32 v11, v20;
	v10 =	vadd.f32 v15, v10;
	v9 =	vmul.f32 v9, v9  }
0x215: {  	v5 =	vld.idx.msk [tilespmem:v5+s18+$0x0], $0xffff;
	v12 =	vmul.f32 v12, v12;
	v15 =	vmul.f32 v8, v13;
	v14 =	vadd.f32 v23, v14  }
0x216: {  	v20 =	vadd.f32 v31, v26;
	v8 =	vmul.f32 v8, v8;
	v9 =	vadd.f32 v9, v11  }
0x217: {  	v4 =	vld.idx.msk [tilespmem:v4+s18+$0x0], $0xffff;
	v10 =	vadd.f32 v12, v10;
	v12 =	vmul.f32 v13, v13;
	v11 =	vadd.f32 v15, v14  }
0x218: {  	v8 =	vadd.f32 v8, v9;
	v9 =	vmul.f32 v7, v16;
	v7 =	vmul.f32 v7, v7  }
0x219: {  	v6 =	vld.idx.msk [tilespmem:v6+s18+$0x0], $0xffff;
	vm0 =	vgt.f32 v20, v35;
	v10 =	vadd.f32 v12, v10;
	v12 =	vmul.f32 v16, v16  }
0x21a: {  	v9 =	vadd.f32 v9, v11;
	v7 =	vadd.f32 v7, v8;
	v8 =	vmul.f32 v5, v5  }
0x21b: {  	v10 =	vadd.f32 v12, v10;
	v5 =	vmul.f32 v5, v18;
	v11 =	vmul.f32 v18, v18  }
0x21c: {  	v3 =	vld.idx.msk [tilespmem:v3+s18+$0x0], $0xffff;
	v12 =	vmul.f32 v43, v43;
	v7 =	vadd.f32 v8, v7;
	v8 =	vmul.f32 v4, v4  }
0x21d: {  	v5 =	vadd.f32 v5, v9;
	v9 =	vadd.f32 v11, v10;
	v10 =	vmul.f32 v19, v19  }
0x21e: {  	v4 =	vmul.f32 v4, v19;
	v7 =	vadd.f32 v8, v7;
	v8 =	vmul.f32 v6, v6  }
0x21f: {  	v11 =	vadd.f32 v12, v17;
	v9 =	vadd.f32 v10, v9;
	v10 =	vmul.f32 v21, v21  }
0x220: {  	v4 =	vadd.f32 v4, v5;
	v5 =	vmul.f32 v6, v21;
	v6 =	vadd.f32 v8, v7  }
0x221: {  	v7 =	vadd.f32 v10, v9;
	v8 =	vmul.f32 v3, v3;
	v9 =	vmul.f32 v22, v22  }
0x222: {  	s1 =	sor.u32 $0x30, s1;
	v10 =	vmul.f32 v29, v29;
	v4 =	vadd.f32 v5, v4;
	v3 =	vmul.f32 v3, v22  }
0x223: {  	v5 =	vadd.f32 v8, v6;
	v6 =	vadd.f32 v9, v7;
	v7 =	vmov s1  }
0x224: {  	v8 =	vadd.f32 v10, v11;
	v3 =	vadd.f32 v3, v4;
	v4 =	vshll.u32 v7, $0x4  }
0x225: {  	v7 =	vsel vm0, v20, v35;
	v5 =	vadd.f32 v5, v6;
	v34 =	vor.u32 v0, v4  }
0x226: {  	v4 =	vsel vm0, v8, v57;
	v3 =	vsub.f32 v3, v7;
	v33 =	vor.u32 $0x1, v34  }
0x227: {  	v32 =	vor.u32 $0x2, v34;
	v4 =	vadd.f32 v5, v4  }
0x228: {  	s4 =	simm.s32 $0x0;
	v31 =	vor.u32 $0x3, v34;
	[tilespmem:s29+$0x11880] =	vst v3  }
0x229: {  	v38 =	vmov s4;
	v28 =	vor.u32 $0x4, v34;
	[tilespmem:s29+$0x11A80] =	vst v4  }
0x22a: {  	v27 =	vor.u32 $0x5, v34;
	v5 =	vshll.u32 v38, $0x4;
	v30 =	vld.idx.msk [tilespmem:v34+s17+$0x0], $0xffff  }
0x22b: {  	v22 =	vadd.s32 v2, v5;
	v29 =	vld.idx.msk [tilespmem:v33+s17+$0x0], $0xffff  }
0x22c: {  	v25 =	vor.u32 $0x6, v34;
	v26 =	vld.idx.msk [tilespmem:v32+s17+$0x0], $0xffff  }
0x22d: {  	v3 =	vor.u32 $0x1, v22;
	v24 =	vld.idx.msk [tilespmem:v31+s17+$0x0], $0xffff  }
0x22e: {  	v21 =	vor.u32 $0x7, v34;
	v23 =	vld.idx.msk [tilespmem:v28+s17+$0x0], $0xffff  }
0x22f: {  	v4 =	vor.u32 $0x2, v22;
	v13 =	vld.idx.msk [tilespmem:v27+s17+$0x0], $0xffff  }
0x230: {  	v5 =	vor.u32 $0x3, v22;
	v6 =	vld.idx.msk [tilespmem:v22+s23+$0x0], $0xffff  }
0x231: {  	v11 =	vor.u32 $0x5, v22;
	v9 =	vld.idx.msk [tilespmem:v25+s17+$0x0], $0xffff  }
0x232: {  	v15 =	vor.u32 $0x6, v22;
	v7 =	vld.idx.msk [tilespmem:v3+s23+$0x0], $0xffff  }
0x233: {  	v10 =	vld.idx.msk [tilespmem:v21+s17+$0x0], $0xffff;
	v3 =	vor.u32 $0x4, v22  }
0x234: {  	v36 =	vimm.f32 $0.0e+00;
	v58 =	vor.u32 $0xA, v22;
	v4 =	vld.idx.msk [tilespmem:v4+s23+$0x0], $0xffff  }
0x235: {  	v17 =	vor.u32 $0x8, v34;
	v16 =	vor.u32 $0x9, v34;
	v12 =	vld.idx.msk [tilespmem:v5+s23+$0x0], $0xffff;
	v8 =	vmul.f32 v6, v30  }
0x236: {  	v20 =	vor.u32 $0x7, v22;
	v52 =	vor.u32 $0x8, v22;
	v55 =	vor.u32 $0x9, v22;
	v51 =	vld.idx.msk [tilespmem:v11+s23+$0x0], $0xffff  }
0x237: {  	v60 =	vor.u32 $0xB, v22;
	v54 =	vld.idx.msk [tilespmem:v15+s23+$0x0], $0xffff;
	v18 =	vmul.f32 v7, v29;
	v14 =	vadd.f32 $0.0e+00, v8  }
0x238: {  	v5 =	vor.u32 $0xB, v34;
	v50 =	vmul.f32 v6, v6;
	v19 =	vld.idx.msk [tilespmem:v3+s23+$0x0], $0xffff;
	v7 =	vmul.f32 v7, v7  }
0x239: {  	v42 =	vld.idx.msk [tilespmem:v58+s23+$0x0], $0xffff;
	v58 =	vor.u32 $0xF, v22;
	v49 =	vmul.f32 v4, v26;
	v18 =	vadd.f32 v18, v14  }
0x23a: {  	v11 =	vld.idx.msk [tilespmem:v16+s17+$0x0], $0xffff;
	v6 =	vor.u32 $0xD, v34;
	v4 =	vmul.f32 v4, v4;
	v37 =	vadd.f32 v7, v50  }
0x23b: {  	v20 =	vld.idx.msk [tilespmem:v20+s23+$0x0], $0xffff;
	v3 =	vor.u32 $0xC, v34;
	v53 =	vmul.f32 v12, v24;
	v18 =	vadd.f32 v49, v18  }
0x23c: {  	v39 =	vld.idx.msk [tilespmem:v52+s23+$0x0], $0xffff;
	v57 =	vmul.f32 v12, v12;
	v8 =	vor.u32 $0xA, v34;
	v56 =	vadd.f32 v4, v37  }
0x23d: {  	v63 =	vld.idx.msk [tilespmem:v55+s23+$0x0], $0xffff;
	v7 =	vor.u32 $0xE, v34;
	v15 =	vadd.f32 v53, v18;
	v18 =	vmul.f32 v19, v23  }
0x23e: {  	v44 =	vld.idx.msk [tilespmem:v60+s23+$0x0], $0xffff;
	v50 =	vor.u32 $0xC, v22;
	v35 =	vadd.f32 v57, v56;
	v19 =	vmul.f32 v19, v19  }
0x23f: {  	s19 =	simm.s32 $0x1;
	v59 =	vmul.f32 v51, v13;
	v62 =	vmul.f32 v54, v9;
	v48 =	vld.idx.msk [tilespmem:v58+s23+$0x0], $0xffff;
	v18 =	vadd.f32 v18, v15  }
0x240: {  	v38 =	vmul.f32 v51, v51;
	v51 =	vmov s19;
	v14 =	vld.idx.msk [tilespmem:v17+s17+$0x0], $0xffff;
	v19 =	vadd.f32 v19, v35  }
0x241: {  	v52 =	vmul.f32 v20, v10;
	v40 =	vmul.f32 v54, v54;
	v12 =	vld.idx.msk [tilespmem:v8+s17+$0x0], $0xffff;
	v61 =	vadd.f32 v59, v18  }
0x242: {  	v55 =	vmul.f32 v20, v20;
	v53 =	vor.u32 $0xD, v22;
	v20 =	vld.idx.msk [tilespmem:v7+s17+$0x0], $0xffff;
	v38 =	vadd.f32 v38, v19  }
0x243: {  	v45 =	vshll.u32 v51, $0x4;
	v56 =	vor.u32 $0xE, v22;
	v41 =	vld.idx.msk [tilespmem:v50+s23+$0x0], $0xffff;
	v37 =	vadd.f32 v62, v61  }
0x244: {  	v4 =	vor.u32 $0xF, v34;
	v49 =	vimm.f32 $-Inf;
	v15 =	vld.idx.msk [tilespmem:v5+s17+$0x0], $0xffff;
	v38 =	vadd.f32 v40, v38  }
0x245: {  	v57 =	vmul.f32 v63, v11;
	v18 =	vld.idx.msk [tilespmem:v3+s17+$0x0], $0xffff;
	v43 =	vadd.f32 v52, v37;
	v37 =	vadd.s32 v2, v45  }
0x246: {  	v54 =	vmul.f32 v39, v14;
	v39 =	vmul.f32 v39, v39;
	v19 =	vld.idx.msk [tilespmem:v6+s17+$0x0], $0xffff;
	v38 =	vadd.f32 v55, v38  }
0x247: {  	v35 =	vmul.f32 v63, v63;
	v60 =	vmul.f32 v42, v12;
	v46 =	vld.idx.msk [tilespmem:v53+s23+$0x0], $0xffff;
	v59 =	vor.u32 $0x1, v37  }
0x248: {  	v45 =	vld.idx.msk [tilespmem:v56+s23+$0x0], $0xffff;
	v61 =	vor.u32 $0x2, v37;
	v43 =	vadd.f32 v54, v43;
	v38 =	vadd.f32 v39, v38  }
0x249: {  	v22 =	vld.idx.msk [tilespmem:v4+s17+$0x0], $0xffff;
	v42 =	vmul.f32 v42, v42;
	v62 =	vmul.f32 v44, v15;
	v63 =	vor.u32 $0x3, v37  }
0x24a: {  	v44 =	vmul.f32 v44, v44;
	v43 =	vadd.f32 v57, v43;
	v35 =	vadd.f32 v35, v38;
	v39 =	vld.idx.msk [tilespmem:v37+s23+$0x0], $0xffff  }
0x24b: {  	v56 =	vmul.f32 v41, v18;
	v41 =	vmul.f32 v41, v41;
	v57 =	vor.u32 $0x4, v37  }
0x24c: {  	v43 =	vadd.f32 v60, v43;
	v40 =	vld.idx.msk [tilespmem:v59+s23+$0x0], $0xffff;
	v35 =	vadd.f32 v42, v35;
	v59 =	vmul.f32 v46, v19  }
0x24d: {  	v46 =	vmul.f32 v46, v46;
	v47 =	vld.idx.msk [tilespmem:v61+s23+$0x0], $0xffff;
	v60 =	vor.u32 $0x5, v37;
	v61 =	vmul.f32 v45, v20  }
0x24e: {  	v38 =	vld.idx.msk [tilespmem:v63+s23+$0x0], $0xffff;
	v63 =	vmul.f32 v48, v22;
	v45 =	vmul.f32 v45, v45;
	v43 =	vadd.f32 v62, v43  }
0x24f: {  	v35 =	vadd.f32 v44, v35;
	v50 =	vmul.f32 v39, v39;
	v39 =	vmul.f32 v39, v30  }
0x250: {  	v62 =	vor.u32 $0x6, v37;
	v44 =	vor.u32 $0xB, v37;
	v58 =	vadd.f32 v56, v43  }
0x251: {  	v35 =	vadd.f32 v41, v35;
	v43 =	vld.idx.msk [tilespmem:v57+s23+$0x0], $0xffff;
	v56 =	vmul.f32 v40, v29;
	v39 =	vadd.f32 $0.0e+00, v39  }
0x252: {  	v57 =	vor.u32 $0x7, v37;
	v40 =	vmul.f32 v40, v40;
	v42 =	vadd.f32 v59, v58  }
0x253: {  	v60 =	vld.idx.msk [tilespmem:v60+s23+$0x0], $0xffff;
	v46 =	vadd.f32 v46, v35;
	v59 =	vmul.f32 v47, v26;
	v58 =	vadd.f32 v56, v39  }
0x254: {  	v47 =	vmul.f32 v47, v47;
	v40 =	vadd.f32 v40, v50;
	v50 =	vor.u32 $0x8, v37  }
0x255: {  	v42 =	vadd.f32 v61, v42;
	v61 =	vmul.f32 v38, v24;
	v39 =	vadd.f32 v59, v58  }
0x256: {  	v53 =	vld.idx.msk [tilespmem:v62+s23+$0x0], $0xffff;
	v38 =	vmul.f32 v38, v38;
	v62 =	vadd.f32 v47, v40;
	v56 =	vmul.f32 v43, v23  }
0x257: {  	v40 =	vld.idx.msk [tilespmem:v57+s23+$0x0], $0xffff;
	v41 =	vadd.f32 v63, v42;
	v63 =	vor.u32 $0x9, v37;
	v39 =	vadd.f32 v61, v39  }
0x258: {  	v43 =	vmul.f32 v43, v43;
	v57 =	vor.u32 $0xA, v37;
	v58 =	vmul.f32 v60, v13  }
0x259: {  	v59 =	vmul.f32 v60, v60;
	vm0 =	vgt.f32 v41, v49;
	v39 =	vadd.f32 v56, v39  }
0x25a: {  	v47 =	vadd.f32 v38, v62;
	v38 =	vadd.f32 v45, v46;
	v35 =	vsel vm0, v41, v49;
	v41 =	vld.idx.msk [tilespmem:v50+s23+$0x0], $0xffff  }
0x25b: {  	v46 =	vor.u32 $0xC, v37;
	v62 =	vmul.f32 v53, v9;
	v61 =	vadd.f32 v58, v39  }
0x25c: {  	s30 =	simm.s32 $0x2;
	v45 =	vor.u32 $0xD, v37;
	v60 =	vadd.f32 v43, v47;
	v49 =	vmul.f32 v40, v10;
	v42 =	vld.idx.msk [tilespmem:v63+s23+$0x0], $0xffff  }
0x25d: {  	v63 =	vmov s30;
	v39 =	vmul.f32 v48, v48;
	v48 =	vadd.f32 v62, v61  }
0x25e: {  	s29 =	simm.s32 $0x3;
	v47 =	vmul.f32 v53, v53;
	v43 =	vld.idx.msk [tilespmem:v57+s23+$0x0], $0xffff;
	v50 =	vadd.f32 v59, v60;
	v51 =	vshll.u32 v63, $0x4  }
.LBB2_9:
0x25f: {  	p1 =	sne.s32 s29, $0x31;
	v51 =	vadd.s32 v2, v51;
	v48 =	vadd.f32 v49, v48;
	v49 =	vmul.f32 v41, v14;
	v44 =	vld.idx.msk [tilespmem:v44+s23+$0x0], $0xffff  }
0x260: {  	v40 =	vmul.f32 v40, v40;
	v47 =	vadd.f32 v47, v50;
	v50 =	vor.u32 $0xE, v37  }
0x261: {  	v52 =	vor.u32 $0xF, v37;
	v37 =	vmovc v51;
	v48 =	vadd.f32 v49, v48;
	v49 =	vmul.f32 v42, v11;
	v46 =	vld.idx.msk [tilespmem:v46+s23+$0x0], $0xffff  }
0x262: {  	v41 =	vmul.f32 v41, v41;
	v53 =	vor.u32 $0x1, v37;
	v40 =	vadd.f32 v40, v47  }
0x263: {  	v42 =	vmul.f32 v42, v42;
	v47 =	vadd.f32 v49, v48;
	v48 =	vmul.f32 v43, v12;
	v45 =	vld.idx.msk [tilespmem:v45+s23+$0x0], $0xffff  }
0x264: {  	v49 =	vld.idx.msk [tilespmem:v51+s23+$0x0], $0xffff;
	v51 =	vor.u32 $0x2, v37;
	v40 =	vadd.f32 v41, v40;
	v41 =	vmul.f32 v43, v43  }
0x265: {  	v43 =	vadd.f32 v48, v47;
	v47 =	vmul.f32 v44, v15;
	v44 =	vmul.f32 v44, v44;
	v48 =	vld.idx.msk [tilespmem:v50+s23+$0x0], $0xffff  }
0x266: {  	v38 =	vadd.f32 v39, v38;
	v50 =	vor.u32 $0x3, v37;
	v40 =	vadd.f32 v42, v40;
	v52 =	vld.idx.msk [tilespmem:v52+s23+$0x0], $0xffff  }
0x267: {  	v39 =	vld.idx.msk [tilespmem:v53+s23+$0x0], $0xffff;
	v42 =	vadd.f32 v47, v43;
	v43 =	vmul.f32 v46, v18;
	v46 =	vmul.f32 v46, v46  }
0x268: {  	v36 =	vsel vm0, v38, v36;
	v47 =	vor.u32 $0x4, v37;
	v40 =	vadd.f32 v41, v40  }
0x269: {  	v38 =	vld.idx.msk [tilespmem:v51+s23+$0x0], $0xffff;
	v41 =	vadd.f32 v43, v42;
	v42 =	vmul.f32 v45, v19;
	v43 =	vmul.f32 v45, v45  }
0x26a: {  	v45 =	vmul.f32 v49, v49;
	v51 =	vor.u32 $0x5, v37;
	v40 =	vadd.f32 v44, v40  }
0x26b: {  	v44 =	vmul.f32 v49, v30;
	v49 =	vld.idx.msk [tilespmem:v50+s23+$0x0], $0xffff;
	v41 =	vadd.f32 v42, v41;
	v42 =	vmul.f32 v48, v20  }
0x26c: {  	v50 =	vor.u32 $0x6, v37;
	v40 =	vadd.f32 v46, v40;
	v46 =	vmul.f32 v52, v22  }
0x26d: {  	v44 =	vadd.f32 $0.0e+00, v44;
	v53 =	vmul.f32 v39, v29;
	v47 =	vld.idx.msk [tilespmem:v47+s23+$0x0], $0xffff;
	v41 =	vadd.f32 v42, v41  }
0x26e: {  	v39 =	vmul.f32 v39, v39;
	v42 =	vor.u32 $0x7, v37;
	v43 =	vadd.f32 v43, v40  }
0x26f: {  	v40 =	vadd.f32 v53, v44;
	v44 =	vmul.f32 v38, v26;
	v51 =	vld.idx.msk [tilespmem:v51+s23+$0x0], $0xffff;
	v41 =	vadd.f32 v46, v41  }
0x270: {  	v39 =	vadd.f32 v39, v45;
	v38 =	vmul.f32 v38, v38;
	v45 =	vor.u32 $0x8, v37  }
0x271: {  	v40 =	vadd.f32 v44, v40;
	v44 =	vmul.f32 v49, v24;
	v46 =	vld.idx.msk [tilespmem:v50+s23+$0x0], $0xffff;
	vm0 =	vgt.f32 v41, v35  }
0x272: {  	v38 =	vadd.f32 v38, v39;
	v39 =	vor.u32 $0x9, v37;
	v35 =	vsel vm0, v41, v35  }
0x273: {  	v41 =	vadd.f32 v44, v40;
	v44 =	vmul.f32 v49, v49;
	v49 =	vmul.f32 v47, v23;
	v40 =	vld.idx.msk [tilespmem:v42+s23+$0x0], $0xffff  }
0x274: {  	v50 =	vor.u32 $0xA, v37;
	v42 =	vmul.f32 v47, v47;
	v47 =	vmul.f32 v48, v48  }
0x275: {  	v48 =	vadd.f32 v44, v38;
	v49 =	vadd.f32 v49, v41;
	v53 =	vmul.f32 v51, v13;
	v41 =	vld.idx.msk [tilespmem:v45+s23+$0x0], $0xffff  }
.Ltmp5:
0x276: {  	v44 =	vor.u32 $0xB, v37;
	v45 =	vmul.f32 v51, v51;
	v38 =	vadd.f32 v47, v43;
	(pc) =	sbr.rel @p1 .LBB2_9-.Ltmp5, $4  }
0x277: {  	v54 =	vadd.f32 v42, v48;
	v43 =	vadd.f32 v53, v49;
	v48 =	vmul.f32 v46, v9;
	v42 =	vld.idx.msk [tilespmem:v39+s23+$0x0], $0xffff  }
0x278: {  	v47 =	vmul.f32 v46, v46;
	v46 =	vor.u32 $0xC, v37;
	v39 =	vmul.f32 v52, v52  }
0x279: {  	v51 =	vmov s29;
	v48 =	vadd.f32 v48, v43;
	v49 =	vmul.f32 v40, v10;
	v43 =	vld.idx.msk [tilespmem:v50+s23+$0x0], $0xffff  }
0x27a: {  	s29 =	sadd.s32 $0x1, s29;
	v51 =	vshll.u32 v51, $0x4;
	v50 =	vadd.f32 v45, v54;
	v45 =	vor.u32 $0xD, v37  }
0x27b: {  	_ =	sdelay $0x2  }
0x27c: {  	v51 =	vadd.s32 v2, v51;
	v2 =	vadd.f32 v49, v48;
	v58 =	vmul.f32 v41, v14  }
0x27d: {  	v44 =	vld.idx.msk [tilespmem:v44+s23+$0x0], $0xffff;
	v40 =	vmul.f32 v40, v40;
	v49 =	vor.u32 $0xE, v37;
	v37 =	vor.u32 $0xF, v37  }
0x27e: {  	v46 =	vld.idx.msk [tilespmem:v46+s23+$0x0], $0xffff;
	v60 =	vmul.f32 v41, v41;
	v38 =	vadd.f32 v39, v38;
	v47 =	vadd.f32 v47, v50  }
0x27f: {  	v57 =	vld.idx.msk [tilespmem:v45+s23+$0x0], $0xffff;
	v59 =	vmul.f32 v42, v11;
	v50 =	vor.u32 $0x1, v51;
	v62 =	vor.u32 $0x2, v51  }
0x280: {  	v63 =	vmul.f32 v42, v42;
	v53 =	vor.u32 $0xA, v51;
	v2 =	vadd.f32 v58, v2  }
0x281: {  	v28 =	vld.idx.msk [tilespmem:v28+s18+$0x0], $0xffff;
	v48 =	vor.u32 $0xE, v51;
	v40 =	vadd.f32 v40, v47;
	v61 =	vmul.f32 v43, v12  }
0x282: {  	v56 =	vmul.f32 v43, v43;
	v2 =	vadd.f32 v59, v2;
	v52 =	vld.idx.msk [tilespmem:v51+s23+$0x0], $0xffff;
	v58 =	vmul.f32 v44, v15  }
0x283: {  	v40 =	vadd.f32 v60, v40;
	v44 =	vmul.f32 v44, v44;
	v42 =	vld.idx.msk [tilespmem:v49+s23+$0x0], $0xffff;
	v60 =	vmul.f32 v46, v18  }
0x284: {  	v59 =	vor.u32 $0x3, v51;
	v46 =	vmul.f32 v46, v46;
	v55 =	vmul.f32 v57, v19  }
0x285: {  	v43 =	vmul.f32 v57, v57;
	v2 =	vadd.f32 v61, v2;
	v39 =	vld.idx.msk [tilespmem:v50+s23+$0x0], $0xffff;
	v40 =	vadd.f32 v63, v40  }
0x286: {  	v49 =	vmul.f32 v28, v23;
	v61 =	vor.u32 $0x4, v51;
	v63 =	vor.u32 $0x5, v51  }
0x287: {  	v45 =	vadd.f32 v58, v2;
	v2 =	vsel vm0, v38, v36;
	v40 =	vadd.f32 v56, v40  }
0x288: {  	v36 =	vld.idx.msk [tilespmem:v62+s23+$0x0], $0xffff;
	v56 =	vor.u32 $0x6, v51;
	v54 =	vmul.f32 v52, v30;
	v58 =	vmul.f32 v42, v20  }
0x289: {  	v37 =	vld.idx.msk [tilespmem:v37+s23+$0x0], $0xffff;
	v62 =	vadd.f32 v60, v45;
	v52 =	vmul.f32 v52, v52;
	v42 =	vmul.f32 v42, v42  }
0x28a: {  	v40 =	vadd.f32 v44, v40;
	v44 =	vld.idx.msk [tilespmem:v59+s23+$0x0], $0xffff;
	v57 =	vmul.f32 v39, v29;
	v59 =	vor.u32 $0x7, v51  }
0x28b: {  	v39 =	vmul.f32 v39, v39;
	v45 =	vadd.f32 $0.0e+00, v54;
	v38 =	vadd.f32 v55, v62  }
0x28c: {  	v41 =	vld.idx.msk [tilespmem:v63+s23+$0x0], $0xffff;
	v63 =	vor.u32 $0x9, v51;
	v55 =	vor.u32 $0xD, v51;
	v40 =	vadd.f32 v46, v40  }
0x28d: {  	v46 =	vld.idx.msk [tilespmem:v61+s23+$0x0], $0xffff;
	v60 =	vmul.f32 v36, v26;
	v61 =	vor.u32 $0x8, v51;
	v39 =	vadd.f32 v39, v52  }
0x28e: {  	v36 =	vmul.f32 v36, v36;
	v45 =	vadd.f32 v57, v45;
	v38 =	vadd.f32 v58, v38  }
0x28f: {  	v57 =	vmul.f32 v37, v22;
	v37 =	vmul.f32 v37, v37;
	v40 =	vadd.f32 v43, v40  }
0x290: {  	v43 =	vld.idx.msk [tilespmem:v56+s23+$0x0], $0xffff;
	v39 =	vadd.f32 v36, v39;
	v45 =	vadd.f32 v60, v45;
	v62 =	vmul.f32 v44, v24  }
0x291: {  	v44 =	vmul.f32 v44, v44;
	v50 =	vld.idx.msk [tilespmem:v59+s23+$0x0], $0xffff;
	v36 =	vadd.f32 v57, v38;
	v60 =	vor.u32 $0xB, v51  }
0x292: {  	v34 =	vld.idx.msk [tilespmem:v34+s18+$0x0], $0xffff;
	v58 =	vmul.f32 v41, v13;
	v45 =	vadd.f32 v62, v45;
	v56 =	vmul.f32 v46, v23  }
0x293: {  	v41 =	vmul.f32 v41, v41;
	v59 =	vmul.f32 v46, v46;
	v39 =	vadd.f32 v44, v39;
	v44 =	vld.idx.msk [tilespmem:v61+s23+$0x0], $0xffff  }
0x294: {  	v40 =	vadd.f32 v42, v40;
	v62 =	vld.idx.msk [tilespmem:v63+s23+$0x0], $0xffff;
	v63 =	vor.u32 $0xC, v51;
	v45 =	vadd.f32 v56, v45  }
0x295: {  	v54 =	vld.idx.msk [tilespmem:v53+s23+$0x0], $0xffff;
	v61 =	vmul.f32 v43, v9;
	v38 =	vadd.f32 v59, v39;
	v43 =	vmul.f32 v43, v43  }
0x296: {  	v52 =	vmul.f32 v50, v10;
	v45 =	vadd.f32 v58, v45;
	v58 =	vmul.f32 v50, v50  }
0x297: {  	v38 =	vadd.f32 v41, v38;
	v41 =	vld.idx.msk [tilespmem:v55+s23+$0x0], $0xffff;
	v55 =	vmul.f32 v34, v30;
	v34 =	vmul.f32 v34, v34  }
0x298: {  	vm15 =	vgt.f32 v36, v35;
	v57 =	vld.idx.msk [tilespmem:v60+s23+$0x0], $0xffff;
	v50 =	vmul.f32 v28, v28;
	v56 =	vmul.f32 v44, v14  }
0x299: {  	v59 =	vmul.f32 v62, v11;
	v47 =	vld.idx.msk [tilespmem:v63+s23+$0x0], $0xffff;
	v60 =	vmul.f32 v44, v44;
	v44 =	vor.u32 $0xF, v51  }
0x29a: {  	v39 =	vmul.f32 v62, v62;
	v62 =	vmul.f32 v54, v54;
	v45 =	vadd.f32 v61, v45  }
0x29b: {  	v63 =	vld.idx.msk [tilespmem:v33+s18+$0x0], $0xffff;
	v33 =	vadd.f32 v37, v40;
	v51 =	vmul.f32 v23, v23;
	v38 =	vadd.f32 v43, v38  }
0x29c: {  	v61 =	vmul.f32 v54, v12;
	v43 =	vmul.f32 v12, v12;
	v45 =	vadd.f32 v52, v45  }
0x29d: {  	v38 =	vadd.f32 v58, v38;
	v52 =	vmul.f32 v57, v15;
	v42 =	vmul.f32 v57, v57  }
0x29e: {  	v58 =	vmul.f32 v30, v30;
	v45 =	vadd.f32 v56, v45;
	v53 =	vmul.f32 v47, v18  }
0x29f: {  	v32 =	vld.idx.msk [tilespmem:v32+s18+$0x0], $0xffff;
	v38 =	vadd.f32 v60, v38;
	v40 =	vmul.f32 v47, v47;
	v56 =	vmul.f32 v41, v19  }
0x2a0: {  	v41 =	vmul.f32 v41, v41;
	v60 =	vmul.f32 v29, v29;
	v45 =	vadd.f32 v59, v45  }
0x2a1: {  	v57 =	vmul.f32 v63, v29;
	v38 =	vadd.f32 v39, v38;
	v59 =	vmul.f32 v63, v63  }
0x2a2: {  	v31 =	vld.idx.msk [tilespmem:v31+s18+$0x0], $0xffff;
	v29 =	vadd.f32 v60, v58;
	v63 =	vmul.f32 v26, v26;
	v45 =	vadd.f32 v61, v45  }
0x2a3: {  	v47 =	vld.idx.msk [tilespmem:v48+s23+$0x0], $0xffff;
	v60 =	vmul.f32 v9, v9;
	v39 =	vmul.f32 v11, v11;
	v38 =	vadd.f32 v62, v38  }
0x2a4: {  	v27 =	vld.idx.msk [tilespmem:v27+s18+$0x0], $0xffff;
	v61 =	vmul.f32 v32, v26;
	v54 =	vadd.f32 v52, v45;
	v45 =	vadd.f32 $0.0e+00, v55  }
0x2a5: {  	v34 =	vadd.f32 v59, v34;
	v32 =	vmul.f32 v32, v32;
	v26 =	vadd.f32 v63, v29  }
0x2a6: {  	v25 =	vld.idx.msk [tilespmem:v25+s18+$0x0], $0xffff;
	v63 =	vmul.f32 v10, v10;
	v38 =	vadd.f32 v42, v38;
	v45 =	vadd.f32 v57, v45  }
0x2a7: {  	v32 =	vadd.f32 v32, v34;
	v42 =	vmul.f32 v31, v24;
	v31 =	vmul.f32 v31, v31  }
0x2a8: {  	v17 =	vld.idx.msk [tilespmem:v17+s18+$0x0], $0xffff;
	v52 =	vmul.f32 v47, v20;
	v62 =	vadd.f32 v61, v45;
	v45 =	vmul.f32 v24, v24  }
0x2a9: {  	v21 =	vld.idx.msk [tilespmem:v21+s18+$0x0], $0xffff;
	v37 =	vadd.f32 v53, v54;
	v48 =	vadd.f32 v31, v32;
	v53 =	vmul.f32 v27, v13  }
0x2aa: {  	v16 =	vld.idx.msk [tilespmem:v16+s18+$0x0], $0xffff;
	v54 =	vmul.f32 v27, v27;
	v58 =	vadd.f32 v40, v38;
	v24 =	vadd.f32 v45, v26  }
0x2ab: {  	v57 =	vmul.f32 v25, v9;
	v37 =	vadd.f32 v56, v37;
	v46 =	vadd.f32 v42, v62  }
0x2ac: {  	v8 =	vld.idx.msk [tilespmem:v8+s18+$0x0], $0xffff;
	v56 =	vmul.f32 v13, v13;
	v26 =	vadd.f32 v50, v48;
	v23 =	vadd.f32 v51, v24  }
0x2ad: {  	v25 =	vmul.f32 v25, v25;
	v27 =	vmul.f32 v17, v14;
	v29 =	vadd.f32 v49, v46  }
0x2ae: {  	v5 =	vld.idx.msk [tilespmem:v5+s18+$0x0], $0xffff;
	v31 =	vmul.f32 v14, v14;
	v24 =	vadd.f32 v54, v26;
	v13 =	vadd.f32 v56, v23  }
0x2af: {  	v38 =	vmul.f32 v16, v16;
	v61 =	vmul.f32 v21, v10;
	v55 =	vadd.f32 v53, v29  }
0x2b0: {  	v21 =	vmul.f32 v21, v21;
	v24 =	vadd.f32 v25, v24;
	v9 =	vadd.f32 v60, v13  }
0x2b1: {  	v4 =	vld.idx.msk [tilespmem:v4+s18+$0x0], $0xffff;
	v40 =	vmul.f32 v8, v12;
	v8 =	vmul.f32 v8, v8;
	v59 =	vadd.f32 v57, v55  }
0x2b2: {  	v3 =	vld.idx.msk [tilespmem:v3+s18+$0x0], $0xffff;
	v29 =	vmul.f32 v17, v17;
	v21 =	vadd.f32 v21, v24;
	v9 =	vadd.f32 v63, v9  }
0x2b3: {  	v32 =	vld.idx.msk [tilespmem:v44+s23+$0x0], $0xffff;
	v44 =	vmul.f32 v5, v15;
	v41 =	vadd.f32 v41, v58;
	v25 =	vadd.f32 v61, v59  }
0x2b4: {  	v5 =	vmul.f32 v5, v5;
	v10 =	vadd.f32 v29, v21;
	v9 =	vadd.f32 v31, v9  }
0x2b5: {  	v34 =	vadd.f32 v52, v37;
	v37 =	vmul.f32 v16, v11;
	v13 =	vadd.f32 v27, v25  }
0x2b6: {  	v58 =	vmul.f32 v4, v4;
	v10 =	vadd.f32 v38, v10;
	v9 =	vadd.f32 v39, v9  }
0x2b7: {  	v6 =	vld.idx.msk [tilespmem:v6+s18+$0x0], $0xffff;
	v4 =	vmul.f32 v4, v22;
	v48 =	vmul.f32 v3, v3;
	v13 =	vadd.f32 v37, v13  }
0x2b8: {  	v7 =	vld.idx.msk [tilespmem:v7+s18+$0x0], $0xffff;
	v46 =	vmul.f32 v15, v15;
	v8 =	vadd.f32 v8, v10;
	v9 =	vadd.f32 v43, v9  }
0x2b9: {  	v3 =	vmul.f32 v3, v18;
	v50 =	vmul.f32 v47, v47;
	v42 =	vadd.f32 v40, v13  }
0x2ba: {  	v49 =	vmul.f32 v18, v18;
	v5 =	vadd.f32 v5, v8;
	v9 =	vadd.f32 v46, v9  }
0x2bb: {  	v52 =	vmul.f32 v19, v19;
	v62 =	vmul.f32 v32, v22;
	v10 =	vadd.f32 v44, v42  }
0x2bc: {  	v51 =	vmul.f32 v6, v6;
	v5 =	vadd.f32 v48, v5;
	v9 =	vadd.f32 v49, v9  }
0x2bd: {  	v6 =	vmul.f32 v6, v19;
	v53 =	vmul.f32 v7, v7;
	v3 =	vadd.f32 v3, v10  }
0x2be: {  	v55 =	vmul.f32 v20, v20;
	v5 =	vadd.f32 v51, v5;
	v9 =	vadd.f32 v52, v9  }
0x2bf: {  	v54 =	vadd.f32 v50, v41;
	v56 =	vmul.f32 v7, v20;
	v3 =	vadd.f32 v6, v3  }
0x2c0: {  	v59 =	vmul.f32 v22, v22;
	v5 =	vadd.f32 v53, v5;
	v57 =	vadd.f32 v55, v9  }
0x2c1: {  	v45 =	vadd.f32 v62, v34;
	v60 =	vmul.f32 v32, v32;
	v3 =	vadd.f32 v56, v3  }
0x2c2: {  	v61 =	vsel vm15, v36, v35;
	v5 =	vadd.f32 v58, v5;
	v7 =	vadd.f32 v59, v57  }
0x2c3: {  	v62 =	vadd.f32 v60, v54;
	vm1 =	vgt.f32 v45, v61;
	v3 =	vadd.f32 v4, v3  }
.Ltmp6:
0x2c4: {  	v2 =	vsel vm15, v33, v2;
	v63 =	vsel vm1, v45, v61;
	v5 =	vadd.f32 v5, v7;
	(pc) =	sbr.rel @p0 .LBB2_12-.Ltmp6, $4  }
0x2c5: {  	v2 =	vsel vm1, v62, v2;
	v3 =	vsub.f32 v3, v63  }
0x2c6: {  	v2 =	vadd.f32 v5, v2  }
0x2c7: {  	[tilespmem:s1+$0x11880] =	vst v3  }
0x2c8: {  	[tilespmem:s1+$0x11A80] =	vst v2  }
0x2c9: {  	s1 =	smul.u32 $0xC80, s0;
	_ =	sdelay $0x1  }
0x2ca: {  	s1 =	sadd.s32 s1, s11  }
0x2cb: {  	s1 =	sshrl.u32 s1, $0x3  }
0x2cc: {  	s1 =	sadd.s32 s3, s1  }
0x2cd: {  	[tilespmem:s22], [sflag:$0x5] =	stream.linear.gather [hbm4b:s1+s2], $0x640, $0x38;
	[tilespmem:$0x11C80] =	vst v63  }
.Ltmp7:
0x2ce: {  	_ = 	snop;
	(pc) =	sbr.rel .LBB2_2-.Ltmp7, $4  }
0x2cf: {  	_ =	swait.ge [sflag:s15], $0x640  }
0x2d0: {  	[sflag:s15] =	ssyncset.done $0x0  }
0x2d1: {  	s0 =	sadd.s32 $0x1, s0;
	[sflag:s15] =	ssyncadd.s32 $0xFFFFF9C0  }
0x2d2: {  	[tilespmem:s23], [sflag:$0x4] =	stream.indirect.gather [hbm4b:s5+s20], $0x10, s22, s20, $0xb8;
	[tilespmem:$0x11C80] =	vst v63  }
.LBB2_13:
0x2d3: {  	_ =	sfence.sel $0x180000  }
0x2d4: {  	[bflag:$0x0] =	sbarrier.arrive $0xFFFF  }
0x2d5: {  	_ =	strace $0x90000047  }
0x2d6: {  	s0 =	stileid.u32;
	[bflag:$0x2] =	sbarrier.arrive $0xFFFF  }
0x2d7: {  	p0 =	sne.s32 s0, $0x0;
	s0 =	rddreg [dreg:$0x3]  }
0x2d8: {  	s0 =	sadd.s32 @!p0 $0x100000, s0  }
0x2d9: {  	[sflag:s0] =	ssyncadd.tile.s32 @!p0 $0x1;
	_ =	shalt  }
.Lfunc_end2:
_tile_overlayer_lowered:
.L_overlay_start_2:
0x2da: {  	(tag) =	ssettag $0x2  }
0x2db: {  	s0 =	rddreg [dreg:$0x0];
	s2 =	stileid.u32  }
0x2dc: {  	s1 =	rddreg [dreg:$0x1];
	p0 =	sne.s32 s2, $0x0  }
0x2dd: {  	s3 =	rddreg [dreg:$0x2];
	[bflag:$0x3] =	sbarrier.arrive $0xFFFF;
	s2 =	simm.s32 @!p0 $0x1C05  }
0x2de: {  	[timem:s3], [sflag:s2] =	dma.local @!p0 [hbm:s0], s1  }
0x2df: {  	s0 =	simm.s32 @!p0 $0x5  }
0x2e0: {  	_ =	swait.ge @!p0 [sflag:s0], s1  }
0x2e1: {  	s1 =	ssub.s32 @!p0 $0x0, s1;
	[sflag:s0] =	ssyncset.done @!p0 $0x0  }
0x2e2: {  	[sflag:s0] =	ssyncadd.s32 @!p0 s1  }
0x2e3: {  	[bflag:$0x3] =	sbarrier.arrive $0xFFFF  }
0x2e4: {  	_ =	shalt  }

</sc_bundles>
